<compile_context>
chip_gen: v7x
topology: tpu7x:2x2x1
jax: 0.10.2.dev20260603
libtpu: 0.0.44.dev20260713+nightly
codegen_flags: <defaults>
</compile_context>

<pallas_src>
import functools

import jax
import jax.numpy as jnp
from jax import lax
from jax.experimental import pallas as pl
from jax.experimental.pallas import tpu as pltpu
from jax.experimental.pallas import tpu_sc as plsc

N = 10000
E = 320000
D_NODE = 128
D_EDGE = 16
HIDDEN = 64

NC = 2
NS = 16
SW = 128
GW = 2
PW = 4

_f32 = jnp.float32


def _sds(shape, dtype=_f32):
    return jax.ShapeDtypeStruct(shape, dtype)


def _tc_pre(x, W_msg, w1):
    def k(x_ref, wm_ref, w1_ref, xa_ref, xb_ref):
        w1a = w1_ref[0:D_NODE, :]
        w1b = w1_ref[D_NODE:2 * D_NODE, :]
        w1c = w1_ref[2 * D_NODE:2 * D_NODE + D_EDGE, :]
        A = w1a + jnp.dot(wm_ref[...], w1c, preferred_element_type=_f32)
        xa_ref[...] = jnp.dot(x_ref[...], A, preferred_element_type=_f32)
        xb_ref[...] = jnp.dot(x_ref[...], w1b, preferred_element_type=_f32)

    return pl.pallas_call(
        k,
        out_shape=(_sds((N, HIDDEN)), _sds((N, HIDDEN))),
    )(x, W_msg, w1)


def _sc_gather(xa, xb, src2d, dst2d, zeros_nk, ones_wk):
    mesh = plsc.VectorSubcoreMesh(core_axis_name="c", subcore_axis_name="s")
    ROWS = N // NS

    @functools.partial(
        pl.kernel,
        mesh=mesh,
        out_type=(_sds((E, HIDDEN)), _sds((E, HIDDEN)),
                  _sds((NC * N, D_EDGE))),
        scratch_types=[
            pltpu.VMEM((SW, D_EDGE), _f32),
            pltpu.VMEM_SHARED((N, D_EDGE), _f32),
            pltpu.SemaphoreType.DMA,
            pltpu.SemaphoreType.DMA,
        ],
        compiler_params=pltpu.CompilerParams(use_tc_tiling_on_sc=False),
    )
    def k(xa_hbm, xb_hbm, src_hbm, dst_hbm, z_hbm, ones_hbm,
          g1_hbm, g2_hbm, cnt_hbm, ones_v, cnt_sh, sem1, sem2):
        cid = lax.axis_index("c")
        sid = lax.axis_index("s")
        r0 = sid * ROWS
        pltpu.sync_copy(z_hbm.at[pl.ds(r0, ROWS)], cnt_sh.at[pl.ds(r0, ROWS)])
        pltpu.sync_copy(ones_hbm, ones_v)
        plsc.subcore_barrier()

        def body(isrc_v, idst_v, o1_v, o2_v):
            cps = []
            for j in range(GW):
                blk = pl.ds(j * SW, SW)
                cps.append(pltpu.async_copy(
                    xa_hbm.at[isrc_v.at[j]], o1_v.at[blk], sem1))
                cps.append(pltpu.async_copy(
                    xb_hbm.at[idst_v.at[j]], o2_v.at[blk], sem2))
            for j in range(GW):
                pltpu.sync_copy(ones_v, cnt_sh.at[idst_v.at[j]], add=True)
            for cp in cps:
                cp.wait()

        pltpu.emit_pipeline(
            body,
            grid=(E // (GW * SW),),
            in_specs=[
                pl.BlockSpec((GW, SW), lambda i: (i, 0)),
                pl.BlockSpec((GW, SW), lambda i: (i, 0)),
            ],
            out_specs=[
                pl.BlockSpec((GW * SW, HIDDEN), lambda i: (i, 0)),
                pl.BlockSpec((GW * SW, HIDDEN), lambda i: (i, 0)),
            ],
            core_axis_name=("c", "s"),
            dimension_semantics=(pltpu.PARALLEL,),
        )(src_hbm, dst_hbm, g1_hbm, g2_hbm)

        plsc.subcore_barrier()
        off = cid * N + r0
        pltpu.sync_copy(cnt_sh.at[pl.ds(r0, ROWS)], cnt_hbm.at[pl.ds(off, ROWS)])

    return k(xa, xb, src2d, dst2d, zeros_nk, ones_wk)


def _tc_edge(g1, g2, e, w1c, b1r, w2, b2r):
    BE = 8000

    def k(g1_ref, g2_ref, e_ref, wc_ref, b1_ref, w2_ref, b2_ref, o_ref):
        pre = (g1_ref[...] + g2_ref[...]
               + jnp.dot(e_ref[...], wc_ref[...], preferred_element_type=_f32)
               + b1_ref[...])
        h = jnp.maximum(pre, 0.0)
        o_ref[...] = e_ref[...] + jnp.dot(h, w2_ref[...],
                                          preferred_element_type=_f32) + b2_ref[...]

    return pl.pallas_call(
        k,
        grid=(E // BE,),
        in_specs=[
            pl.BlockSpec((BE, HIDDEN), lambda i: (i, 0)),
            pl.BlockSpec((BE, HIDDEN), lambda i: (i, 0)),
            pl.BlockSpec((BE, D_EDGE), lambda i: (i, 0)),
            pl.BlockSpec((D_EDGE, HIDDEN), lambda i: (0, 0)),
            pl.BlockSpec((1, HIDDEN), lambda i: (0, 0)),
            pl.BlockSpec((HIDDEN, D_EDGE), lambda i: (0, 0)),
            pl.BlockSpec((1, D_EDGE), lambda i: (0, 0)),
        ],
        out_specs=pl.BlockSpec((BE, D_EDGE), lambda i: (i, 0)),
        out_shape=_sds((E, D_EDGE)),
    )(g1, g2, e, w1c, b1r, w2, b2r)


def _sc_scatter(e_new, dst2d, zeros_nk):
    mesh = plsc.VectorSubcoreMesh(core_axis_name="c", subcore_axis_name="s")
    ROWS = N // NS

    @functools.partial(
        pl.kernel,
        mesh=mesh,
        out_type=_sds((NC * N, D_EDGE)),
        scratch_types=[
            pltpu.VMEM_SHARED((N, D_EDGE), _f32),
        ],
        compiler_params=pltpu.CompilerParams(use_tc_tiling_on_sc=False),
    )
    def k(enew_hbm, dst_hbm, z_hbm, sums_hbm, sums_sh):
        cid = lax.axis_index("c")
        sid = lax.axis_index("s")
        r0 = sid * ROWS
        pltpu.sync_copy(z_hbm.at[pl.ds(r0, ROWS)], sums_sh.at[pl.ds(r0, ROWS)])
        plsc.subcore_barrier()

        def body(e_v, i_v):
            for j in range(PW):
                pltpu.sync_copy(e_v.at[pl.ds(j * SW, SW)],
                                sums_sh.at[i_v.at[j]], add=True)

        pltpu.emit_pipeline(
            body,
            grid=(E // (PW * SW),),
            in_specs=[
                pl.BlockSpec((PW * SW, D_EDGE), lambda i: (i, 0)),
                pl.BlockSpec((PW, SW), lambda i: (i, 0)),
            ],
            out_specs=[],
            core_axis_name=("c", "s"),
            dimension_semantics=(pltpu.PARALLEL,),
        )(enew_hbm, dst_hbm)

        plsc.subcore_barrier()
        off = cid * N + r0
        pltpu.sync_copy(sums_sh.at[pl.ds(r0, ROWS)], sums_hbm.at[pl.ds(off, ROWS)])

    return k(e_new, dst2d, zeros_nk)


def _tc_node(x, sums_p, cnt_p, v1a, v1b, vb1r, v2, vb2r):
    def k(x_ref, s_ref, c_ref, v1a_ref, v1b_ref, vb1_ref, v2_ref, vb2_ref,
          o_ref):
        s = s_ref[0:N, :] + s_ref[N:2 * N, :]
        cnt = c_ref[0:N, 0:1] + c_ref[N:2 * N, 0:1]
        m = s / jnp.maximum(cnt, 1.0)
        pre = (jnp.dot(x_ref[...], v1a_ref[...], preferred_element_type=_f32)
               + jnp.dot(m, v1b_ref[...], preferred_element_type=_f32)
               + vb1_ref[...])
        hv = jnp.maximum(pre, 0.0)
        o_ref[...] = x_ref[...] + jnp.dot(hv, v2_ref[...],
                                          preferred_element_type=_f32) + vb2_ref[...]

    return pl.pallas_call(
        k,
        out_shape=_sds((N, D_NODE)),
    )(x, sums_p, cnt_p, v1a, v1b, vb1r, v2, vb2r)


def kernel(x, edge_index, e, W_msg, w1, b1, w2, b2, v1, vb1, v2, vb2):
    src2d = edge_index[0].astype(jnp.int32).reshape(E // SW, SW)
    dst2d = edge_index[1].astype(jnp.int32).reshape(E // SW, SW)
    zeros_nk = jnp.zeros((N, D_EDGE), _f32)
    ones_wk = jnp.ones((SW, D_EDGE), _f32)

    xa, xb = _tc_pre(x, W_msg, w1)
    g1, g2, cnt_p = _sc_gather(xa, xb, src2d, dst2d, zeros_nk, ones_wk)

    w1c = w1[2 * D_NODE:2 * D_NODE + D_EDGE, :]
    e_new = _tc_edge(g1, g2, e, w1c, b1.reshape(1, HIDDEN), w2,
                     b2.reshape(1, D_EDGE))

    sums_p = _sc_scatter(e_new, dst2d, zeros_nk)

    x_new = _tc_node(x, sums_p, cnt_p, v1[0:D_NODE, :],
                     v1[D_NODE:D_NODE + D_EDGE, :],
                     vb1.reshape(1, HIDDEN), v2, vb2.reshape(1, D_NODE))
    return (x_new, e_new)

# --- scband reference (transcript-rebuilt; emitter-appended) ---
"""Pipeline reference for scband-edge-update-block-60120952209605 (READ-ONLY COPY).

The authoritative reference and input builder live on the scoring server;
editing this copy changes nothing except your own understanding.
"""

import jax, jax.numpy as jnp
import numpy as np

D_NODE = 128
D_EDGE = 16
HIDDEN = 64
N = 10000
E = 320000

def setup_inputs(seed: int = 0) -> dict:
    key = jax.random.key(seed)
    ks = jax.random.split(key, 16)
    x = jax.random.normal(ks[0], (N, D_NODE), dtype=jnp.float32)
    edge_index = jax.random.randint(ks[1], (2, E), 0, N, dtype=jnp.int64)
    e = jax.random.normal(ks[2], (E, D_EDGE), dtype=jnp.float32)
    # msg_src: Linear(d_node -> d_edge, bias=False)
    W_msg = jax.random.normal(ks[3], (D_NODE, D_EDGE), dtype=jnp.float32) * (1.0 / np.sqrt(D_NODE))
    # phi_e: Linear(d_edge + 2*d_node -> hidden), ReLU, Linear(hidden -> d_edge)
    in_e = D_EDGE + 2 * D_NODE
    w1 = jax.random.normal(ks[4], (in_e, HIDDEN), dtype=jnp.float32) * (1.0 / np.sqrt(in_e))
    b1 = jnp.zeros((HIDDEN,), dtype=jnp.float32)
    w2 = jax.random.normal(ks[5], (HIDDEN, D_EDGE), dtype=jnp.float32) * (1.0 / np.sqrt(HIDDEN))
    b2 = jnp.zeros((D_EDGE,), dtype=jnp.float32)
    # phi_v: Linear(d_node + d_edge -> hidden), ReLU, Linear(hidden -> d_node)
    in_v = D_NODE + D_EDGE
    v1 = jax.random.normal(ks[6], (in_v, HIDDEN), dtype=jnp.float32) * (1.0 / np.sqrt(in_v))
    vb1 = jnp.zeros((HIDDEN,), dtype=jnp.float32)
    v2 = jax.random.normal(ks[7], (HIDDEN, D_NODE), dtype=jnp.float32) * (1.0 / np.sqrt(HIDDEN))
    vb2 = jnp.zeros((D_NODE,), dtype=jnp.float32)
    return {"x": x, "edge_index": edge_index, "e": e, "W_msg": W_msg,
            "w1": w1, "b1": b1, "w2": w2, "b2": b2,
            "v1": v1, "vb1": vb1, "v2": v2, "vb2": vb2}

def reference(x, edge_index, e, W_msg, w1, b1, w2, b2, v1, vb1, v2, vb2):
    src = edge_index[0]
    dst = edge_index[1]
    x_src = jnp.take(x, src, axis=0)          # gather [E, d_node]
    x_dst = jnp.take(x, dst, axis=0)          # gather [E, d_node]
    m = x_src @ W_msg                          # [E, d_edge]
    e_input = jnp.concatenate([x_src, x_dst, e + m], axis=-1)
    h = jax.nn.relu(e_input @ w1 + b1)
    e_new = e + (h @ w2 + b2)                  # [E, d_edge]
    # scatter_mean over dst
    sums = jax.ops.segment_sum(e_new, dst, num_segments=x.shape[0])
    counts = jax.ops.segment_sum(jnp.ones((e_new.shape[0],), dtype=e_new.dtype), dst, num_segments=x.shape[0])
    denom = jnp.where(counts > 0, counts, 1.0)
    m_dst = sums / denom[:, None]
    v_input = jnp.concatenate([x, m_dst], axis=-1)
    hv = jax.nn.relu(v_input @ v1 + vb1)
    x_new = x + (hv @ v2 + vb2)
    return (x_new, e_new)

if __name__ == "__main__":
    import jax
    _d = setup_inputs()
    print(jax.jit(kernel)(*tuple(_d.values())))

</pallas_src>

<mosaic_0001>
#map = affine_map<(d0, d1) -> (0, 0)>
module attributes {stable_mosaic.version = 14 : i64} {
  func.func @k(%arg0: i32, %arg1: i32, %arg2: memref<10000x64xf32, #tpu.memory_space<hbm>>, %arg3: memref<10000x64xf32, #tpu.memory_space<hbm>>, %arg4: memref<2500x128xi32, #tpu.memory_space<hbm>>, %arg5: memref<2500x128xi32, #tpu.memory_space<hbm>>, %arg6: memref<10000x16xf32, #tpu.memory_space<hbm>>, %arg7: memref<128x16xf32, #tpu.memory_space<hbm>>, %arg8: memref<320000x64xf32, #tpu.memory_space<hbm>>, %arg9: memref<320000x64xf32, #tpu.memory_space<hbm>>, %arg10: memref<20000x16xf32, #tpu.memory_space<hbm>>, %arg11: memref<128x16xf32, #tpu.memory_space<vmem>>, %arg12: memref<10000x16xf32, #tpu.memory_space<vmem_shared>>, %arg13: memref<!tpu.dma_semaphore, #tpu.memory_space<semaphore_mem>>, %arg14: memref<!tpu.dma_semaphore, #tpu.memory_space<semaphore_mem>>) attributes {dimension_semantics = [#tpu.dimension_semantics<core_parallel>, #tpu.dimension_semantics<subcore_parallel>], iteration_bounds = array<i64: 2, 16>, scalar_prefetch = 0 : i64, scratch_operands = 4 : i64, tpu.core_type = #tpu.core_type<sc_vector_subcore>, window_params = [{transform_indices = #map}, {transform_indices = #map}, {transform_indices = #map}, {transform_indices = #map}, {transform_indices = #map}, {transform_indices = #map}, {transform_indices = #map}, {transform_indices = #map}, {transform_indices = #map}]} {
    %mul3A = arith.constant 625 : i32
    %mul3A_0 = arith.muli %arg1, %mul3A : i32
    "tpu.region"() ({
      %run_scoped3A = tpu.sem_alloc : memref<!tpu.dma_semaphore, #tpu.memory_space<semaphore_mem>>
      %dma_start3A = arith.constant 0 : i32
      %dma_start3A_23 = tpu.memref_slice %arg12[%mul3A_0, %dma_start3A] : memref<10000x16xf32, #tpu.memory_space<vmem_shared>> -> memref<625x16xf32, #tpu.memory_space<vmem_shared>>
      %dma_start3A_24 = arith.constant 0 : i32
      %dma_start3A_25 = tpu.memref_slice %arg6[%mul3A_0, %dma_start3A_24] : memref<10000x16xf32, #tpu.memory_space<hbm>> -> memref<625x16xf32, #tpu.memory_space<hbm>>
      tpu.enqueue_dma source(%dma_start3A_25 : memref<625x16xf32, #tpu.memory_space<hbm>>) target(%dma_start3A_23 : memref<625x16xf32, #tpu.memory_space<vmem_shared>>) target_semaphore(%run_scoped3A : memref<!tpu.dma_semaphore, #tpu.memory_space<semaphore_mem>>)
      %dma_wait3A = arith.constant 0 : i32
      %dma_wait3A_26 = tpu.memref_slice %arg12[%mul3A_0, %dma_wait3A] : memref<10000x16xf32, #tpu.memory_space<vmem_shared>> -> memref<625x16xf32, #tpu.memory_space<vmem_shared>>
      %dma_wait3A_27 = arith.constant 0 : i32
      %dma_wait3A_28 = tpu.memref_slice %arg6[%mul3A_0, %dma_wait3A_27] : memref<10000x16xf32, #tpu.memory_space<hbm>> -> memref<625x16xf32, #tpu.memory_space<hbm>>
      tpu.wait_dma2 semaphore(%run_scoped3A : memref<!tpu.dma_semaphore, #tpu.memory_space<semaphore_mem>>) src(%dma_wait3A_28 : memref<625x16xf32, #tpu.memory_space<hbm>>) dst(%dma_wait3A_26 : memref<625x16xf32, #tpu.memory_space<vmem_shared>>)
      tpu.yield
    }) : () -> ()
    "tpu.region"() ({
      %run_scoped3A = tpu.sem_alloc : memref<!tpu.dma_semaphore, #tpu.memory_space<semaphore_mem>>
      tpu.enqueue_dma source(%arg7 : memref<128x16xf32, #tpu.memory_space<hbm>>) target(%arg11 : memref<128x16xf32, #tpu.memory_space<vmem>>) target_semaphore(%run_scoped3A : memref<!tpu.dma_semaphore, #tpu.memory_space<semaphore_mem>>)
      tpu.wait_dma2 semaphore(%run_scoped3A : memref<!tpu.dma_semaphore, #tpu.memory_space<semaphore_mem>>) src(%arg7 : memref<128x16xf32, #tpu.memory_space<hbm>>) dst(%arg11 : memref<128x16xf32, #tpu.memory_space<vmem>>)
      tpu.yield
    }) : () -> ()
    %barrier3A = arith.constant 0 : index
    tpu.barrier barrier_id(%barrier3A)
    %mul3A_1 = arith.constant 1 : i32
    %mul3A_2 = arith.muli %arg1, %mul3A_1 : i32
    %add3A = arith.constant 0 : i32
    %add3A_3 = arith.addi %add3A, %mul3A_2 : i32
    %mul3A_4 = arith.constant 16 : i32
    %mul3A_5 = arith.muli %arg0, %mul3A_4 : i32
    %add3A_6 = arith.addi %add3A_3, %mul3A_5 : i32
    %lt3A = arith.constant 2 : i32
    %lt3A_7 = arith.cmpi slt, %add3A_6, %lt3A : i32
    %jit3A = arith.constant 40 : i32
    %jit3A_8 = arith.constant 39 : i32
    %select_n3A = arith.select %lt3A_7, %jit3A, %jit3A_8 : i32
    %lt3A_9 = arith.constant 2 : i32
    %lt3A_10 = arith.cmpi slt, %add3A_6, %lt3A_9 : i32
    %mul3A_11 = arith.muli %add3A_6, %select_n3A : i32
    %mul3A_12 = arith.constant 39 : i32
    %mul3A_13 = arith.muli %add3A_6, %mul3A_12 : i32
    %add3A_14 = arith.constant 2 : i32
    %add3A_15 = arith.addi %mul3A_13, %add3A_14 : i32
    %select_n3A_16 = arith.select %lt3A_10, %mul3A_11, %add3A_15 : i32
    %mul3A_17 = arith.constant 1 : i32
    %mul3A_18 = arith.muli %mul3A_17, %select_n3A : i32
    "tpu.region"() ({
      %run_scoped3A = memref.alloca() : memref<2x2x128xi32, #tpu.memory_space<vmem>>
      %run_scoped3A_23 = tpu.sem_alloc : memref<2x!tpu.dma_semaphore, #tpu.memory_space<semaphore_mem>>
      %run_scoped3A_24 = memref.alloca() : memref<2x2x128xi32, #tpu.memory_space<vmem>>
      %run_scoped3A_25 = tpu.sem_alloc : memref<2x!tpu.dma_semaphore, #tpu.memory_space<semaphore_mem>>
      %run_scoped3A_26 = memref.alloca() : memref<2x256x64xf32, #tpu.memory_space<vmem>>
      %run_scoped3A_27 = tpu.sem_alloc : memref<2x!tpu.dma_semaphore, #tpu.memory_space<semaphore_mem>>
      %run_scoped3A_28 = memref.alloca() : memref<2x256x64xf32, #tpu.memory_space<vmem>>
      %run_scoped3A_29 = tpu.sem_alloc : memref<2x!tpu.dma_semaphore, #tpu.memory_space<semaphore_mem>>
      %gt3A = arith.constant 0 : i32
      %gt3A_30 = arith.cmpi sgt, %mul3A_18, %gt3A : i32
      %convert_element_type3A = arith.extui %gt3A_30 : i1 to i32
      %cond3A = arith.constant 0 : i32
      %cond3A_31 = arith.cmpi ne, %convert_element_type3A, %cond3A : i32
      scf.if %cond3A_31 {
        %mul3A_32 = arith.constant 1 : i32
        %mul3A_33 = arith.muli %mul3A_32, %select_n3A : i32
        %sub3A = arith.constant 1 : i32
        %sub3A_34 = arith.subi %mul3A_33, %sub3A : i32
        %eq3A = arith.constant 0 : i32
        %eq3A_35 = arith.cmpi eq, %sub3A_34, %eq3A : i32
        %add3A_36 = arith.constant 0 : i32
        %add3A_37 = arith.addi %add3A_36, %select_n3A_16 : i32
        %select_n3A_38 = arith.constant true
        %select_n3A_39 = arith.constant 0 : i32
        %select_n3A_40 = arith.constant -1 : i32
        %select_n3A_41 = arith.select %select_n3A_38, %select_n3A_40, %select_n3A_39 : i32
        %eq3A_42 = arith.constant -1 : i32
        %eq3A_43 = arith.cmpi eq, %select_n3A_41, %eq3A_42 : i32
        %sub3A_44 = arith.constant 1 : i32
        %sub3A_45 = arith.subi %select_n3A, %sub3A_44 : i32
        %select_n3A_46 = arith.select %eq3A_43, %sub3A_45, %select_n3A_41 : i32
        %add3A_47 = arith.addi %select_n3A_46, %select_n3A_16 : i32
        %select_n3A_48 = arith.constant true
        %select_n3A_49 = arith.constant 0 : i32
        %select_n3A_50 = arith.constant 1 : i32
        %select_n3A_51 = arith.select %select_n3A_48, %select_n3A_50, %select_n3A_49 : i32
        %eq3A_52 = arith.cmpi eq, %select_n3A_51, %select_n3A : i32
        %select_n3A_53 = arith.constant 0 : i32
        %select_n3A_54 = arith.select %eq3A_52, %select_n3A_53, %select_n3A_51 : i32
        %add3A_55 = arith.addi %select_n3A_54, %select_n3A_16 : i32
        %add3A_56 = arith.constant 1 : i32
        %add3A_57 = arith.addi %select_n3A_54, %add3A_56 : i32
        %select_n3A_58 = arith.constant true
        %select_n3A_59 = arith.select %select_n3A_58, %add3A_57, %select_n3A_54 : i32
        %eq3A_60 = arith.cmpi eq, %select_n3A_59, %select_n3A : i32
        %select_n3A_61 = arith.constant 0 : i32
        %select_n3A_62 = arith.select %eq3A_60, %select_n3A_61, %select_n3A_59 : i32
        %add3A_63 = arith.addi %select_n3A_62, %select_n3A_16 : i32
        "tpu.trace_start"() <{level = 10 : i32, message = "ep_initialize_0"}> : () -> ()
        %rem3A = arith.constant 0 : i32
        %rem3A_64 = arith.constant 2 : i32
        %rem3A_65 = arith.remui %rem3A, %rem3A_64 : i32
        %mul3A_66 = arith.constant 2 : i32
        %mul3A_67 = arith.muli %mul3A_66, %add3A_37 : i32
        %dma_start3A = arith.constant 0 : i32
        %dma_start3A_68 = arith.constant 0 : i32
        %dma_start3A_69 = tpu.memref_slice %run_scoped3A[%rem3A_65, %dma_start3A, %dma_start3A_68] : memref<2x2x128xi32, #tpu.memory_space<vmem>> -> memref<1x2x128xi32, #tpu.memory_space<vmem>>
        %dma_start3A_70 = tpu.memref_squeeze %dma_start3A_69 : memref<1x2x128xi32, #tpu.memory_space<vmem>> -> memref<2x128xi32, #tpu.memory_space<vmem>>
        %dma_start3A_71 = arith.constant 0 : i32
        %dma_start3A_72 = tpu.memref_slice %arg4[%mul3A_67, %dma_start3A_71] : memref<2500x128xi32, #tpu.memory_space<hbm>> -> memref<2x128xi32, #tpu.memory_space<hbm>>
        %dma_start3A_73 = tpu.memref_slice %run_scoped3A_23[%rem3A_65] : memref<2x!tpu.dma_semaphore, #tpu.memory_space<semaphore_mem>> -> memref<1x!tpu.dma_semaphore, #tpu.memory_space<semaphore_mem>>
        %dma_start3A_74 = tpu.memref_squeeze %dma_start3A_73 : memref<1x!tpu.dma_semaphore, #tpu.memory_space<semaphore_mem>> -> memref<!tpu.dma_semaphore, #tpu.memory_space<semaphore_mem>>
        %dma_start3A_75 = arith.constant 0 : i32
        %dma_start3A_76 = arith.constant 0 : i32
        %dma_start3A_77 = tpu.memref_slice %run_scoped3A[%rem3A_65, %dma_start3A_75, %dma_start3A_76] : memref<2x2x128xi32, #tpu.memory_space<vmem>> -> memref<1x2x128xi32, #tpu.memory_space<vmem>>
        %dma_start3A_78 = tpu.memref_squeeze %dma_start3A_77 : memref<1x2x128xi32, #tpu.memory_space<vmem>> -> memref<2x128xi32, #tpu.memory_space<vmem>>
        %dma_start3A_79 = arith.constant 0 : i32
        %dma_start3A_80 = tpu.memref_slice %arg4[%mul3A_67, %dma_start3A_79] : memref<2500x128xi32, #tpu.memory_space<hbm>> -> memref<2x128xi32, #tpu.memory_space<hbm>>
        tpu.enqueue_dma source(%dma_start3A_80 : memref<2x128xi32, #tpu.memory_space<hbm>>) target(%dma_start3A_78 : memref<2x128xi32, #tpu.memory_space<vmem>>) target_semaphore(%dma_start3A_74 : memref<!tpu.dma_semaphore, #tpu.memory_space<semaphore_mem>>)
        %add3A_81 = arith.constant 0 : i32
        %add3A_82 = arith.constant 1 : i32
        %add3A_83 = arith.addi %add3A_81, %add3A_82 : i32
        %select_n3A_84 = arith.constant true
        %select_n3A_85 = arith.constant 0 : i32
        %select_n3A_86 = arith.select %select_n3A_84, %add3A_83, %select_n3A_85 : i32
        %rem3A_87 = arith.constant 0 : i32
        %rem3A_88 = arith.constant 2 : i32
        %rem3A_89 = arith.remui %rem3A_87, %rem3A_88 : i32
        %mul3A_90 = arith.constant 2 : i32
        %mul3A_91 = arith.muli %mul3A_90, %add3A_37 : i32
        %dma_start3A_92 = arith.constant 0 : i32
        %dma_start3A_93 = arith.constant 0 : i32
        %dma_start3A_94 = tpu.memref_slice %run_scoped3A_24[%rem3A_89, %dma_start3A_92, %dma_start3A_93] : memref<2x2x128xi32, #tpu.memory_space<vmem>> -> memref<1x2x128xi32, #tpu.memory_space<vmem>>
        %dma_start3A_95 = tpu.memref_squeeze %dma_start3A_94 : memref<1x2x128xi32, #tpu.memory_space<vmem>> -> memref<2x128xi32, #tpu.memory_space<vmem>>
        %dma_start3A_96 = arith.constant 0 : i32
        %dma_start3A_97 = tpu.memref_slice %arg5[%mul3A_91, %dma_start3A_96] : memref<2500x128xi32, #tpu.memory_space<hbm>> -> memref<2x128xi32, #tpu.memory_space<hbm>>
        %dma_start3A_98 = tpu.memref_slice %run_scoped3A_25[%rem3A_89] : memref<2x!tpu.dma_semaphore, #tpu.memory_space<semaphore_mem>> -> memref<1x!tpu.dma_semaphore, #tpu.memory_space<semaphore_mem>>
        %dma_start3A_99 = tpu.memref_squeeze %dma_start3A_98 : memref<1x!tpu.dma_semaphore, #tpu.memory_space<semaphore_mem>> -> memref<!tpu.dma_semaphore, #tpu.memory_space<semaphore_mem>>
        %dma_start3A_100 = arith.constant 0 : i32
        %dma_start3A_101 = arith.constant 0 : i32
        %dma_start3A_102 = tpu.memref_slice %run_scoped3A_24[%rem3A_89, %dma_start3A_100, %dma_start3A_101] : memref<2x2x128xi32, #tpu.memory_space<vmem>> -> memref<1x2x128xi32, #tpu.memory_space<vmem>>
        %dma_start3A_103 = tpu.memref_squeeze %dma_start3A_102 : memref<1x2x128xi32, #tpu.memory_space<vmem>> -> memref<2x128xi32, #tpu.memory_space<vmem>>
        %dma_start3A_104 = arith.constant 0 : i32
        %dma_start3A_105 = tpu.memref_slice %arg5[%mul3A_91, %dma_start3A_104] : memref<2500x128xi32, #tpu.memory_space<hbm>> -> memref<2x128xi32, #tpu.memory_space<hbm>>
        tpu.enqueue_dma source(%dma_start3A_105 : memref<2x128xi32, #tpu.memory_space<hbm>>) target(%dma_start3A_103 : memref<2x128xi32, #tpu.memory_space<vmem>>) target_semaphore(%dma_start3A_99 : memref<!tpu.dma_semaphore, #tpu.memory_space<semaphore_mem>>)
        %add3A_106 = arith.constant 0 : i32
        %add3A_107 = arith.constant 1 : i32
        %add3A_108 = arith.addi %add3A_106, %add3A_107 : i32
        %select_n3A_109 = arith.constant true
        %select_n3A_110 = arith.constant 0 : i32
        %select_n3A_111 = arith.select %select_n3A_109, %add3A_108, %select_n3A_110 : i32
        %while3A = arith.constant 0 : i32
        %while3A_112 = arith.constant 0 : i32
        %while3A_113 = arith.constant 0 : i32
        %while3A_114 = arith.constant 0 : i32
        %while3A_115 = arith.constant 0 : i32
        %while3A_116 = arith.constant 0 : i32
        %while3A_117 = arith.constant 0 : i32
        %while3A_118 = arith.constant 0 : i32
        "tpu.trace_stop"() : () -> ()
        %while3A_119 = arith.subi %mul3A_18, %while3A : i32
        %while3A_120 = arith.addi %while3A, %while3A_119 : i32
        %while3A_121 = arith.constant 1 : i32
        %while3A_122 = arith.divsi %while3A_119, %while3A_121 : i32
        %while3A_123 = arith.muli %while3A_122, %while3A_121 : i32
        %while3A_124 = arith.addi %while3A, %while3A_123 : i32
        %while3A_125 = arith.constant 1 : i32
        %while3A_126:9 = scf.for %while3A_186 = %while3A to %while3A_124 step %while3A_125 iter_args(%while3A_187 = %select_n3A_86, %while3A_188 = %while3A_112, %while3A_189 = %select_n3A_111, %while3A_190 = %while3A_113, %while3A_191 = %while3A_114, %while3A_192 = %while3A_115, %while3A_193 = %while3A_116, %while3A_194 = %while3A_117, %while3A_195 = %while3A_118) -> (i32, i32, i32, i32, i32, i32, i32, i32, i32)  : i32 {
          %mul3A_196 = arith.constant 1 : i32
          %mul3A_197 = arith.muli %mul3A_196, %select_n3A : i32
          %eq3A_198 = arith.constant 0 : i32
          %eq3A_199 = arith.cmpi eq, %while3A_186, %eq3A_198 : i32
          %sub3A_200 = arith.constant 1 : i32
          %sub3A_201 = arith.subi %mul3A_197, %sub3A_200 : i32
          %eq3A_202 = arith.cmpi eq, %while3A_186, %sub3A_201 : i32
          %add3A_203 = arith.addi %while3A_195, %select_n3A_16 : i32
          %sub3A_204 = arith.constant 1 : i32
          %sub3A_205 = arith.subi %while3A_195, %sub3A_204 : i32
          %select_n3A_206 = arith.constant true
          %select_n3A_207 = arith.select %select_n3A_206, %sub3A_205, %while3A_195 : i32
          %eq3A_208 = arith.constant -1 : i32
          %eq3A_209 = arith.cmpi eq, %select_n3A_207, %eq3A_208 : i32
          %sub3A_210 = arith.constant 1 : i32
          %sub3A_211 = arith.subi %select_n3A, %sub3A_210 : i32
          %select_n3A_212 = arith.select %eq3A_209, %sub3A_211, %select_n3A_207 : i32
          %add3A_213 = arith.addi %select_n3A_212, %select_n3A_16 : i32
          %add3A_214 = arith.constant 1 : i32
          %add3A_215 = arith.addi %while3A_195, %add3A_214 : i32
          %select_n3A_216 = arith.constant true
          %select_n3A_217 = arith.select %select_n3A_216, %add3A_215, %while3A_195 : i32
          %eq3A_218 = arith.cmpi eq, %select_n3A_217, %select_n3A : i32
          %select_n3A_219 = arith.constant 0 : i32
          %select_n3A_220 = arith.select %eq3A_218, %select_n3A_219, %select_n3A_217 : i32
          %add3A_221 = arith.addi %select_n3A_220, %select_n3A_16 : i32
          %add3A_222 = arith.constant 1 : i32
          %add3A_223 = arith.addi %select_n3A_220, %add3A_222 : i32
          %select_n3A_224 = arith.constant true
          %select_n3A_225 = arith.select %select_n3A_224, %add3A_223, %select_n3A_220 : i32
          %eq3A_226 = arith.cmpi eq, %select_n3A_225, %select_n3A : i32
          %select_n3A_227 = arith.constant 0 : i32
          %select_n3A_228 = arith.select %eq3A_226, %select_n3A_227, %select_n3A_225 : i32
          %add3A_229 = arith.addi %select_n3A_228, %select_n3A_16 : i32
          %ne3A = arith.cmpi ne, %add3A_203, %add3A_221 : i32
          %or3A = arith.constant false
          %or3A_230 = arith.ori %or3A, %ne3A : i1
          %or3A_231 = arith.constant false
          %or3A_232 = arith.ori %or3A_230, %or3A_231 : i1
          %sub3A_233 = arith.constant 2 : i32
          %sub3A_234 = arith.subi %mul3A_197, %sub3A_233 : i32
          %add3A_235 = arith.constant 1 : i32
          %add3A_236 = arith.addi %sub3A_234, %add3A_235 : i32
          %ge3A = arith.cmpi sge, %while3A_186, %add3A_236 : i32
          %not3A = arith.constant true
          %not3A_237 = arith.xori %ge3A, %not3A : i1
          %and3A = arith.andi %or3A_232, %not3A_237 : i1
          %convert_element_type3A_238 = arith.extui %and3A : i1 to i32
          %cond3A_239 = arith.constant 0 : i32
          %cond3A_240 = arith.cmpi ne, %convert_element_type3A_238, %cond3A_239 : i32
          scf.if %cond3A_240 {
            "tpu.trace_start"() <{level = 10 : i32, message = "ep_copy_in"}> : () -> ()
            %rem3A_615 = arith.constant 2 : i32
            %rem3A_616 = arith.remui %while3A_187, %rem3A_615 : i32
            %mul3A_617 = arith.constant 2 : i32
            %mul3A_618 = arith.muli %mul3A_617, %add3A_221 : i32
            %dma_start3A_619 = arith.constant 0 : i32
            %dma_start3A_620 = arith.constant 0 : i32
            %dma_start3A_621 = tpu.memref_slice %run_scoped3A[%rem3A_616, %dma_start3A_619, %dma_start3A_620] : memref<2x2x128xi32, #tpu.memory_space<vmem>> -> memref<1x2x128xi32, #tpu.memory_space<vmem>>
            %dma_start3A_622 = tpu.memref_squeeze %dma_start3A_621 : memref<1x2x128xi32, #tpu.memory_space<vmem>> -> memref<2x128xi32, #tpu.memory_space<vmem>>
            %dma_start3A_623 = arith.constant 0 : i32
            %dma_start3A_624 = tpu.memref_slice %arg4[%mul3A_618, %dma_start3A_623] : memref<2500x128xi32, #tpu.memory_space<hbm>> -> memref<2x128xi32, #tpu.memory_space<hbm>>
            %dma_start3A_625 = tpu.memref_slice %run_scoped3A_23[%rem3A_616] : memref<2x!tpu.dma_semaphore, #tpu.memory_space<semaphore_mem>> -> memref<1x!tpu.dma_semaphore, #tpu.memory_space<semaphore_mem>>
            %dma_start3A_626 = tpu.memref_squeeze %dma_start3A_625 : memref<1x!tpu.dma_semaphore, #tpu.memory_space<semaphore_mem>> -> memref<!tpu.dma_semaphore, #tpu.memory_space<semaphore_mem>>
            %dma_start3A_627 = arith.constant 0 : i32
            %dma_start3A_628 = arith.constant 0 : i32
            %dma_start3A_629 = tpu.memref_slice %run_scoped3A[%rem3A_616, %dma_start3A_627, %dma_start3A_628] : memref<2x2x128xi32, #tpu.memory_space<vmem>> -> memref<1x2x128xi32, #tpu.memory_space<vmem>>
            %dma_start3A_630 = tpu.memref_squeeze %dma_start3A_629 : memref<1x2x128xi32, #tpu.memory_space<vmem>> -> memref<2x128xi32, #tpu.memory_space<vmem>>
            %dma_start3A_631 = arith.constant 0 : i32
            %dma_start3A_632 = tpu.memref_slice %arg4[%mul3A_618, %dma_start3A_631] : memref<2500x128xi32, #tpu.memory_space<hbm>> -> memref<2x128xi32, #tpu.memory_space<hbm>>
            tpu.enqueue_dma source(%dma_start3A_632 : memref<2x128xi32, #tpu.memory_space<hbm>>) target(%dma_start3A_630 : memref<2x128xi32, #tpu.memory_space<vmem>>) target_semaphore(%dma_start3A_626 : memref<!tpu.dma_semaphore, #tpu.memory_space<semaphore_mem>>)
            "tpu.trace_stop"() : () -> ()
          } else {
          }
          %and3A_241 = arith.constant true
          %and3A_242 = arith.andi %and3A, %and3A_241 : i1
          %add3A_243 = arith.constant 1 : i32
          %add3A_244 = arith.addi %while3A_187, %add3A_243 : i32
          %select_n3A_245 = arith.select %and3A_242, %add3A_244, %while3A_187 : i32
          %ne3A_246 = arith.cmpi ne, %add3A_203, %add3A_221 : i32
          %or3A_247 = arith.constant false
          %or3A_248 = arith.ori %or3A_247, %ne3A_246 : i1
          %or3A_249 = arith.constant false
          %or3A_250 = arith.ori %or3A_248, %or3A_249 : i1
          %sub3A_251 = arith.constant 2 : i32
          %sub3A_252 = arith.subi %mul3A_197, %sub3A_251 : i32
          %add3A_253 = arith.constant 1 : i32
          %add3A_254 = arith.addi %sub3A_252, %add3A_253 : i32
          %ge3A_255 = arith.cmpi sge, %while3A_186, %add3A_254 : i32
          %not3A_256 = arith.constant true
          %not3A_257 = arith.xori %ge3A_255, %not3A_256 : i1
          %and3A_258 = arith.andi %or3A_250, %not3A_257 : i1
          %convert_element_type3A_259 = arith.extui %and3A_258 : i1 to i32
          %cond3A_260 = arith.constant 0 : i32
          %cond3A_261 = arith.cmpi ne, %convert_element_type3A_259, %cond3A_260 : i32
          scf.if %cond3A_261 {
            "tpu.trace_start"() <{level = 10 : i32, message = "ep_copy_in"}> : () -> ()
            %rem3A_615 = arith.constant 2 : i32
            %rem3A_616 = arith.remui %while3A_189, %rem3A_615 : i32
            %mul3A_617 = arith.constant 2 : i32
            %mul3A_618 = arith.muli %mul3A_617, %add3A_221 : i32
            %dma_start3A_619 = arith.constant 0 : i32
            %dma_start3A_620 = arith.constant 0 : i32
            %dma_start3A_621 = tpu.memref_slice %run_scoped3A_24[%rem3A_616, %dma_start3A_619, %dma_start3A_620] : memref<2x2x128xi32, #tpu.memory_space<vmem>> -> memref<1x2x128xi32, #tpu.memory_space<vmem>>
            %dma_start3A_622 = tpu.memref_squeeze %dma_start3A_621 : memref<1x2x128xi32, #tpu.memory_space<vmem>> -> memref<2x128xi32, #tpu.memory_space<vmem>>
            %dma_start3A_623 = arith.constant 0 : i32
            %dma_start3A_624 = tpu.memref_slice %arg5[%mul3A_618, %dma_start3A_623] : memref<2500x128xi32, #tpu.memory_space<hbm>> -> memref<2x128xi32, #tpu.memory_space<hbm>>
            %dma_start3A_625 = tpu.memref_slice %run_scoped3A_25[%rem3A_616] : memref<2x!tpu.dma_semaphore, #tpu.memory_space<semaphore_mem>> -> memref<1x!tpu.dma_semaphore, #tpu.memory_space<semaphore_mem>>
            %dma_start3A_626 = tpu.memref_squeeze %dma_start3A_625 : memref<1x!tpu.dma_semaphore, #tpu.memory_space<semaphore_mem>> -> memref<!tpu.dma_semaphore, #tpu.memory_space<semaphore_mem>>
            %dma_start3A_627 = arith.constant 0 : i32
            %dma_start3A_628 = arith.constant 0 : i32
            %dma_start3A_629 = tpu.memref_slice %run_scoped3A_24[%rem3A_616, %dma_start3A_627, %dma_start3A_628] : memref<2x2x128xi32, #tpu.memory_space<vmem>> -> memref<1x2x128xi32, #tpu.memory_space<vmem>>
            %dma_start3A_630 = tpu.memref_squeeze %dma_start3A_629 : memref<1x2x128xi32, #tpu.memory_space<vmem>> -> memref<2x128xi32, #tpu.memory_space<vmem>>
            %dma_start3A_631 = arith.constant 0 : i32
            %dma_start3A_632 = tpu.memref_slice %arg5[%mul3A_618, %dma_start3A_631] : memref<2500x128xi32, #tpu.memory_space<hbm>> -> memref<2x128xi32, #tpu.memory_space<hbm>>
            tpu.enqueue_dma source(%dma_start3A_632 : memref<2x128xi32, #tpu.memory_space<hbm>>) target(%dma_start3A_630 : memref<2x128xi32, #tpu.memory_space<vmem>>) target_semaphore(%dma_start3A_626 : memref<!tpu.dma_semaphore, #tpu.memory_space<semaphore_mem>>)
            "tpu.trace_stop"() : () -> ()
          } else {
          }
          %and3A_262 = arith.constant true
          %and3A_263 = arith.andi %and3A_258, %and3A_262 : i1
          %add3A_264 = arith.constant 1 : i32
          %add3A_265 = arith.addi %while3A_189, %add3A_264 : i32
          %select_n3A_266 = arith.select %and3A_263, %add3A_265, %while3A_189 : i32
          %ne3A_267 = arith.cmpi ne, %add3A_203, %add3A_221 : i32
          %or3A_268 = arith.constant false
          %or3A_269 = arith.ori %or3A_268, %ne3A_267 : i1
          %or3A_270 = arith.constant false
          %or3A_271 = arith.ori %or3A_269, %or3A_270 : i1
          %sub3A_272 = arith.constant 2 : i32
          %sub3A_273 = arith.subi %mul3A_197, %sub3A_272 : i32
          %add3A_274 = arith.constant 1 : i32
          %add3A_275 = arith.addi %sub3A_273, %add3A_274 : i32
          %ge3A_276 = arith.cmpi sge, %while3A_186, %add3A_275 : i32
          %not3A_277 = arith.constant true
          %not3A_278 = arith.xori %ge3A_276, %not3A_277 : i1
          %and3A_279 = arith.andi %or3A_271, %not3A_278 : i1
          %ne3A_280 = arith.cmpi ne, %add3A_203, %add3A_221 : i32
          %or3A_281 = arith.constant false
          %or3A_282 = arith.ori %or3A_281, %ne3A_280 : i1
          %or3A_283 = arith.constant false
          %or3A_284 = arith.ori %or3A_282, %or3A_283 : i1
          %sub3A_285 = arith.constant 2 : i32
          %sub3A_286 = arith.subi %mul3A_197, %sub3A_285 : i32
          %add3A_287 = arith.constant 1 : i32
          %add3A_288 = arith.addi %sub3A_286, %add3A_287 : i32
          %ge3A_289 = arith.cmpi sge, %while3A_186, %add3A_288 : i32
          %not3A_290 = arith.constant true
          %not3A_291 = arith.xori %ge3A_289, %not3A_290 : i1
          %and3A_292 = arith.andi %or3A_284, %not3A_291 : i1
          %ne3A_293 = arith.cmpi ne, %add3A_203, %add3A_213 : i32
          %or3A_294 = arith.constant false
          %or3A_295 = arith.ori %or3A_294, %ne3A_293 : i1
          %or3A_296 = arith.constant false
          %or3A_297 = arith.ori %or3A_295, %or3A_296 : i1
          %or3A_298 = arith.ori %or3A_297, %eq3A_199 : i1
          %convert_element_type3A_299 = arith.extui %or3A_298 : i1 to i32
          %cond3A_300 = arith.constant 0 : i32
          %cond3A_301 = arith.cmpi ne, %convert_element_type3A_299, %cond3A_300 : i32
          scf.if %cond3A_301 {
            "tpu.trace_start"() <{level = 10 : i32, message = "ep_wait_in"}> : () -> ()
            %mul3A_615 = arith.constant 2 : i32
            %mul3A_616 = arith.muli %mul3A_615, %add3A_203 : i32
            %rem3A_617 = arith.constant 2 : i32
            %rem3A_618 = arith.remui %while3A_188, %rem3A_617 : i32
            %dma_wait3A_619 = arith.constant 0 : i32
            %dma_wait3A_620 = arith.constant 0 : i32
            %dma_wait3A_621 = tpu.memref_slice %run_scoped3A[%rem3A_618, %dma_wait3A_619, %dma_wait3A_620] : memref<2x2x128xi32, #tpu.memory_space<vmem>> -> memref<1x2x128xi32, #tpu.memory_space<vmem>>
            %dma_wait3A_622 = tpu.memref_squeeze %dma_wait3A_621 : memref<1x2x128xi32, #tpu.memory_space<vmem>> -> memref<2x128xi32, #tpu.memory_space<vmem>>
            %dma_wait3A_623 = arith.constant 0 : i32
            %dma_wait3A_624 = tpu.memref_slice %arg4[%mul3A_616, %dma_wait3A_623] : memref<2500x128xi32, #tpu.memory_space<hbm>> -> memref<2x128xi32, #tpu.memory_space<hbm>>
            %dma_wait3A_625 = tpu.memref_slice %run_scoped3A_23[%rem3A_618] : memref<2x!tpu.dma_semaphore, #tpu.memory_space<semaphore_mem>> -> memref<1x!tpu.dma_semaphore, #tpu.memory_space<semaphore_mem>>
            %dma_wait3A_626 = tpu.memref_squeeze %dma_wait3A_625 : memref<1x!tpu.dma_semaphore, #tpu.memory_space<semaphore_mem>> -> memref<!tpu.dma_semaphore, #tpu.memory_space<semaphore_mem>>
            %dma_wait3A_627 = arith.constant 0 : i32
            %dma_wait3A_628 = arith.constant 0 : i32
            %dma_wait3A_629 = tpu.memref_slice %run_scoped3A[%rem3A_618, %dma_wait3A_627, %dma_wait3A_628] : memref<2x2x128xi32, #tpu.memory_space<vmem>> -> memref<1x2x128xi32, #tpu.memory_space<vmem>>
            %dma_wait3A_630 = tpu.memref_squeeze %dma_wait3A_629 : memref<1x2x128xi32, #tpu.memory_space<vmem>> -> memref<2x128xi32, #tpu.memory_space<vmem>>
            %dma_wait3A_631 = arith.constant 0 : i32
            %dma_wait3A_632 = tpu.memref_slice %arg4[%mul3A_616, %dma_wait3A_631] : memref<2500x128xi32, #tpu.memory_space<hbm>> -> memref<2x128xi32, #tpu.memory_space<hbm>>
            tpu.wait_dma2 semaphore(%dma_wait3A_626 : memref<!tpu.dma_semaphore, #tpu.memory_space<semaphore_mem>>) src(%dma_wait3A_632 : memref<2x128xi32, #tpu.memory_space<hbm>>) dst(%dma_wait3A_630 : memref<2x128xi32, #tpu.memory_space<vmem>>)
            "tpu.trace_stop"() : () -> ()
          } else {
          }
          %ne3A_302 = arith.cmpi ne, %add3A_203, %add3A_213 : i32
          %or3A_303 = arith.constant false
          %or3A_304 = arith.ori %or3A_303, %ne3A_302 : i1
          %or3A_305 = arith.constant false
          %or3A_306 = arith.ori %or3A_304, %or3A_305 : i1
          %or3A_307 = arith.ori %or3A_306, %eq3A_199 : i1
          %convert_element_type3A_308 = arith.extui %or3A_307 : i1 to i32
          %cond3A_309 = arith.constant 0 : i32
          %cond3A_310 = arith.cmpi ne, %convert_element_type3A_308, %cond3A_309 : i32
          scf.if %cond3A_310 {
            "tpu.trace_start"() <{level = 10 : i32, message = "ep_wait_in"}> : () -> ()
            %mul3A_615 = arith.constant 2 : i32
            %mul3A_616 = arith.muli %mul3A_615, %add3A_203 : i32
            %rem3A_617 = arith.constant 2 : i32
            %rem3A_618 = arith.remui %while3A_190, %rem3A_617 : i32
            %dma_wait3A_619 = arith.constant 0 : i32
            %dma_wait3A_620 = arith.constant 0 : i32
            %dma_wait3A_621 = tpu.memref_slice %run_scoped3A_24[%rem3A_618, %dma_wait3A_619, %dma_wait3A_620] : memref<2x2x128xi32, #tpu.memory_space<vmem>> -> memref<1x2x128xi32, #tpu.memory_space<vmem>>
            %dma_wait3A_622 = tpu.memref_squeeze %dma_wait3A_621 : memref<1x2x128xi32, #tpu.memory_space<vmem>> -> memref<2x128xi32, #tpu.memory_space<vmem>>
            %dma_wait3A_623 = arith.constant 0 : i32
            %dma_wait3A_624 = tpu.memref_slice %arg5[%mul3A_616, %dma_wait3A_623] : memref<2500x128xi32, #tpu.memory_space<hbm>> -> memref<2x128xi32, #tpu.memory_space<hbm>>
            %dma_wait3A_625 = tpu.memref_slice %run_scoped3A_25[%rem3A_618] : memref<2x!tpu.dma_semaphore, #tpu.memory_space<semaphore_mem>> -> memref<1x!tpu.dma_semaphore, #tpu.memory_space<semaphore_mem>>
            %dma_wait3A_626 = tpu.memref_squeeze %dma_wait3A_625 : memref<1x!tpu.dma_semaphore, #tpu.memory_space<semaphore_mem>> -> memref<!tpu.dma_semaphore, #tpu.memory_space<semaphore_mem>>
            %dma_wait3A_627 = arith.constant 0 : i32
            %dma_wait3A_628 = arith.constant 0 : i32
            %dma_wait3A_629 = tpu.memref_slice %run_scoped3A_24[%rem3A_618, %dma_wait3A_627, %dma_wait3A_628] : memref<2x2x128xi32, #tpu.memory_space<vmem>> -> memref<1x2x128xi32, #tpu.memory_space<vmem>>
            %dma_wait3A_630 = tpu.memref_squeeze %dma_wait3A_629 : memref<1x2x128xi32, #tpu.memory_space<vmem>> -> memref<2x128xi32, #tpu.memory_space<vmem>>
            %dma_wait3A_631 = arith.constant 0 : i32
            %dma_wait3A_632 = tpu.memref_slice %arg5[%mul3A_616, %dma_wait3A_631] : memref<2500x128xi32, #tpu.memory_space<hbm>> -> memref<2x128xi32, #tpu.memory_space<hbm>>
            tpu.wait_dma2 semaphore(%dma_wait3A_626 : memref<!tpu.dma_semaphore, #tpu.memory_space<semaphore_mem>>) src(%dma_wait3A_632 : memref<2x128xi32, #tpu.memory_space<hbm>>) dst(%dma_wait3A_630 : memref<2x128xi32, #tpu.memory_space<vmem>>)
            "tpu.trace_stop"() : () -> ()
          } else {
          }
          %ne3A_311 = arith.cmpi ne, %add3A_203, %add3A_213 : i32
          %or3A_312 = arith.constant false
          %or3A_313 = arith.ori %or3A_312, %ne3A_311 : i1
          %or3A_314 = arith.constant false
          %or3A_315 = arith.ori %or3A_313, %or3A_314 : i1
          %or3A_316 = arith.ori %or3A_315, %eq3A_199 : i1
          %convert_element_type3A_317 = arith.extui %or3A_316 : i1 to i32
          %cond3A_318 = arith.constant 0 : i32
          %cond3A_319 = arith.cmpi ne, %convert_element_type3A_317, %cond3A_318 : i32
          scf.if %cond3A_319 {
          } else {
          }
          %ne3A_320 = arith.cmpi ne, %add3A_203, %add3A_213 : i32
          %or3A_321 = arith.constant false
          %or3A_322 = arith.ori %or3A_321, %ne3A_320 : i1
          %or3A_323 = arith.constant false
          %or3A_324 = arith.ori %or3A_322, %or3A_323 : i1
          %or3A_325 = arith.ori %or3A_324, %eq3A_199 : i1
          %convert_element_type3A_326 = arith.extui %or3A_325 : i1 to i32
          %cond3A_327 = arith.constant 0 : i32
          %cond3A_328 = arith.cmpi ne, %convert_element_type3A_326, %cond3A_327 : i32
          scf.if %cond3A_328 {
          } else {
          }
          %rem3A_329 = arith.constant 2 : i32
          %rem3A_330 = arith.remui %while3A_188, %rem3A_329 : i32
          %rem3A_331 = arith.constant 2 : i32
          %rem3A_332 = arith.remui %while3A_190, %rem3A_331 : i32
          %rem3A_333 = arith.constant 2 : i32
          %rem3A_334 = arith.remui %while3A_191, %rem3A_333 : i32
          %rem3A_335 = arith.constant 2 : i32
          %rem3A_336 = arith.remui %while3A_193, %rem3A_335 : i32
          %dma_start3A_337 = arith.constant 0 : i32
          "tpu.trace_start"() <{level = 10 : i32, message = "ep_run_kernel"}> : () -> ()
          %dma_start3A_338 = arith.constant 0 : i32
          %dma_start3A_339 = arith.constant 0 : i32
          %dma_start3A_340 = tpu.memref_slice %run_scoped3A_26[%rem3A_334, %dma_start3A_338, %dma_start3A_339] : memref<2x256x64xf32, #tpu.memory_space<vmem>> -> memref<1x256x64xf32, #tpu.memory_space<vmem>>
          %dma_start3A_341 = tpu.memref_squeeze %dma_start3A_340 : memref<1x256x64xf32, #tpu.memory_space<vmem>> -> memref<256x64xf32, #tpu.memory_space<vmem>>
          %dma_start3A_342 = arith.constant 0 : i32
          %dma_start3A_343 = arith.constant 0 : i32
          %dma_start3A_344 = tpu.memref_slice %dma_start3A_341[%dma_start3A_342, %dma_start3A_343] : memref<256x64xf32, #tpu.memory_space<vmem>> -> memref<128x64xf32, #tpu.memory_space<vmem>>
          %dma_start3A_345 = arith.constant 0 : i32
          %dma_start3A_346 = arith.constant 0 : i32
          %dma_start3A_347 = tpu.memref_slice %run_scoped3A[%rem3A_330, %dma_start3A_345, %dma_start3A_346] : memref<2x2x128xi32, #tpu.memory_space<vmem>> -> memref<1x2x128xi32, #tpu.memory_space<vmem>>
          %dma_start3A_348 = tpu.memref_squeeze %dma_start3A_347 : memref<1x2x128xi32, #tpu.memory_space<vmem>> -> memref<2x128xi32, #tpu.memory_space<vmem>>
          %dma_start3A_349 = arith.constant 0 : i32
          %dma_start3A_350 = tpu.memref_slice %dma_start3A_348[%dma_start3A_337, %dma_start3A_349] : memref<2x128xi32, #tpu.memory_space<vmem>> -> memref<1x128xi32, #tpu.memory_space<vmem>>
          %dma_start3A_351 = tpu.memref_squeeze %dma_start3A_350 : memref<1x128xi32, #tpu.memory_space<vmem>> -> memref<128xi32, #tpu.memory_space<vmem>>
          %dma_start3A_352 = arith.constant 0 : i32
          %dma_start3A_353 = arith.constant 0 : i32
          %dma_start3A_354 = tpu.memref_slice %arg2[%dma_start3A_352, %dma_start3A_353] : memref<10000x64xf32, #tpu.memory_space<hbm>> -> memref<10000x64xf32, #tpu.memory_space<hbm>>
          tpu.enqueue_indirect_dma source(%dma_start3A_354 : memref<10000x64xf32, #tpu.memory_space<hbm>>) target(%dma_start3A_344 : memref<128x64xf32, #tpu.memory_space<vmem>>) offsets(%dma_start3A_351 : memref<128xi32, #tpu.memory_space<vmem>>) semaphore(%arg13 : memref<!tpu.dma_semaphore, #tpu.memory_space<semaphore_mem>>)
          %dma_start3A_355 = arith.constant 0 : i32
          %dma_start3A_356 = arith.constant 0 : i32
          %dma_start3A_357 = arith.constant 0 : i32
          %dma_start3A_358 = tpu.memref_slice %run_scoped3A_28[%rem3A_336, %dma_start3A_356, %dma_start3A_357] : memref<2x256x64xf32, #tpu.memory_space<vmem>> -> memref<1x256x64xf32, #tpu.memory_space<vmem>>
          %dma_start3A_359 = tpu.memref_squeeze %dma_start3A_358 : memref<1x256x64xf32, #tpu.memory_space<vmem>> -> memref<256x64xf32, #tpu.memory_space<vmem>>
          %dma_start3A_360 = arith.constant 0 : i32
          %dma_start3A_361 = arith.constant 0 : i32
          %dma_start3A_362 = tpu.memref_slice %dma_start3A_359[%dma_start3A_360, %dma_start3A_361] : memref<256x64xf32, #tpu.memory_space<vmem>> -> memref<128x64xf32, #tpu.memory_space<vmem>>
          %dma_start3A_363 = arith.constant 0 : i32
          %dma_start3A_364 = arith.constant 0 : i32
          %dma_start3A_365 = tpu.memref_slice %run_scoped3A_24[%rem3A_332, %dma_start3A_363, %dma_start3A_364] : memref<2x2x128xi32, #tpu.memory_space<vmem>> -> memref<1x2x128xi32, #tpu.memory_space<vmem>>
          %dma_start3A_366 = tpu.memref_squeeze %dma_start3A_365 : memref<1x2x128xi32, #tpu.memory_space<vmem>> -> memref<2x128xi32, #tpu.memory_space<vmem>>
          %dma_start3A_367 = arith.constant 0 : i32
          %dma_start3A_368 = tpu.memref_slice %dma_start3A_366[%dma_start3A_355, %dma_start3A_367] : memref<2x128xi32, #tpu.memory_space<vmem>> -> memref<1x128xi32, #tpu.memory_space<vmem>>
          %dma_start3A_369 = tpu.memref_squeeze %dma_start3A_368 : memref<1x128xi32, #tpu.memory_space<vmem>> -> memref<128xi32, #tpu.memory_space<vmem>>
          %dma_start3A_370 = arith.constant 0 : i32
          %dma_start3A_371 = arith.constant 0 : i32
          %dma_start3A_372 = tpu.memref_slice %arg3[%dma_start3A_370, %dma_start3A_371] : memref<10000x64xf32, #tpu.memory_space<hbm>> -> memref<10000x64xf32, #tpu.memory_space<hbm>>
          tpu.enqueue_indirect_dma source(%dma_start3A_372 : memref<10000x64xf32, #tpu.memory_space<hbm>>) target(%dma_start3A_362 : memref<128x64xf32, #tpu.memory_space<vmem>>) offsets(%dma_start3A_369 : memref<128xi32, #tpu.memory_space<vmem>>) semaphore(%arg14 : memref<!tpu.dma_semaphore, #tpu.memory_space<semaphore_mem>>)
          %dma_start3A_373 = arith.constant 1 : i32
          %dma_start3A_374 = arith.constant 0 : i32
          %dma_start3A_375 = arith.constant 0 : i32
          %dma_start3A_376 = tpu.memref_slice %run_scoped3A_26[%rem3A_334, %dma_start3A_374, %dma_start3A_375] : memref<2x256x64xf32, #tpu.memory_space<vmem>> -> memref<1x256x64xf32, #tpu.memory_space<vmem>>
          %dma_start3A_377 = tpu.memref_squeeze %dma_start3A_376 : memref<1x256x64xf32, #tpu.memory_space<vmem>> -> memref<256x64xf32, #tpu.memory_space<vmem>>
          %dma_start3A_378 = arith.constant 128 : i32
          %dma_start3A_379 = arith.constant 0 : i32
          %dma_start3A_380 = tpu.memref_slice %dma_start3A_377[%dma_start3A_378, %dma_start3A_379] : memref<256x64xf32, #tpu.memory_space<vmem>> -> memref<128x64xf32, #tpu.memory_space<vmem>>
          %dma_start3A_381 = arith.constant 0 : i32
          %dma_start3A_382 = arith.constant 0 : i32
          %dma_start3A_383 = tpu.memref_slice %run_scoped3A[%rem3A_330, %dma_start3A_381, %dma_start3A_382] : memref<2x2x128xi32, #tpu.memory_space<vmem>> -> memref<1x2x128xi32, #tpu.memory_space<vmem>>
          %dma_start3A_384 = tpu.memref_squeeze %dma_start3A_383 : memref<1x2x128xi32, #tpu.memory_space<vmem>> -> memref<2x128xi32, #tpu.memory_space<vmem>>
          %dma_start3A_385 = arith.constant 0 : i32
          %dma_start3A_386 = tpu.memref_slice %dma_start3A_384[%dma_start3A_373, %dma_start3A_385] : memref<2x128xi32, #tpu.memory_space<vmem>> -> memref<1x128xi32, #tpu.memory_space<vmem>>
          %dma_start3A_387 = tpu.memref_squeeze %dma_start3A_386 : memref<1x128xi32, #tpu.memory_space<vmem>> -> memref<128xi32, #tpu.memory_space<vmem>>
          %dma_start3A_388 = arith.constant 0 : i32
          %dma_start3A_389 = arith.constant 0 : i32
          %dma_start3A_390 = tpu.memref_slice %arg2[%dma_start3A_388, %dma_start3A_389] : memref<10000x64xf32, #tpu.memory_space<hbm>> -> memref<10000x64xf32, #tpu.memory_space<hbm>>
          tpu.enqueue_indirect_dma source(%dma_start3A_390 : memref<10000x64xf32, #tpu.memory_space<hbm>>) target(%dma_start3A_380 : memref<128x64xf32, #tpu.memory_space<vmem>>) offsets(%dma_start3A_387 : memref<128xi32, #tpu.memory_space<vmem>>) semaphore(%arg13 : memref<!tpu.dma_semaphore, #tpu.memory_space<semaphore_mem>>)
          %dma_start3A_391 = arith.constant 1 : i32
          %dma_start3A_392 = arith.constant 0 : i32
          %dma_start3A_393 = arith.constant 0 : i32
          %dma_start3A_394 = tpu.memref_slice %run_scoped3A_28[%rem3A_336, %dma_start3A_392, %dma_start3A_393] : memref<2x256x64xf32, #tpu.memory_space<vmem>> -> memref<1x256x64xf32, #tpu.memory_space<vmem>>
          %dma_start3A_395 = tpu.memref_squeeze %dma_start3A_394 : memref<1x256x64xf32, #tpu.memory_space<vmem>> -> memref<256x64xf32, #tpu.memory_space<vmem>>
          %dma_start3A_396 = arith.constant 128 : i32
          %dma_start3A_397 = arith.constant 0 : i32
          %dma_start3A_398 = tpu.memref_slice %dma_start3A_395[%dma_start3A_396, %dma_start3A_397] : memref<256x64xf32, #tpu.memory_space<vmem>> -> memref<128x64xf32, #tpu.memory_space<vmem>>
          %dma_start3A_399 = arith.constant 0 : i32
          %dma_start3A_400 = arith.constant 0 : i32
          %dma_start3A_401 = tpu.memref_slice %run_scoped3A_24[%rem3A_332, %dma_start3A_399, %dma_start3A_400] : memref<2x2x128xi32, #tpu.memory_space<vmem>> -> memref<1x2x128xi32, #tpu.memory_space<vmem>>
          %dma_start3A_402 = tpu.memref_squeeze %dma_start3A_401 : memref<1x2x128xi32, #tpu.memory_space<vmem>> -> memref<2x128xi32, #tpu.memory_space<vmem>>
          %dma_start3A_403 = arith.constant 0 : i32
          %dma_start3A_404 = tpu.memref_slice %dma_start3A_402[%dma_start3A_391, %dma_start3A_403] : memref<2x128xi32, #tpu.memory_space<vmem>> -> memref<1x128xi32, #tpu.memory_space<vmem>>
          %dma_start3A_405 = tpu.memref_squeeze %dma_start3A_404 : memref<1x128xi32, #tpu.memory_space<vmem>> -> memref<128xi32, #tpu.memory_space<vmem>>
          %dma_start3A_406 = arith.constant 0 : i32
          %dma_start3A_407 = arith.constant 0 : i32
          %dma_start3A_408 = tpu.memref_slice %arg3[%dma_start3A_406, %dma_start3A_407] : memref<10000x64xf32, #tpu.memory_space<hbm>> -> memref<10000x64xf32, #tpu.memory_space<hbm>>
          tpu.enqueue_indirect_dma source(%dma_start3A_408 : memref<10000x64xf32, #tpu.memory_space<hbm>>) target(%dma_start3A_398 : memref<128x64xf32, #tpu.memory_space<vmem>>) offsets(%dma_start3A_405 : memref<128xi32, #tpu.memory_space<vmem>>) semaphore(%arg14 : memref<!tpu.dma_semaphore, #tpu.memory_space<semaphore_mem>>)
          %run_scoped3A_409 = arith.constant 0 : i32
          "tpu.region"() ({
            %run_scoped3A_615 = tpu.sem_alloc : memref<!tpu.dma_semaphore, #tpu.memory_space<semaphore_mem>>
            %dma_start3A_616 = arith.constant 0 : i32
            %dma_start3A_617 = arith.constant 0 : i32
            %dma_start3A_618 = tpu.memref_slice %run_scoped3A_24[%rem3A_332, %dma_start3A_616, %dma_start3A_617] : memref<2x2x128xi32, #tpu.memory_space<vmem>> -> memref<1x2x128xi32, #tpu.memory_space<vmem>>
            %dma_start3A_619 = tpu.memref_squeeze %dma_start3A_618 : memref<1x2x128xi32, #tpu.memory_space<vmem>> -> memref<2x128xi32, #tpu.memory_space<vmem>>
            %dma_start3A_620 = arith.constant 0 : i32
            %dma_start3A_621 = tpu.memref_slice %dma_start3A_619[%run_scoped3A_409, %dma_start3A_620] : memref<2x128xi32, #tpu.memory_space<vmem>> -> memref<1x128xi32, #tpu.memory_space<vmem>>
            %dma_start3A_622 = tpu.memref_squeeze %dma_start3A_621 : memref<1x128xi32, #tpu.memory_space<vmem>> -> memref<128xi32, #tpu.memory_space<vmem>>
            %dma_start3A_623 = arith.constant 0 : i32
            %dma_start3A_624 = arith.constant 0 : i32
            %dma_start3A_625 = tpu.memref_slice %arg12[%dma_start3A_623, %dma_start3A_624] : memref<10000x16xf32, #tpu.memory_space<vmem_shared>> -> memref<10000x16xf32, #tpu.memory_space<vmem_shared>>
            tpu.enqueue_indirect_dma source(%arg11 : memref<128x16xf32, #tpu.memory_space<vmem>>) target(%dma_start3A_625 : memref<10000x16xf32, #tpu.memory_space<vmem_shared>>) offsets(%dma_start3A_622 : memref<128xi32, #tpu.memory_space<vmem>>) semaphore(%run_scoped3A_615 : memref<!tpu.dma_semaphore, #tpu.memory_space<semaphore_mem>>) {add = true}
            %dma_wait3A_626 = arith.constant 0 : i32
            %dma_wait3A_627 = arith.constant 0 : i32
            %dma_wait3A_628 = tpu.memref_slice %run_scoped3A_24[%rem3A_332, %dma_wait3A_626, %dma_wait3A_627] : memref<2x2x128xi32, #tpu.memory_space<vmem>> -> memref<1x2x128xi32, #tpu.memory_space<vmem>>
            %dma_wait3A_629 = tpu.memref_squeeze %dma_wait3A_628 : memref<1x2x128xi32, #tpu.memory_space<vmem>> -> memref<2x128xi32, #tpu.memory_space<vmem>>
            %dma_wait3A_630 = arith.constant 0 : i32
            %dma_wait3A_631 = tpu.memref_slice %dma_wait3A_629[%run_scoped3A_409, %dma_wait3A_630] : memref<2x128xi32, #tpu.memory_space<vmem>> -> memref<1x128xi32, #tpu.memory_space<vmem>>
            %dma_wait3A_632 = tpu.memref_squeeze %dma_wait3A_631 : memref<1x128xi32, #tpu.memory_space<vmem>> -> memref<128xi32, #tpu.memory_space<vmem>>
            %dma_wait3A_633 = arith.constant 0 : i32
            %dma_wait3A_634 = arith.constant 0 : i32
            %dma_wait3A_635 = tpu.memref_slice %arg12[%dma_wait3A_633, %dma_wait3A_634] : memref<10000x16xf32, #tpu.memory_space<vmem_shared>> -> memref<10000x16xf32, #tpu.memory_space<vmem_shared>>
            tpu.wait_indirect_dma semaphore(%run_scoped3A_615 : memref<!tpu.dma_semaphore, #tpu.memory_space<semaphore_mem>>) src(%arg11 : memref<128x16xf32, #tpu.memory_space<vmem>>) dst(%dma_wait3A_635 : memref<10000x16xf32, #tpu.memory_space<vmem_shared>>)
            tpu.yield
          }) : () -> ()
          %run_scoped3A_410 = arith.constant 1 : i32
          "tpu.region"() ({
            %run_scoped3A_615 = tpu.sem_alloc : memref<!tpu.dma_semaphore, #tpu.memory_space<semaphore_mem>>
            %dma_start3A_616 = arith.constant 0 : i32
            %dma_start3A_617 = arith.constant 0 : i32
            %dma_start3A_618 = tpu.memref_slice %run_scoped3A_24[%rem3A_332, %dma_start3A_616, %dma_start3A_617] : memref<2x2x128xi32, #tpu.memory_space<vmem>> -> memref<1x2x128xi32, #tpu.memory_space<vmem>>
            %dma_start3A_619 = tpu.memref_squeeze %dma_start3A_618 : memref<1x2x128xi32, #tpu.memory_space<vmem>> -> memref<2x128xi32, #tpu.memory_space<vmem>>
            %dma_start3A_620 = arith.constant 0 : i32
            %dma_start3A_621 = tpu.memref_slice %dma_start3A_619[%run_scoped3A_410, %dma_start3A_620] : memref<2x128xi32, #tpu.memory_space<vmem>> -> memref<1x128xi32, #tpu.memory_space<vmem>>
            %dma_start3A_622 = tpu.memref_squeeze %dma_start3A_621 : memref<1x128xi32, #tpu.memory_space<vmem>> -> memref<128xi32, #tpu.memory_space<vmem>>
            %dma_start3A_623 = arith.constant 0 : i32
            %dma_start3A_624 = arith.constant 0 : i32
            %dma_start3A_625 = tpu.memref_slice %arg12[%dma_start3A_623, %dma_start3A_624] : memref<10000x16xf32, #tpu.memory_space<vmem_shared>> -> memref<10000x16xf32, #tpu.memory_space<vmem_shared>>
            tpu.enqueue_indirect_dma source(%arg11 : memref<128x16xf32, #tpu.memory_space<vmem>>) target(%dma_start3A_625 : memref<10000x16xf32, #tpu.memory_space<vmem_shared>>) offsets(%dma_start3A_622 : memref<128xi32, #tpu.memory_space<vmem>>) semaphore(%run_scoped3A_615 : memref<!tpu.dma_semaphore, #tpu.memory_space<semaphore_mem>>) {add = true}
            %dma_wait3A_626 = arith.constant 0 : i32
            %dma_wait3A_627 = arith.constant 0 : i32
            %dma_wait3A_628 = tpu.memref_slice %run_scoped3A_24[%rem3A_332, %dma_wait3A_626, %dma_wait3A_627] : memref<2x2x128xi32, #tpu.memory_space<vmem>> -> memref<1x2x128xi32, #tpu.memory_space<vmem>>
            %dma_wait3A_629 = tpu.memref_squeeze %dma_wait3A_628 : memref<1x2x128xi32, #tpu.memory_space<vmem>> -> memref<2x128xi32, #tpu.memory_space<vmem>>
            %dma_wait3A_630 = arith.constant 0 : i32
            %dma_wait3A_631 = tpu.memref_slice %dma_wait3A_629[%run_scoped3A_410, %dma_wait3A_630] : memref<2x128xi32, #tpu.memory_space<vmem>> -> memref<1x128xi32, #tpu.memory_space<vmem>>
            %dma_wait3A_632 = tpu.memref_squeeze %dma_wait3A_631 : memref<1x128xi32, #tpu.memory_space<vmem>> -> memref<128xi32, #tpu.memory_space<vmem>>
            %dma_wait3A_633 = arith.constant 0 : i32
            %dma_wait3A_634 = arith.constant 0 : i32
            %dma_wait3A_635 = tpu.memref_slice %arg12[%dma_wait3A_633, %dma_wait3A_634] : memref<10000x16xf32, #tpu.memory_space<vmem_shared>> -> memref<10000x16xf32, #tpu.memory_space<vmem_shared>>
            tpu.wait_indirect_dma semaphore(%run_scoped3A_615 : memref<!tpu.dma_semaphore, #tpu.memory_space<semaphore_mem>>) src(%arg11 : memref<128x16xf32, #tpu.memory_space<vmem>>) dst(%dma_wait3A_635 : memref<10000x16xf32, #tpu.memory_space<vmem_shared>>)
            tpu.yield
          }) : () -> ()
          %dma_wait3A = arith.constant 0 : i32
          %dma_wait3A_411 = arith.constant 0 : i32
          %dma_wait3A_412 = arith.constant 0 : i32
          %dma_wait3A_413 = tpu.memref_slice %run_scoped3A_26[%rem3A_334, %dma_wait3A_411, %dma_wait3A_412] : memref<2x256x64xf32, #tpu.memory_space<vmem>> -> memref<1x256x64xf32, #tpu.memory_space<vmem>>
          %dma_wait3A_414 = tpu.memref_squeeze %dma_wait3A_413 : memref<1x256x64xf32, #tpu.memory_space<vmem>> -> memref<256x64xf32, #tpu.memory_space<vmem>>
          %dma_wait3A_415 = arith.constant 0 : i32
          %dma_wait3A_416 = arith.constant 0 : i32
          %dma_wait3A_417 = tpu.memref_slice %dma_wait3A_414[%dma_wait3A_415, %dma_wait3A_416] : memref<256x64xf32, #tpu.memory_space<vmem>> -> memref<128x64xf32, #tpu.memory_space<vmem>>
          %dma_wait3A_418 = arith.constant 0 : i32
          %dma_wait3A_419 = arith.constant 0 : i32
          %dma_wait3A_420 = tpu.memref_slice %run_scoped3A[%rem3A_330, %dma_wait3A_418, %dma_wait3A_419] : memref<2x2x128xi32, #tpu.memory_space<vmem>> -> memref<1x2x128xi32, #tpu.memory_space<vmem>>
          %dma_wait3A_421 = tpu.memref_squeeze %dma_wait3A_420 : memref<1x2x128xi32, #tpu.memory_space<vmem>> -> memref<2x128xi32, #tpu.memory_space<vmem>>
          %dma_wait3A_422 = arith.constant 0 : i32
          %dma_wait3A_423 = tpu.memref_slice %dma_wait3A_421[%dma_wait3A, %dma_wait3A_422] : memref<2x128xi32, #tpu.memory_space<vmem>> -> memref<1x128xi32, #tpu.memory_space<vmem>>
          %dma_wait3A_424 = tpu.memref_squeeze %dma_wait3A_423 : memref<1x128xi32, #tpu.memory_space<vmem>> -> memref<128xi32, #tpu.memory_space<vmem>>
          %dma_wait3A_425 = arith.constant 0 : i32
          %dma_wait3A_426 = arith.constant 0 : i32
          %dma_wait3A_427 = tpu.memref_slice %arg2[%dma_wait3A_425, %dma_wait3A_426] : memref<10000x64xf32, #tpu.memory_space<hbm>> -> memref<10000x64xf32, #tpu.memory_space<hbm>>
          tpu.wait_indirect_dma semaphore(%arg13 : memref<!tpu.dma_semaphore, #tpu.memory_space<semaphore_mem>>) src(%dma_wait3A_427 : memref<10000x64xf32, #tpu.memory_space<hbm>>) dst(%dma_wait3A_417 : memref<128x64xf32, #tpu.memory_space<vmem>>)
          %dma_wait3A_428 = arith.constant 0 : i32
          %dma_wait3A_429 = arith.constant 0 : i32
          %dma_wait3A_430 = arith.constant 0 : i32
          %dma_wait3A_431 = tpu.memref_slice %run_scoped3A_28[%rem3A_336, %dma_wait3A_429, %dma_wait3A_430] : memref<2x256x64xf32, #tpu.memory_space<vmem>> -> memref<1x256x64xf32, #tpu.memory_space<vmem>>
          %dma_wait3A_432 = tpu.memref_squeeze %dma_wait3A_431 : memref<1x256x64xf32, #tpu.memory_space<vmem>> -> memref<256x64xf32, #tpu.memory_space<vmem>>
          %dma_wait3A_433 = arith.constant 0 : i32
          %dma_wait3A_434 = arith.constant 0 : i32
          %dma_wait3A_435 = tpu.memref_slice %dma_wait3A_432[%dma_wait3A_433, %dma_wait3A_434] : memref<256x64xf32, #tpu.memory_space<vmem>> -> memref<128x64xf32, #tpu.memory_space<vmem>>
          %dma_wait3A_436 = arith.constant 0 : i32
          %dma_wait3A_437 = arith.constant 0 : i32
          %dma_wait3A_438 = tpu.memref_slice %run_scoped3A_24[%rem3A_332, %dma_wait3A_436, %dma_wait3A_437] : memref<2x2x128xi32, #tpu.memory_space<vmem>> -> memref<1x2x128xi32, #tpu.memory_space<vmem>>
          %dma_wait3A_439 = tpu.memref_squeeze %dma_wait3A_438 : memref<1x2x128xi32, #tpu.memory_space<vmem>> -> memref<2x128xi32, #tpu.memory_space<vmem>>
          %dma_wait3A_440 = arith.constant 0 : i32
          %dma_wait3A_441 = tpu.memref_slice %dma_wait3A_439[%dma_wait3A_428, %dma_wait3A_440] : memref<2x128xi32, #tpu.memory_space<vmem>> -> memref<1x128xi32, #tpu.memory_space<vmem>>
          %dma_wait3A_442 = tpu.memref_squeeze %dma_wait3A_441 : memref<1x128xi32, #tpu.memory_space<vmem>> -> memref<128xi32, #tpu.memory_space<vmem>>
          %dma_wait3A_443 = arith.constant 0 : i32
          %dma_wait3A_444 = arith.constant 0 : i32
          %dma_wait3A_445 = tpu.memref_slice %arg3[%dma_wait3A_443, %dma_wait3A_444] : memref<10000x64xf32, #tpu.memory_space<hbm>> -> memref<10000x64xf32, #tpu.memory_space<hbm>>
          tpu.wait_indirect_dma semaphore(%arg14 : memref<!tpu.dma_semaphore, #tpu.memory_space<semaphore_mem>>) src(%dma_wait3A_445 : memref<10000x64xf32, #tpu.memory_space<hbm>>) dst(%dma_wait3A_435 : memref<128x64xf32, #tpu.memory_space<vmem>>)
          %dma_wait3A_446 = arith.constant 1 : i32
          %dma_wait3A_447 = arith.constant 0 : i32
          %dma_wait3A_448 = arith.constant 0 : i32
          %dma_wait3A_449 = tpu.memref_slice %run_scoped3A_26[%rem3A_334, %dma_wait3A_447, %dma_wait3A_448] : memref<2x256x64xf32, #tpu.memory_space<vmem>> -> memref<1x256x64xf32, #tpu.memory_space<vmem>>
          %dma_wait3A_450 = tpu.memref_squeeze %dma_wait3A_449 : memref<1x256x64xf32, #tpu.memory_space<vmem>> -> memref<256x64xf32, #tpu.memory_space<vmem>>
          %dma_wait3A_451 = arith.constant 128 : i32
          %dma_wait3A_452 = arith.constant 0 : i32
          %dma_wait3A_453 = tpu.memref_slice %dma_wait3A_450[%dma_wait3A_451, %dma_wait3A_452] : memref<256x64xf32, #tpu.memory_space<vmem>> -> memref<128x64xf32, #tpu.memory_space<vmem>>
          %dma_wait3A_454 = arith.constant 0 : i32
          %dma_wait3A_455 = arith.constant 0 : i32
          %dma_wait3A_456 = tpu.memref_slice %run_scoped3A[%rem3A_330, %dma_wait3A_454, %dma_wait3A_455] : memref<2x2x128xi32, #tpu.memory_space<vmem>> -> memref<1x2x128xi32, #tpu.memory_space<vmem>>
          %dma_wait3A_457 = tpu.memref_squeeze %dma_wait3A_456 : memref<1x2x128xi32, #tpu.memory_space<vmem>> -> memref<2x128xi32, #tpu.memory_space<vmem>>
          %dma_wait3A_458 = arith.constant 0 : i32
          %dma_wait3A_459 = tpu.memref_slice %dma_wait3A_457[%dma_wait3A_446, %dma_wait3A_458] : memref<2x128xi32, #tpu.memory_space<vmem>> -> memref<1x128xi32, #tpu.memory_space<vmem>>
          %dma_wait3A_460 = tpu.memref_squeeze %dma_wait3A_459 : memref<1x128xi32, #tpu.memory_space<vmem>> -> memref<128xi32, #tpu.memory_space<vmem>>
          %dma_wait3A_461 = arith.constant 0 : i32
          %dma_wait3A_462 = arith.constant 0 : i32
          %dma_wait3A_463 = tpu.memref_slice %arg2[%dma_wait3A_461, %dma_wait3A_462] : memref<10000x64xf32, #tpu.memory_space<hbm>> -> memref<10000x64xf32, #tpu.memory_space<hbm>>
          tpu.wait_indirect_dma semaphore(%arg13 : memref<!tpu.dma_semaphore, #tpu.memory_space<semaphore_mem>>) src(%dma_wait3A_463 : memref<10000x64xf32, #tpu.memory_space<hbm>>) dst(%dma_wait3A_453 : memref<128x64xf32, #tpu.memory_space<vmem>>)
          %dma_wait3A_464 = arith.constant 1 : i32
          %dma_wait3A_465 = arith.constant 0 : i32
          %dma_wait3A_466 = arith.constant 0 : i32
          %dma_wait3A_467 = tpu.memref_slice %run_scoped3A_28[%rem3A_336, %dma_wait3A_465, %dma_wait3A_466] : memref<2x256x64xf32, #tpu.memory_space<vmem>> -> memref<1x256x64xf32, #tpu.memory_space<vmem>>
          %dma_wait3A_468 = tpu.memref_squeeze %dma_wait3A_467 : memref<1x256x64xf32, #tpu.memory_space<vmem>> -> memref<256x64xf32, #tpu.memory_space<vmem>>
          %dma_wait3A_469 = arith.constant 128 : i32
          %dma_wait3A_470 = arith.constant 0 : i32
          %dma_wait3A_471 = tpu.memref_slice %dma_wait3A_468[%dma_wait3A_469, %dma_wait3A_470] : memref<256x64xf32, #tpu.memory_space<vmem>> -> memref<128x64xf32, #tpu.memory_space<vmem>>
          %dma_wait3A_472 = arith.constant 0 : i32
          %dma_wait3A_473 = arith.constant 0 : i32
          %dma_wait3A_474 = tpu.memref_slice %run_scoped3A_24[%rem3A_332, %dma_wait3A_472, %dma_wait3A_473] : memref<2x2x128xi32, #tpu.memory_space<vmem>> -> memref<1x2x128xi32, #tpu.memory_space<vmem>>
          %dma_wait3A_475 = tpu.memref_squeeze %dma_wait3A_474 : memref<1x2x128xi32, #tpu.memory_space<vmem>> -> memref<2x128xi32, #tpu.memory_space<vmem>>
          %dma_wait3A_476 = arith.constant 0 : i32
          %dma_wait3A_477 = tpu.memref_slice %dma_wait3A_475[%dma_wait3A_464, %dma_wait3A_476] : memref<2x128xi32, #tpu.memory_space<vmem>> -> memref<1x128xi32, #tpu.memory_space<vmem>>
          %dma_wait3A_478 = tpu.memref_squeeze %dma_wait3A_477 : memref<1x128xi32, #tpu.memory_space<vmem>> -> memref<128xi32, #tpu.memory_space<vmem>>
          %dma_wait3A_479 = arith.constant 0 : i32
          %dma_wait3A_480 = arith.constant 0 : i32
          %dma_wait3A_481 = tpu.memref_slice %arg3[%dma_wait3A_479, %dma_wait3A_480] : memref<10000x64xf32, #tpu.memory_space<hbm>> -> memref<10000x64xf32, #tpu.memory_space<hbm>>
          tpu.wait_indirect_dma semaphore(%arg14 : memref<!tpu.dma_semaphore, #tpu.memory_space<semaphore_mem>>) src(%dma_wait3A_481 : memref<10000x64xf32, #tpu.memory_space<hbm>>) dst(%dma_wait3A_471 : memref<128x64xf32, #tpu.memory_space<vmem>>)
          "tpu.trace_stop"() : () -> ()
          %ne3A_482 = arith.cmpi ne, %add3A_203, %add3A_221 : i32
          %or3A_483 = arith.constant false
          %or3A_484 = arith.ori %or3A_483, %ne3A_482 : i1
          %or3A_485 = arith.constant false
          %or3A_486 = arith.ori %or3A_484, %or3A_485 : i1
          %or3A_487 = arith.ori %or3A_486, %eq3A_202 : i1
          %convert_element_type3A_488 = arith.extui %or3A_487 : i1 to i32
          %cond3A_489 = arith.constant 0 : i32
          %cond3A_490 = arith.cmpi ne, %convert_element_type3A_488, %cond3A_489 : i32
          scf.if %cond3A_490 {
          } else {
          }
          %and3A_491 = arith.constant false
          %and3A_492 = arith.andi %or3A_487, %and3A_491 : i1
          %ne3A_493 = arith.cmpi ne, %add3A_203, %add3A_221 : i32
          %or3A_494 = arith.constant false
          %or3A_495 = arith.ori %or3A_494, %ne3A_493 : i1
          %or3A_496 = arith.constant false
          %or3A_497 = arith.ori %or3A_495, %or3A_496 : i1
          %or3A_498 = arith.ori %or3A_497, %eq3A_202 : i1
          %convert_element_type3A_499 = arith.extui %or3A_498 : i1 to i32
          %cond3A_500 = arith.constant 0 : i32
          %cond3A_501 = arith.cmpi ne, %convert_element_type3A_499, %cond3A_500 : i32
          scf.if %cond3A_501 {
          } else {
          }
          %and3A_502 = arith.constant false
          %and3A_503 = arith.andi %or3A_498, %and3A_502 : i1
          %ne3A_504 = arith.cmpi ne, %add3A_203, %add3A_221 : i32
          %or3A_505 = arith.constant false
          %or3A_506 = arith.ori %or3A_505, %ne3A_504 : i1
          %or3A_507 = arith.constant false
          %or3A_508 = arith.ori %or3A_506, %or3A_507 : i1
          %or3A_509 = arith.ori %or3A_508, %eq3A_202 : i1
          %convert_element_type3A_510 = arith.extui %or3A_509 : i1 to i32
          %cond3A_511 = arith.constant 0 : i32
          %cond3A_512 = arith.cmpi ne, %convert_element_type3A_510, %cond3A_511 : i32
          scf.if %cond3A_512 {
            "tpu.trace_start"() <{level = 10 : i32, message = "ep_copy_out"}> : () -> ()
            %rem3A_615 = arith.constant 2 : i32
            %rem3A_616 = arith.remui %while3A_191, %rem3A_615 : i32
            %mul3A_617 = arith.constant 256 : i32
            %mul3A_618 = arith.muli %mul3A_617, %add3A_203 : i32
            %dma_start3A_619 = arith.constant 0 : i32
            %dma_start3A_620 = arith.constant 0 : i32
            %dma_start3A_621 = tpu.memref_slice %run_scoped3A_26[%rem3A_616, %dma_start3A_619, %dma_start3A_620] : memref<2x256x64xf32, #tpu.memory_space<vmem>> -> memref<1x256x64xf32, #tpu.memory_space<vmem>>
            %dma_start3A_622 = tpu.memref_squeeze %dma_start3A_621 : memref<1x256x64xf32, #tpu.memory_space<vmem>> -> memref<256x64xf32, #tpu.memory_space<vmem>>
            %dma_start3A_623 = arith.constant 0 : i32
            %dma_start3A_624 = tpu.memref_slice %arg8[%mul3A_618, %dma_start3A_623] : memref<320000x64xf32, #tpu.memory_space<hbm>> -> memref<256x64xf32, #tpu.memory_space<hbm>>
            %dma_start3A_625 = tpu.memref_slice %run_scoped3A_27[%rem3A_616] : memref<2x!tpu.dma_semaphore, #tpu.memory_space<semaphore_mem>> -> memref<1x!tpu.dma_semaphore, #tpu.memory_space<semaphore_mem>>
            %dma_start3A_626 = tpu.memref_squeeze %dma_start3A_625 : memref<1x!tpu.dma_semaphore, #tpu.memory_space<semaphore_mem>> -> memref<!tpu.dma_semaphore, #tpu.memory_space<semaphore_mem>>
            %dma_start3A_627 = arith.constant 0 : i32
            %dma_start3A_628 = tpu.memref_slice %arg8[%mul3A_618, %dma_start3A_627] : memref<320000x64xf32, #tpu.memory_space<hbm>> -> memref<256x64xf32, #tpu.memory_space<hbm>>
            %dma_start3A_629 = arith.constant 0 : i32
            %dma_start3A_630 = arith.constant 0 : i32
            %dma_start3A_631 = tpu.memref_slice %run_scoped3A_26[%rem3A_616, %dma_start3A_629, %dma_start3A_630] : memref<2x256x64xf32, #tpu.memory_space<vmem>> -> memref<1x256x64xf32, #tpu.memory_space<vmem>>
            %dma_start3A_632 = tpu.memref_squeeze %dma_start3A_631 : memref<1x256x64xf32, #tpu.memory_space<vmem>> -> memref<256x64xf32, #tpu.memory_space<vmem>>
            tpu.enqueue_dma source(%dma_start3A_632 : memref<256x64xf32, #tpu.memory_space<vmem>>) target(%dma_start3A_628 : memref<256x64xf32, #tpu.memory_space<hbm>>) target_semaphore(%dma_start3A_626 : memref<!tpu.dma_semaphore, #tpu.memory_space<semaphore_mem>>)
            "tpu.trace_stop"() : () -> ()
          } else {
          }
          %and3A_513 = arith.constant true
          %and3A_514 = arith.andi %or3A_509, %and3A_513 : i1
          %add3A_515 = arith.constant 1 : i32
          %add3A_516 = arith.addi %while3A_191, %add3A_515 : i32
          %select_n3A_517 = arith.select %and3A_514, %add3A_516, %while3A_191 : i32
          %ne3A_518 = arith.cmpi ne, %add3A_203, %add3A_221 : i32
          %or3A_519 = arith.constant false
          %or3A_520 = arith.ori %or3A_519, %ne3A_518 : i1
          %or3A_521 = arith.constant false
          %or3A_522 = arith.ori %or3A_520, %or3A_521 : i1
          %or3A_523 = arith.ori %or3A_522, %eq3A_202 : i1
          %convert_element_type3A_524 = arith.extui %or3A_523 : i1 to i32
          %cond3A_525 = arith.constant 0 : i32
          %cond3A_526 = arith.cmpi ne, %convert_element_type3A_524, %cond3A_525 : i32
          scf.if %cond3A_526 {
            "tpu.trace_start"() <{level = 10 : i32, message = "ep_copy_out"}> : () -> ()
            %rem3A_615 = arith.constant 2 : i32
            %rem3A_616 = arith.remui %while3A_193, %rem3A_615 : i32
            %mul3A_617 = arith.constant 256 : i32
            %mul3A_618 = arith.muli %mul3A_617, %add3A_203 : i32
            %dma_start3A_619 = arith.constant 0 : i32
            %dma_start3A_620 = arith.constant 0 : i32
            %dma_start3A_621 = tpu.memref_slice %run_scoped3A_28[%rem3A_616, %dma_start3A_619, %dma_start3A_620] : memref<2x256x64xf32, #tpu.memory_space<vmem>> -> memref<1x256x64xf32, #tpu.memory_space<vmem>>
            %dma_start3A_622 = tpu.memref_squeeze %dma_start3A_621 : memref<1x256x64xf32, #tpu.memory_space<vmem>> -> memref<256x64xf32, #tpu.memory_space<vmem>>
            %dma_start3A_623 = arith.constant 0 : i32
            %dma_start3A_624 = tpu.memref_slice %arg9[%mul3A_618, %dma_start3A_623] : memref<320000x64xf32, #tpu.memory_space<hbm>> -> memref<256x64xf32, #tpu.memory_space<hbm>>
            %dma_start3A_625 = tpu.memref_slice %run_scoped3A_29[%rem3A_616] : memref<2x!tpu.dma_semaphore, #tpu.memory_space<semaphore_mem>> -> memref<1x!tpu.dma_semaphore, #tpu.memory_space<semaphore_mem>>
            %dma_start3A_626 = tpu.memref_squeeze %dma_start3A_625 : memref<1x!tpu.dma_semaphore, #tpu.memory_space<semaphore_mem>> -> memref<!tpu.dma_semaphore, #tpu.memory_space<semaphore_mem>>
            %dma_start3A_627 = arith.constant 0 : i32
            %dma_start3A_628 = tpu.memref_slice %arg9[%mul3A_618, %dma_start3A_627] : memref<320000x64xf32, #tpu.memory_space<hbm>> -> memref<256x64xf32, #tpu.memory_space<hbm>>
            %dma_start3A_629 = arith.constant 0 : i32
            %dma_start3A_630 = arith.constant 0 : i32
            %dma_start3A_631 = tpu.memref_slice %run_scoped3A_28[%rem3A_616, %dma_start3A_629, %dma_start3A_630] : memref<2x256x64xf32, #tpu.memory_space<vmem>> -> memref<1x256x64xf32, #tpu.memory_space<vmem>>
            %dma_start3A_632 = tpu.memref_squeeze %dma_start3A_631 : memref<1x256x64xf32, #tpu.memory_space<vmem>> -> memref<256x64xf32, #tpu.memory_space<vmem>>
            tpu.enqueue_dma source(%dma_start3A_632 : memref<256x64xf32, #tpu.memory_space<vmem>>) target(%dma_start3A_628 : memref<256x64xf32, #tpu.memory_space<hbm>>) target_semaphore(%dma_start3A_626 : memref<!tpu.dma_semaphore, #tpu.memory_space<semaphore_mem>>)
            "tpu.trace_stop"() : () -> ()
          } else {
          }
          %and3A_527 = arith.constant true
          %and3A_528 = arith.andi %or3A_523, %and3A_527 : i1
          %add3A_529 = arith.constant 1 : i32
          %add3A_530 = arith.addi %while3A_193, %add3A_529 : i32
          %select_n3A_531 = arith.select %and3A_528, %add3A_530, %while3A_193 : i32
          %ne3A_532 = arith.cmpi ne, %add3A_203, %add3A_213 : i32
          %or3A_533 = arith.constant false
          %or3A_534 = arith.ori %or3A_533, %ne3A_532 : i1
          %or3A_535 = arith.constant false
          %or3A_536 = arith.ori %or3A_534, %or3A_535 : i1
          %not3A_537 = arith.constant true
          %not3A_538 = arith.xori %eq3A_199, %not3A_537 : i1
          %and3A_539 = arith.andi %or3A_536, %not3A_538 : i1
          %convert_element_type3A_540 = arith.extui %and3A_539 : i1 to i32
          %cond3A_541 = arith.constant 0 : i32
          %cond3A_542 = arith.cmpi ne, %convert_element_type3A_540, %cond3A_541 : i32
          scf.if %cond3A_542 {
          } else {
          }
          %and3A_543 = arith.constant false
          %and3A_544 = arith.andi %and3A_539, %and3A_543 : i1
          %ne3A_545 = arith.cmpi ne, %add3A_203, %add3A_213 : i32
          %or3A_546 = arith.constant false
          %or3A_547 = arith.ori %or3A_546, %ne3A_545 : i1
          %or3A_548 = arith.constant false
          %or3A_549 = arith.ori %or3A_547, %or3A_548 : i1
          %not3A_550 = arith.constant true
          %not3A_551 = arith.xori %eq3A_199, %not3A_550 : i1
          %and3A_552 = arith.andi %or3A_549, %not3A_551 : i1
          %convert_element_type3A_553 = arith.extui %and3A_552 : i1 to i32
          %cond3A_554 = arith.constant 0 : i32
          %cond3A_555 = arith.cmpi ne, %convert_element_type3A_553, %cond3A_554 : i32
          scf.if %cond3A_555 {
          } else {
          }
          %and3A_556 = arith.constant false
          %and3A_557 = arith.andi %and3A_552, %and3A_556 : i1
          %ne3A_558 = arith.cmpi ne, %add3A_203, %add3A_213 : i32
          %or3A_559 = arith.constant false
          %or3A_560 = arith.ori %or3A_559, %ne3A_558 : i1
          %or3A_561 = arith.constant false
          %or3A_562 = arith.ori %or3A_560, %or3A_561 : i1
          %not3A_563 = arith.constant true
          %not3A_564 = arith.xori %eq3A_199, %not3A_563 : i1
          %and3A_565 = arith.andi %or3A_562, %not3A_564 : i1
          %convert_element_type3A_566 = arith.extui %and3A_565 : i1 to i32
          %cond3A_567 = arith.constant 0 : i32
          %cond3A_568 = arith.cmpi ne, %convert_element_type3A_566, %cond3A_567 : i32
          scf.if %cond3A_568 {
            "tpu.trace_start"() <{level = 10 : i32, message = "ep_wait_out"}> : () -> ()
            %rem3A_615 = arith.constant 2 : i32
            %rem3A_616 = arith.remui %while3A_192, %rem3A_615 : i32
            %mul3A_617 = arith.constant 256 : i32
            %mul3A_618 = arith.muli %mul3A_617, %add3A_213 : i32
            %dma_wait3A_619 = arith.constant 0 : i32
            %dma_wait3A_620 = arith.constant 0 : i32
            %dma_wait3A_621 = tpu.memref_slice %run_scoped3A_26[%rem3A_616, %dma_wait3A_619, %dma_wait3A_620] : memref<2x256x64xf32, #tpu.memory_space<vmem>> -> memref<1x256x64xf32, #tpu.memory_space<vmem>>
            %dma_wait3A_622 = tpu.memref_squeeze %dma_wait3A_621 : memref<1x256x64xf32, #tpu.memory_space<vmem>> -> memref<256x64xf32, #tpu.memory_space<vmem>>
            %dma_wait3A_623 = arith.constant 0 : i32
            %dma_wait3A_624 = tpu.memref_slice %arg8[%mul3A_618, %dma_wait3A_623] : memref<320000x64xf32, #tpu.memory_space<hbm>> -> memref<256x64xf32, #tpu.memory_space<hbm>>
            %dma_wait3A_625 = tpu.memref_slice %run_scoped3A_27[%rem3A_616] : memref<2x!tpu.dma_semaphore, #tpu.memory_space<semaphore_mem>> -> memref<1x!tpu.dma_semaphore, #tpu.memory_space<semaphore_mem>>
            %dma_wait3A_626 = tpu.memref_squeeze %dma_wait3A_625 : memref<1x!tpu.dma_semaphore, #tpu.memory_space<semaphore_mem>> -> memref<!tpu.dma_semaphore, #tpu.memory_space<semaphore_mem>>
            %dma_wait3A_627 = arith.constant 0 : i32
            %dma_wait3A_628 = tpu.memref_slice %arg8[%mul3A_618, %dma_wait3A_627] : memref<320000x64xf32, #tpu.memory_space<hbm>> -> memref<256x64xf32, #tpu.memory_space<hbm>>
            %dma_wait3A_629 = arith.constant 0 : i32
            %dma_wait3A_630 = arith.constant 0 : i32
            %dma_wait3A_631 = tpu.memref_slice %run_scoped3A_26[%rem3A_616, %dma_wait3A_629, %dma_wait3A_630] : memref<2x256x64xf32, #tpu.memory_space<vmem>> -> memref<1x256x64xf32, #tpu.memory_space<vmem>>
            %dma_wait3A_632 = tpu.memref_squeeze %dma_wait3A_631 : memref<1x256x64xf32, #tpu.memory_space<vmem>> -> memref<256x64xf32, #tpu.memory_space<vmem>>
            tpu.wait_dma2 semaphore(%dma_wait3A_626 : memref<!tpu.dma_semaphore, #tpu.memory_space<semaphore_mem>>) src(%dma_wait3A_632 : memref<256x64xf32, #tpu.memory_space<vmem>>) dst(%dma_wait3A_628 : memref<256x64xf32, #tpu.memory_space<hbm>>)
            "tpu.trace_stop"() : () -> ()
          } else {
          }
          %and3A_569 = arith.constant true
          %and3A_570 = arith.andi %and3A_565, %and3A_569 : i1
          %add3A_571 = arith.constant 1 : i32
          %add3A_572 = arith.addi %while3A_192, %add3A_571 : i32
          %select_n3A_573 = arith.select %and3A_570, %add3A_572, %while3A_192 : i32
          %ne3A_574 = arith.cmpi ne, %add3A_203, %add3A_213 : i32
          %or3A_575 = arith.constant false
          %or3A_576 = arith.ori %or3A_575, %ne3A_574 : i1
          %or3A_577 = arith.constant false
          %or3A_578 = arith.ori %or3A_576, %or3A_577 : i1
          %not3A_579 = arith.constant true
          %not3A_580 = arith.xori %eq3A_199, %not3A_579 : i1
          %and3A_581 = arith.andi %or3A_578, %not3A_580 : i1
          %convert_element_type3A_582 = arith.extui %and3A_581 : i1 to i32
          %cond3A_583 = arith.constant 0 : i32
          %cond3A_584 = arith.cmpi ne, %convert_element_type3A_582, %cond3A_583 : i32
          scf.if %cond3A_584 {
            "tpu.trace_start"() <{level = 10 : i32, message = "ep_wait_out"}> : () -> ()
            %rem3A_615 = arith.constant 2 : i32
            %rem3A_616 = arith.remui %while3A_194, %rem3A_615 : i32
            %mul3A_617 = arith.constant 256 : i32
            %mul3A_618 = arith.muli %mul3A_617, %add3A_213 : i32
            %dma_wait3A_619 = arith.constant 0 : i32
            %dma_wait3A_620 = arith.constant 0 : i32
            %dma_wait3A_621 = tpu.memref_slice %run_scoped3A_28[%rem3A_616, %dma_wait3A_619, %dma_wait3A_620] : memref<2x256x64xf32, #tpu.memory_space<vmem>> -> memref<1x256x64xf32, #tpu.memory_space<vmem>>
            %dma_wait3A_622 = tpu.memref_squeeze %dma_wait3A_621 : memref<1x256x64xf32, #tpu.memory_space<vmem>> -> memref<256x64xf32, #tpu.memory_space<vmem>>
            %dma_wait3A_623 = arith.constant 0 : i32
            %dma_wait3A_624 = tpu.memref_slice %arg9[%mul3A_618, %dma_wait3A_623] : memref<320000x64xf32, #tpu.memory_space<hbm>> -> memref<256x64xf32, #tpu.memory_space<hbm>>
            %dma_wait3A_625 = tpu.memref_slice %run_scoped3A_29[%rem3A_616] : memref<2x!tpu.dma_semaphore, #tpu.memory_space<semaphore_mem>> -> memref<1x!tpu.dma_semaphore, #tpu.memory_space<semaphore_mem>>
            %dma_wait3A_626 = tpu.memref_squeeze %dma_wait3A_625 : memref<1x!tpu.dma_semaphore, #tpu.memory_space<semaphore_mem>> -> memref<!tpu.dma_semaphore, #tpu.memory_space<semaphore_mem>>
            %dma_wait3A_627 = arith.constant 0 : i32
            %dma_wait3A_628 = tpu.memref_slice %arg9[%mul3A_618, %dma_wait3A_627] : memref<320000x64xf32, #tpu.memory_space<hbm>> -> memref<256x64xf32, #tpu.memory_space<hbm>>
            %dma_wait3A_629 = arith.constant 0 : i32
            %dma_wait3A_630 = arith.constant 0 : i32
            %dma_wait3A_631 = tpu.memref_slice %run_scoped3A_28[%rem3A_616, %dma_wait3A_629, %dma_wait3A_630] : memref<2x256x64xf32, #tpu.memory_space<vmem>> -> memref<1x256x64xf32, #tpu.memory_space<vmem>>
            %dma_wait3A_632 = tpu.memref_squeeze %dma_wait3A_631 : memref<1x256x64xf32, #tpu.memory_space<vmem>> -> memref<256x64xf32, #tpu.memory_space<vmem>>
            tpu.wait_dma2 semaphore(%dma_wait3A_626 : memref<!tpu.dma_semaphore, #tpu.memory_space<semaphore_mem>>) src(%dma_wait3A_632 : memref<256x64xf32, #tpu.memory_space<vmem>>) dst(%dma_wait3A_628 : memref<256x64xf32, #tpu.memory_space<hbm>>)
            "tpu.trace_stop"() : () -> ()
          } else {
          }
          %and3A_585 = arith.constant true
          %and3A_586 = arith.andi %and3A_581, %and3A_585 : i1
          %add3A_587 = arith.constant 1 : i32
          %add3A_588 = arith.addi %while3A_194, %add3A_587 : i32
          %select_n3A_589 = arith.select %and3A_586, %add3A_588, %while3A_194 : i32
          %ne3A_590 = arith.cmpi ne, %add3A_203, %add3A_221 : i32
          %or3A_591 = arith.constant false
          %or3A_592 = arith.ori %or3A_591, %ne3A_590 : i1
          %or3A_593 = arith.constant false
          %or3A_594 = arith.ori %or3A_592, %or3A_593 : i1
          %or3A_595 = arith.ori %or3A_594, %eq3A_202 : i1
          %add3A_596 = arith.constant 1 : i32
          %add3A_597 = arith.addi %while3A_188, %add3A_596 : i32
          %select_n3A_598 = arith.select %or3A_595, %add3A_597, %while3A_188 : i32
          %ne3A_599 = arith.cmpi ne, %add3A_203, %add3A_221 : i32
          %or3A_600 = arith.constant false
          %or3A_601 = arith.ori %or3A_600, %ne3A_599 : i1
          %or3A_602 = arith.constant false
          %or3A_603 = arith.ori %or3A_601, %or3A_602 : i1
          %or3A_604 = arith.ori %or3A_603, %eq3A_202 : i1
          %add3A_605 = arith.constant 1 : i32
          %add3A_606 = arith.addi %while3A_190, %add3A_605 : i32
          %select_n3A_607 = arith.select %or3A_604, %add3A_606, %while3A_190 : i32
          %add3A_608 = arith.constant 1 : i32
          %add3A_609 = arith.addi %while3A_195, %add3A_608 : i32
          %select_n3A_610 = arith.constant true
          %select_n3A_611 = arith.select %select_n3A_610, %add3A_609, %while3A_195 : i32
          %eq3A_612 = arith.cmpi eq, %select_n3A_611, %select_n3A : i32
          %select_n3A_613 = arith.constant 0 : i32
          %select_n3A_614 = arith.select %eq3A_612, %select_n3A_613, %select_n3A_611 : i32
          scf.yield %select_n3A_245, %select_n3A_598, %select_n3A_266, %select_n3A_607, %select_n3A_517, %select_n3A_573, %select_n3A_531, %select_n3A_589, %select_n3A_614 : i32, i32, i32, i32, i32, i32, i32, i32, i32
        }
        %while3A_127 = arith.constant 1 : i32
        %while3A_128:9 = scf.for %while3A_186 = %while3A_124 to %while3A_120 step %while3A_127 iter_args(%while3A_187 = %while3A_126#0, %while3A_188 = %while3A_126#1, %while3A_189 = %while3A_126#2, %while3A_190 = %while3A_126#3, %while3A_191 = %while3A_126#4, %while3A_192 = %while3A_126#5, %while3A_193 = %while3A_126#6, %while3A_194 = %while3A_126#7, %while3A_195 = %while3A_126#8) -> (i32, i32, i32, i32, i32, i32, i32, i32, i32)  : i32 {
          %mul3A_196 = arith.constant 1 : i32
          %mul3A_197 = arith.muli %mul3A_196, %select_n3A : i32
          %eq3A_198 = arith.constant 0 : i32
          %eq3A_199 = arith.cmpi eq, %while3A_186, %eq3A_198 : i32
          %sub3A_200 = arith.constant 1 : i32
          %sub3A_201 = arith.subi %mul3A_197, %sub3A_200 : i32
          %eq3A_202 = arith.cmpi eq, %while3A_186, %sub3A_201 : i32
          %add3A_203 = arith.addi %while3A_195, %select_n3A_16 : i32
          %sub3A_204 = arith.constant 1 : i32
          %sub3A_205 = arith.subi %while3A_195, %sub3A_204 : i32
          %select_n3A_206 = arith.constant true
          %select_n3A_207 = arith.select %select_n3A_206, %sub3A_205, %while3A_195 : i32
          %eq3A_208 = arith.constant -1 : i32
          %eq3A_209 = arith.cmpi eq, %select_n3A_207, %eq3A_208 : i32
          %sub3A_210 = arith.constant 1 : i32
          %sub3A_211 = arith.subi %select_n3A, %sub3A_210 : i32
          %select_n3A_212 = arith.select %eq3A_209, %sub3A_211, %select_n3A_207 : i32
          %add3A_213 = arith.addi %select_n3A_212, %select_n3A_16 : i32
          %add3A_214 = arith.constant 1 : i32
          %add3A_215 = arith.addi %while3A_195, %add3A_214 : i32
          %select_n3A_216 = arith.constant true
          %select_n3A_217 = arith.select %select_n3A_216, %add3A_215, %while3A_195 : i32
          %eq3A_218 = arith.cmpi eq, %select_n3A_217, %select_n3A : i32
          %select_n3A_219 = arith.constant 0 : i32
          %select_n3A_220 = arith.select %eq3A_218, %select_n3A_219, %select_n3A_217 : i32
          %add3A_221 = arith.addi %select_n3A_220, %select_n3A_16 : i32
          %add3A_222 = arith.constant 1 : i32
          %add3A_223 = arith.addi %select_n3A_220, %add3A_222 : i32
          %select_n3A_224 = arith.constant true
          %select_n3A_225 = arith.select %select_n3A_224, %add3A_223, %select_n3A_220 : i32
          %eq3A_226 = arith.cmpi eq, %select_n3A_225, %select_n3A : i32
          %select_n3A_227 = arith.constant 0 : i32
          %select_n3A_228 = arith.select %eq3A_226, %select_n3A_227, %select_n3A_225 : i32
          %add3A_229 = arith.addi %select_n3A_228, %select_n3A_16 : i32
          %ne3A = arith.cmpi ne, %add3A_203, %add3A_221 : i32
          %or3A = arith.constant false
          %or3A_230 = arith.ori %or3A, %ne3A : i1
          %or3A_231 = arith.constant false
          %or3A_232 = arith.ori %or3A_230, %or3A_231 : i1
          %sub3A_233 = arith.constant 2 : i32
          %sub3A_234 = arith.subi %mul3A_197, %sub3A_233 : i32
          %add3A_235 = arith.constant 1 : i32
          %add3A_236 = arith.addi %sub3A_234, %add3A_235 : i32
          %ge3A = arith.cmpi sge, %while3A_186, %add3A_236 : i32
          %not3A = arith.constant true
          %not3A_237 = arith.xori %ge3A, %not3A : i1
          %and3A = arith.andi %or3A_232, %not3A_237 : i1
          %convert_element_type3A_238 = arith.extui %and3A : i1 to i32
          %cond3A_239 = arith.constant 0 : i32
          %cond3A_240 = arith.cmpi ne, %convert_element_type3A_238, %cond3A_239 : i32
          scf.if %cond3A_240 {
            "tpu.trace_start"() <{level = 10 : i32, message = "ep_copy_in"}> : () -> ()
            %rem3A_615 = arith.constant 2 : i32
            %rem3A_616 = arith.remui %while3A_187, %rem3A_615 : i32
            %mul3A_617 = arith.constant 2 : i32
            %mul3A_618 = arith.muli %mul3A_617, %add3A_221 : i32
            %dma_start3A_619 = arith.constant 0 : i32
            %dma_start3A_620 = arith.constant 0 : i32
            %dma_start3A_621 = tpu.memref_slice %run_scoped3A[%rem3A_616, %dma_start3A_619, %dma_start3A_620] : memref<2x2x128xi32, #tpu.memory_space<vmem>> -> memref<1x2x128xi32, #tpu.memory_space<vmem>>
            %dma_start3A_622 = tpu.memref_squeeze %dma_start3A_621 : memref<1x2x128xi32, #tpu.memory_space<vmem>> -> memref<2x128xi32, #tpu.memory_space<vmem>>
            %dma_start3A_623 = arith.constant 0 : i32
            %dma_start3A_624 = tpu.memref_slice %arg4[%mul3A_618, %dma_start3A_623] : memref<2500x128xi32, #tpu.memory_space<hbm>> -> memref<2x128xi32, #tpu.memory_space<hbm>>
            %dma_start3A_625 = tpu.memref_slice %run_scoped3A_23[%rem3A_616] : memref<2x!tpu.dma_semaphore, #tpu.memory_space<semaphore_mem>> -> memref<1x!tpu.dma_semaphore, #tpu.memory_space<semaphore_mem>>
            %dma_start3A_626 = tpu.memref_squeeze %dma_start3A_625 : memref<1x!tpu.dma_semaphore, #tpu.memory_space<semaphore_mem>> -> memref<!tpu.dma_semaphore, #tpu.memory_space<semaphore_mem>>
            %dma_start3A_627 = arith.constant 0 : i32
            %dma_start3A_628 = arith.constant 0 : i32
            %dma_start3A_629 = tpu.memref_slice %run_scoped3A[%rem3A_616, %dma_start3A_627, %dma_start3A_628] : memref<2x2x128xi32, #tpu.memory_space<vmem>> -> memref<1x2x128xi32, #tpu.memory_space<vmem>>
            %dma_start3A_630 = tpu.memref_squeeze %dma_start3A_629 : memref<1x2x128xi32, #tpu.memory_space<vmem>> -> memref<2x128xi32, #tpu.memory_space<vmem>>
            %dma_start3A_631 = arith.constant 0 : i32
            %dma_start3A_632 = tpu.memref_slice %arg4[%mul3A_618, %dma_start3A_631] : memref<2500x128xi32, #tpu.memory_space<hbm>> -> memref<2x128xi32, #tpu.memory_space<hbm>>
            tpu.enqueue_dma source(%dma_start3A_632 : memref<2x128xi32, #tpu.memory_space<hbm>>) target(%dma_start3A_630 : memref<2x128xi32, #tpu.memory_space<vmem>>) target_semaphore(%dma_start3A_626 : memref<!tpu.dma_semaphore, #tpu.memory_space<semaphore_mem>>)
            "tpu.trace_stop"() : () -> ()
          } else {
          }
          %and3A_241 = arith.constant true
          %and3A_242 = arith.andi %and3A, %and3A_241 : i1
          %add3A_243 = arith.constant 1 : i32
          %add3A_244 = arith.addi %while3A_187, %add3A_243 : i32
          %select_n3A_245 = arith.select %and3A_242, %add3A_244, %while3A_187 : i32
          %ne3A_246 = arith.cmpi ne, %add3A_203, %add3A_221 : i32
          %or3A_247 = arith.constant false
          %or3A_248 = arith.ori %or3A_247, %ne3A_246 : i1
          %or3A_249 = arith.constant false
          %or3A_250 = arith.ori %or3A_248, %or3A_249 : i1
          %sub3A_251 = arith.constant 2 : i32
          %sub3A_252 = arith.subi %mul3A_197, %sub3A_251 : i32
          %add3A_253 = arith.constant 1 : i32
          %add3A_254 = arith.addi %sub3A_252, %add3A_253 : i32
          %ge3A_255 = arith.cmpi sge, %while3A_186, %add3A_254 : i32
          %not3A_256 = arith.constant true
          %not3A_257 = arith.xori %ge3A_255, %not3A_256 : i1
          %and3A_258 = arith.andi %or3A_250, %not3A_257 : i1
          %convert_element_type3A_259 = arith.extui %and3A_258 : i1 to i32
          %cond3A_260 = arith.constant 0 : i32
          %cond3A_261 = arith.cmpi ne, %convert_element_type3A_259, %cond3A_260 : i32
          scf.if %cond3A_261 {
            "tpu.trace_start"() <{level = 10 : i32, message = "ep_copy_in"}> : () -> ()
            %rem3A_615 = arith.constant 2 : i32
            %rem3A_616 = arith.remui %while3A_189, %rem3A_615 : i32
            %mul3A_617 = arith.constant 2 : i32
            %mul3A_618 = arith.muli %mul3A_617, %add3A_221 : i32
            %dma_start3A_619 = arith.constant 0 : i32
            %dma_start3A_620 = arith.constant 0 : i32
            %dma_start3A_621 = tpu.memref_slice %run_scoped3A_24[%rem3A_616, %dma_start3A_619, %dma_start3A_620] : memref<2x2x128xi32, #tpu.memory_space<vmem>> -> memref<1x2x128xi32, #tpu.memory_space<vmem>>
            %dma_start3A_622 = tpu.memref_squeeze %dma_start3A_621 : memref<1x2x128xi32, #tpu.memory_space<vmem>> -> memref<2x128xi32, #tpu.memory_space<vmem>>
            %dma_start3A_623 = arith.constant 0 : i32
            %dma_start3A_624 = tpu.memref_slice %arg5[%mul3A_618, %dma_start3A_623] : memref<2500x128xi32, #tpu.memory_space<hbm>> -> memref<2x128xi32, #tpu.memory_space<hbm>>
            %dma_start3A_625 = tpu.memref_slice %run_scoped3A_25[%rem3A_616] : memref<2x!tpu.dma_semaphore, #tpu.memory_space<semaphore_mem>> -> memref<1x!tpu.dma_semaphore, #tpu.memory_space<semaphore_mem>>
            %dma_start3A_626 = tpu.memref_squeeze %dma_start3A_625 : memref<1x!tpu.dma_semaphore, #tpu.memory_space<semaphore_mem>> -> memref<!tpu.dma_semaphore, #tpu.memory_space<semaphore_mem>>
            %dma_start3A_627 = arith.constant 0 : i32
            %dma_start3A_628 = arith.constant 0 : i32
            %dma_start3A_629 = tpu.memref_slice %run_scoped3A_24[%rem3A_616, %dma_start3A_627, %dma_start3A_628] : memref<2x2x128xi32, #tpu.memory_space<vmem>> -> memref<1x2x128xi32, #tpu.memory_space<vmem>>
            %dma_start3A_630 = tpu.memref_squeeze %dma_start3A_629 : memref<1x2x128xi32, #tpu.memory_space<vmem>> -> memref<2x128xi32, #tpu.memory_space<vmem>>
            %dma_start3A_631 = arith.constant 0 : i32
            %dma_start3A_632 = tpu.memref_slice %arg5[%mul3A_618, %dma_start3A_631] : memref<2500x128xi32, #tpu.memory_space<hbm>> -> memref<2x128xi32, #tpu.memory_space<hbm>>
            tpu.enqueue_dma source(%dma_start3A_632 : memref<2x128xi32, #tpu.memory_space<hbm>>) target(%dma_start3A_630 : memref<2x128xi32, #tpu.memory_space<vmem>>) target_semaphore(%dma_start3A_626 : memref<!tpu.dma_semaphore, #tpu.memory_space<semaphore_mem>>)
            "tpu.trace_stop"() : () -> ()
          } else {
          }
          %and3A_262 = arith.constant true
          %and3A_263 = arith.andi %and3A_258, %and3A_262 : i1
          %add3A_264 = arith.constant 1 : i32
          %add3A_265 = arith.addi %while3A_189, %add3A_264 : i32
          %select_n3A_266 = arith.select %and3A_263, %add3A_265, %while3A_189 : i32
          %ne3A_267 = arith.cmpi ne, %add3A_203, %add3A_221 : i32
          %or3A_268 = arith.constant false
          %or3A_269 = arith.ori %or3A_268, %ne3A_267 : i1
          %or3A_270 = arith.constant false
          %or3A_271 = arith.ori %or3A_269, %or3A_270 : i1
          %sub3A_272 = arith.constant 2 : i32
          %sub3A_273 = arith.subi %mul3A_197, %sub3A_272 : i32
          %add3A_274 = arith.constant 1 : i32
          %add3A_275 = arith.addi %sub3A_273, %add3A_274 : i32
          %ge3A_276 = arith.cmpi sge, %while3A_186, %add3A_275 : i32
          %not3A_277 = arith.constant true
          %not3A_278 = arith.xori %ge3A_276, %not3A_277 : i1
          %and3A_279 = arith.andi %or3A_271, %not3A_278 : i1
          %ne3A_280 = arith.cmpi ne, %add3A_203, %add3A_221 : i32
          %or3A_281 = arith.constant false
          %or3A_282 = arith.ori %or3A_281, %ne3A_280 : i1
          %or3A_283 = arith.constant false
          %or3A_284 = arith.ori %or3A_282, %or3A_283 : i1
          %sub3A_285 = arith.constant 2 : i32
          %sub3A_286 = arith.subi %mul3A_197, %sub3A_285 : i32
          %add3A_287 = arith.constant 1 : i32
          %add3A_288 = arith.addi %sub3A_286, %add3A_287 : i32
          %ge3A_289 = arith.cmpi sge, %while3A_186, %add3A_288 : i32
          %not3A_290 = arith.constant true
          %not3A_291 = arith.xori %ge3A_289, %not3A_290 : i1
          %and3A_292 = arith.andi %or3A_284, %not3A_291 : i1
          %ne3A_293 = arith.cmpi ne, %add3A_203, %add3A_213 : i32
          %or3A_294 = arith.constant false
          %or3A_295 = arith.ori %or3A_294, %ne3A_293 : i1
          %or3A_296 = arith.constant false
          %or3A_297 = arith.ori %or3A_295, %or3A_296 : i1
          %or3A_298 = arith.ori %or3A_297, %eq3A_199 : i1
          %convert_element_type3A_299 = arith.extui %or3A_298 : i1 to i32
          %cond3A_300 = arith.constant 0 : i32
          %cond3A_301 = arith.cmpi ne, %convert_element_type3A_299, %cond3A_300 : i32
          scf.if %cond3A_301 {
            "tpu.trace_start"() <{level = 10 : i32, message = "ep_wait_in"}> : () -> ()
            %mul3A_615 = arith.constant 2 : i32
            %mul3A_616 = arith.muli %mul3A_615, %add3A_203 : i32
            %rem3A_617 = arith.constant 2 : i32
            %rem3A_618 = arith.remui %while3A_188, %rem3A_617 : i32
            %dma_wait3A_619 = arith.constant 0 : i32
            %dma_wait3A_620 = arith.constant 0 : i32
            %dma_wait3A_621 = tpu.memref_slice %run_scoped3A[%rem3A_618, %dma_wait3A_619, %dma_wait3A_620] : memref<2x2x128xi32, #tpu.memory_space<vmem>> -> memref<1x2x128xi32, #tpu.memory_space<vmem>>
            %dma_wait3A_622 = tpu.memref_squeeze %dma_wait3A_621 : memref<1x2x128xi32, #tpu.memory_space<vmem>> -> memref<2x128xi32, #tpu.memory_space<vmem>>
            %dma_wait3A_623 = arith.constant 0 : i32
            %dma_wait3A_624 = tpu.memref_slice %arg4[%mul3A_616, %dma_wait3A_623] : memref<2500x128xi32, #tpu.memory_space<hbm>> -> memref<2x128xi32, #tpu.memory_space<hbm>>
            %dma_wait3A_625 = tpu.memref_slice %run_scoped3A_23[%rem3A_618] : memref<2x!tpu.dma_semaphore, #tpu.memory_space<semaphore_mem>> -> memref<1x!tpu.dma_semaphore, #tpu.memory_space<semaphore_mem>>
            %dma_wait3A_626 = tpu.memref_squeeze %dma_wait3A_625 : memref<1x!tpu.dma_semaphore, #tpu.memory_space<semaphore_mem>> -> memref<!tpu.dma_semaphore, #tpu.memory_space<semaphore_mem>>
            %dma_wait3A_627 = arith.constant 0 : i32
            %dma_wait3A_628 = arith.constant 0 : i32
            %dma_wait3A_629 = tpu.memref_slice %run_scoped3A[%rem3A_618, %dma_wait3A_627, %dma_wait3A_628] : memref<2x2x128xi32, #tpu.memory_space<vmem>> -> memref<1x2x128xi32, #tpu.memory_space<vmem>>
            %dma_wait3A_630 = tpu.memref_squeeze %dma_wait3A_629 : memref<1x2x128xi32, #tpu.memory_space<vmem>> -> memref<2x128xi32, #tpu.memory_space<vmem>>
            %dma_wait3A_631 = arith.constant 0 : i32
            %dma_wait3A_632 = tpu.memref_slice %arg4[%mul3A_616, %dma_wait3A_631] : memref<2500x128xi32, #tpu.memory_space<hbm>> -> memref<2x128xi32, #tpu.memory_space<hbm>>
            tpu.wait_dma2 semaphore(%dma_wait3A_626 : memref<!tpu.dma_semaphore, #tpu.memory_space<semaphore_mem>>) src(%dma_wait3A_632 : memref<2x128xi32, #tpu.memory_space<hbm>>) dst(%dma_wait3A_630 : memref<2x128xi32, #tpu.memory_space<vmem>>)
            "tpu.trace_stop"() : () -> ()
          } else {
          }
          %ne3A_302 = arith.cmpi ne, %add3A_203, %add3A_213 : i32
          %or3A_303 = arith.constant false
          %or3A_304 = arith.ori %or3A_303, %ne3A_302 : i1
          %or3A_305 = arith.constant false
          %or3A_306 = arith.ori %or3A_304, %or3A_305 : i1
          %or3A_307 = arith.ori %or3A_306, %eq3A_199 : i1
          %convert_element_type3A_308 = arith.extui %or3A_307 : i1 to i32
          %cond3A_309 = arith.constant 0 : i32
          %cond3A_310 = arith.cmpi ne, %convert_element_type3A_308, %cond3A_309 : i32
          scf.if %cond3A_310 {
            "tpu.trace_start"() <{level = 10 : i32, message = "ep_wait_in"}> : () -> ()
            %mul3A_615 = arith.constant 2 : i32
            %mul3A_616 = arith.muli %mul3A_615, %add3A_203 : i32
            %rem3A_617 = arith.constant 2 : i32
            %rem3A_618 = arith.remui %while3A_190, %rem3A_617 : i32
            %dma_wait3A_619 = arith.constant 0 : i32
            %dma_wait3A_620 = arith.constant 0 : i32
            %dma_wait3A_621 = tpu.memref_slice %run_scoped3A_24[%rem3A_618, %dma_wait3A_619, %dma_wait3A_620] : memref<2x2x128xi32, #tpu.memory_space<vmem>> -> memref<1x2x128xi32, #tpu.memory_space<vmem>>
            %dma_wait3A_622 = tpu.memref_squeeze %dma_wait3A_621 : memref<1x2x128xi32, #tpu.memory_space<vmem>> -> memref<2x128xi32, #tpu.memory_space<vmem>>
            %dma_wait3A_623 = arith.constant 0 : i32
            %dma_wait3A_624 = tpu.memref_slice %arg5[%mul3A_616, %dma_wait3A_623] : memref<2500x128xi32, #tpu.memory_space<hbm>> -> memref<2x128xi32, #tpu.memory_space<hbm>>
            %dma_wait3A_625 = tpu.memref_slice %run_scoped3A_25[%rem3A_618] : memref<2x!tpu.dma_semaphore, #tpu.memory_space<semaphore_mem>> -> memref<1x!tpu.dma_semaphore, #tpu.memory_space<semaphore_mem>>
            %dma_wait3A_626 = tpu.memref_squeeze %dma_wait3A_625 : memref<1x!tpu.dma_semaphore, #tpu.memory_space<semaphore_mem>> -> memref<!tpu.dma_semaphore, #tpu.memory_space<semaphore_mem>>
            %dma_wait3A_627 = arith.constant 0 : i32
            %dma_wait3A_628 = arith.constant 0 : i32
            %dma_wait3A_629 = tpu.memref_slice %run_scoped3A_24[%rem3A_618, %dma_wait3A_627, %dma_wait3A_628] : memref<2x2x128xi32, #tpu.memory_space<vmem>> -> memref<1x2x128xi32, #tpu.memory_space<vmem>>
            %dma_wait3A_630 = tpu.memref_squeeze %dma_wait3A_629 : memref<1x2x128xi32, #tpu.memory_space<vmem>> -> memref<2x128xi32, #tpu.memory_space<vmem>>
            %dma_wait3A_631 = arith.constant 0 : i32
            %dma_wait3A_632 = tpu.memref_slice %arg5[%mul3A_616, %dma_wait3A_631] : memref<2500x128xi32, #tpu.memory_space<hbm>> -> memref<2x128xi32, #tpu.memory_space<hbm>>
            tpu.wait_dma2 semaphore(%dma_wait3A_626 : memref<!tpu.dma_semaphore, #tpu.memory_space<semaphore_mem>>) src(%dma_wait3A_632 : memref<2x128xi32, #tpu.memory_space<hbm>>) dst(%dma_wait3A_630 : memref<2x128xi32, #tpu.memory_space<vmem>>)
            "tpu.trace_stop"() : () -> ()
          } else {
          }
          %ne3A_311 = arith.cmpi ne, %add3A_203, %add3A_213 : i32
          %or3A_312 = arith.constant false
          %or3A_313 = arith.ori %or3A_312, %ne3A_311 : i1
          %or3A_314 = arith.constant false
          %or3A_315 = arith.ori %or3A_313, %or3A_314 : i1
          %or3A_316 = arith.ori %or3A_315, %eq3A_199 : i1
          %convert_element_type3A_317 = arith.extui %or3A_316 : i1 to i32
          %cond3A_318 = arith.constant 0 : i32
          %cond3A_319 = arith.cmpi ne, %convert_element_type3A_317, %cond3A_318 : i32
          scf.if %cond3A_319 {
          } else {
          }
          %ne3A_320 = arith.cmpi ne, %add3A_203, %add3A_213 : i32
          %or3A_321 = arith.constant false
          %or3A_322 = arith.ori %or3A_321, %ne3A_320 : i1
          %or3A_323 = arith.constant false
          %or3A_324 = arith.ori %or3A_322, %or3A_323 : i1
          %or3A_325 = arith.ori %or3A_324, %eq3A_199 : i1
          %convert_element_type3A_326 = arith.extui %or3A_325 : i1 to i32
          %cond3A_327 = arith.constant 0 : i32
          %cond3A_328 = arith.cmpi ne, %convert_element_type3A_326, %cond3A_327 : i32
          scf.if %cond3A_328 {
          } else {
          }
          %rem3A_329 = arith.constant 2 : i32
          %rem3A_330 = arith.remui %while3A_188, %rem3A_329 : i32
          %rem3A_331 = arith.constant 2 : i32
          %rem3A_332 = arith.remui %while3A_190, %rem3A_331 : i32
          %rem3A_333 = arith.constant 2 : i32
          %rem3A_334 = arith.remui %while3A_191, %rem3A_333 : i32
          %rem3A_335 = arith.constant 2 : i32
          %rem3A_336 = arith.remui %while3A_193, %rem3A_335 : i32
          %dma_start3A_337 = arith.constant 0 : i32
          "tpu.trace_start"() <{level = 10 : i32, message = "ep_run_kernel"}> : () -> ()
          %dma_start3A_338 = arith.constant 0 : i32
          %dma_start3A_339 = arith.constant 0 : i32
          %dma_start3A_340 = tpu.memref_slice %run_scoped3A_26[%rem3A_334, %dma_start3A_338, %dma_start3A_339] : memref<2x256x64xf32, #tpu.memory_space<vmem>> -> memref<1x256x64xf32, #tpu.memory_space<vmem>>
          %dma_start3A_341 = tpu.memref_squeeze %dma_start3A_340 : memref<1x256x64xf32, #tpu.memory_space<vmem>> -> memref<256x64xf32, #tpu.memory_space<vmem>>
          %dma_start3A_342 = arith.constant 0 : i32
          %dma_start3A_343 = arith.constant 0 : i32
          %dma_start3A_344 = tpu.memref_slice %dma_start3A_341[%dma_start3A_342, %dma_start3A_343] : memref<256x64xf32, #tpu.memory_space<vmem>> -> memref<128x64xf32, #tpu.memory_space<vmem>>
          %dma_start3A_345 = arith.constant 0 : i32
          %dma_start3A_346 = arith.constant 0 : i32
          %dma_start3A_347 = tpu.memref_slice %run_scoped3A[%rem3A_330, %dma_start3A_345, %dma_start3A_346] : memref<2x2x128xi32, #tpu.memory_space<vmem>> -> memref<1x2x128xi32, #tpu.memory_space<vmem>>
          %dma_start3A_348 = tpu.memref_squeeze %dma_start3A_347 : memref<1x2x128xi32, #tpu.memory_space<vmem>> -> memref<2x128xi32, #tpu.memory_space<vmem>>
          %dma_start3A_349 = arith.constant 0 : i32
          %dma_start3A_350 = tpu.memref_slice %dma_start3A_348[%dma_start3A_337, %dma_start3A_349] : memref<2x128xi32, #tpu.memory_space<vmem>> -> memref<1x128xi32, #tpu.memory_space<vmem>>
          %dma_start3A_351 = tpu.memref_squeeze %dma_start3A_350 : memref<1x128xi32, #tpu.memory_space<vmem>> -> memref<128xi32, #tpu.memory_space<vmem>>
          %dma_start3A_352 = arith.constant 0 : i32
          %dma_start3A_353 = arith.constant 0 : i32
          %dma_start3A_354 = tpu.memref_slice %arg2[%dma_start3A_352, %dma_start3A_353] : memref<10000x64xf32, #tpu.memory_space<hbm>> -> memref<10000x64xf32, #tpu.memory_space<hbm>>
          tpu.enqueue_indirect_dma source(%dma_start3A_354 : memref<10000x64xf32, #tpu.memory_space<hbm>>) target(%dma_start3A_344 : memref<128x64xf32, #tpu.memory_space<vmem>>) offsets(%dma_start3A_351 : memref<128xi32, #tpu.memory_space<vmem>>) semaphore(%arg13 : memref<!tpu.dma_semaphore, #tpu.memory_space<semaphore_mem>>)
          %dma_start3A_355 = arith.constant 0 : i32
          %dma_start3A_356 = arith.constant 0 : i32
          %dma_start3A_357 = arith.constant 0 : i32
          %dma_start3A_358 = tpu.memref_slice %run_scoped3A_28[%rem3A_336, %dma_start3A_356, %dma_start3A_357] : memref<2x256x64xf32, #tpu.memory_space<vmem>> -> memref<1x256x64xf32, #tpu.memory_space<vmem>>
          %dma_start3A_359 = tpu.memref_squeeze %dma_start3A_358 : memref<1x256x64xf32, #tpu.memory_space<vmem>> -> memref<256x64xf32, #tpu.memory_space<vmem>>
          %dma_start3A_360 = arith.constant 0 : i32
          %dma_start3A_361 = arith.constant 0 : i32
          %dma_start3A_362 = tpu.memref_slice %dma_start3A_359[%dma_start3A_360, %dma_start3A_361] : memref<256x64xf32, #tpu.memory_space<vmem>> -> memref<128x64xf32, #tpu.memory_space<vmem>>
          %dma_start3A_363 = arith.constant 0 : i32
          %dma_start3A_364 = arith.constant 0 : i32
          %dma_start3A_365 = tpu.memref_slice %run_scoped3A_24[%rem3A_332, %dma_start3A_363, %dma_start3A_364] : memref<2x2x128xi32, #tpu.memory_space<vmem>> -> memref<1x2x128xi32, #tpu.memory_space<vmem>>
          %dma_start3A_366 = tpu.memref_squeeze %dma_start3A_365 : memref<1x2x128xi32, #tpu.memory_space<vmem>> -> memref<2x128xi32, #tpu.memory_space<vmem>>
          %dma_start3A_367 = arith.constant 0 : i32
          %dma_start3A_368 = tpu.memref_slice %dma_start3A_366[%dma_start3A_355, %dma_start3A_367] : memref<2x128xi32, #tpu.memory_space<vmem>> -> memref<1x128xi32, #tpu.memory_space<vmem>>
          %dma_start3A_369 = tpu.memref_squeeze %dma_start3A_368 : memref<1x128xi32, #tpu.memory_space<vmem>> -> memref<128xi32, #tpu.memory_space<vmem>>
          %dma_start3A_370 = arith.constant 0 : i32
          %dma_start3A_371 = arith.constant 0 : i32
          %dma_start3A_372 = tpu.memref_slice %arg3[%dma_start3A_370, %dma_start3A_371] : memref<10000x64xf32, #tpu.memory_space<hbm>> -> memref<10000x64xf32, #tpu.memory_space<hbm>>
          tpu.enqueue_indirect_dma source(%dma_start3A_372 : memref<10000x64xf32, #tpu.memory_space<hbm>>) target(%dma_start3A_362 : memref<128x64xf32, #tpu.memory_space<vmem>>) offsets(%dma_start3A_369 : memref<128xi32, #tpu.memory_space<vmem>>) semaphore(%arg14 : memref<!tpu.dma_semaphore, #tpu.memory_space<semaphore_mem>>)
          %dma_start3A_373 = arith.constant 1 : i32
          %dma_start3A_374 = arith.constant 0 : i32
          %dma_start3A_375 = arith.constant 0 : i32
          %dma_start3A_376 = tpu.memref_slice %run_scoped3A_26[%rem3A_334, %dma_start3A_374, %dma_start3A_375] : memref<2x256x64xf32, #tpu.memory_space<vmem>> -> memref<1x256x64xf32, #tpu.memory_space<vmem>>
          %dma_start3A_377 = tpu.memref_squeeze %dma_start3A_376 : memref<1x256x64xf32, #tpu.memory_space<vmem>> -> memref<256x64xf32, #tpu.memory_space<vmem>>
          %dma_start3A_378 = arith.constant 128 : i32
          %dma_start3A_379 = arith.constant 0 : i32
          %dma_start3A_380 = tpu.memref_slice %dma_start3A_377[%dma_start3A_378, %dma_start3A_379] : memref<256x64xf32, #tpu.memory_space<vmem>> -> memref<128x64xf32, #tpu.memory_space<vmem>>
          %dma_start3A_381 = arith.constant 0 : i32
          %dma_start3A_382 = arith.constant 0 : i32
          %dma_start3A_383 = tpu.memref_slice %run_scoped3A[%rem3A_330, %dma_start3A_381, %dma_start3A_382] : memref<2x2x128xi32, #tpu.memory_space<vmem>> -> memref<1x2x128xi32, #tpu.memory_space<vmem>>
          %dma_start3A_384 = tpu.memref_squeeze %dma_start3A_383 : memref<1x2x128xi32, #tpu.memory_space<vmem>> -> memref<2x128xi32, #tpu.memory_space<vmem>>
          %dma_start3A_385 = arith.constant 0 : i32
          %dma_start3A_386 = tpu.memref_slice %dma_start3A_384[%dma_start3A_373, %dma_start3A_385] : memref<2x128xi32, #tpu.memory_space<vmem>> -> memref<1x128xi32, #tpu.memory_space<vmem>>
          %dma_start3A_387 = tpu.memref_squeeze %dma_start3A_386 : memref<1x128xi32, #tpu.memory_space<vmem>> -> memref<128xi32, #tpu.memory_space<vmem>>
          %dma_start3A_388 = arith.constant 0 : i32
          %dma_start3A_389 = arith.constant 0 : i32
          %dma_start3A_390 = tpu.memref_slice %arg2[%dma_start3A_388, %dma_start3A_389] : memref<10000x64xf32, #tpu.memory_space<hbm>> -> memref<10000x64xf32, #tpu.memory_space<hbm>>
          tpu.enqueue_indirect_dma source(%dma_start3A_390 : memref<10000x64xf32, #tpu.memory_space<hbm>>) target(%dma_start3A_380 : memref<128x64xf32, #tpu.memory_space<vmem>>) offsets(%dma_start3A_387 : memref<128xi32, #tpu.memory_space<vmem>>) semaphore(%arg13 : memref<!tpu.dma_semaphore, #tpu.memory_space<semaphore_mem>>)
          %dma_start3A_391 = arith.constant 1 : i32
          %dma_start3A_392 = arith.constant 0 : i32
          %dma_start3A_393 = arith.constant 0 : i32
          %dma_start3A_394 = tpu.memref_slice %run_scoped3A_28[%rem3A_336, %dma_start3A_392, %dma_start3A_393] : memref<2x256x64xf32, #tpu.memory_space<vmem>> -> memref<1x256x64xf32, #tpu.memory_space<vmem>>
          %dma_start3A_395 = tpu.memref_squeeze %dma_start3A_394 : memref<1x256x64xf32, #tpu.memory_space<vmem>> -> memref<256x64xf32, #tpu.memory_space<vmem>>
          %dma_start3A_396 = arith.constant 128 : i32
          %dma_start3A_397 = arith.constant 0 : i32
          %dma_start3A_398 = tpu.memref_slice %dma_start3A_395[%dma_start3A_396, %dma_start3A_397] : memref<256x64xf32, #tpu.memory_space<vmem>> -> memref<128x64xf32, #tpu.memory_space<vmem>>
          %dma_start3A_399 = arith.constant 0 : i32
          %dma_start3A_400 = arith.constant 0 : i32
          %dma_start3A_401 = tpu.memref_slice %run_scoped3A_24[%rem3A_332, %dma_start3A_399, %dma_start3A_400] : memref<2x2x128xi32, #tpu.memory_space<vmem>> -> memref<1x2x128xi32, #tpu.memory_space<vmem>>
          %dma_start3A_402 = tpu.memref_squeeze %dma_start3A_401 : memref<1x2x128xi32, #tpu.memory_space<vmem>> -> memref<2x128xi32, #tpu.memory_space<vmem>>
          %dma_start3A_403 = arith.constant 0 : i32
          %dma_start3A_404 = tpu.memref_slice %dma_start3A_402[%dma_start3A_391, %dma_start3A_403] : memref<2x128xi32, #tpu.memory_space<vmem>> -> memref<1x128xi32, #tpu.memory_space<vmem>>
          %dma_start3A_405 = tpu.memref_squeeze %dma_start3A_404 : memref<1x128xi32, #tpu.memory_space<vmem>> -> memref<128xi32, #tpu.memory_space<vmem>>
          %dma_start3A_406 = arith.constant 0 : i32
          %dma_start3A_407 = arith.constant 0 : i32
          %dma_start3A_408 = tpu.memref_slice %arg3[%dma_start3A_406, %dma_start3A_407] : memref<10000x64xf32, #tpu.memory_space<hbm>> -> memref<10000x64xf32, #tpu.memory_space<hbm>>
          tpu.enqueue_indirect_dma source(%dma_start3A_408 : memref<10000x64xf32, #tpu.memory_space<hbm>>) target(%dma_start3A_398 : memref<128x64xf32, #tpu.memory_space<vmem>>) offsets(%dma_start3A_405 : memref<128xi32, #tpu.memory_space<vmem>>) semaphore(%arg14 : memref<!tpu.dma_semaphore, #tpu.memory_space<semaphore_mem>>)
          %run_scoped3A_409 = arith.constant 0 : i32
          "tpu.region"() ({
            %run_scoped3A_615 = tpu.sem_alloc : memref<!tpu.dma_semaphore, #tpu.memory_space<semaphore_mem>>
            %dma_start3A_616 = arith.constant 0 : i32
            %dma_start3A_617 = arith.constant 0 : i32
            %dma_start3A_618 = tpu.memref_slice %run_scoped3A_24[%rem3A_332, %dma_start3A_616, %dma_start3A_617] : memref<2x2x128xi32, #tpu.memory_space<vmem>> -> memref<1x2x128xi32, #tpu.memory_space<vmem>>
            %dma_start3A_619 = tpu.memref_squeeze %dma_start3A_618 : memref<1x2x128xi32, #tpu.memory_space<vmem>> -> memref<2x128xi32, #tpu.memory_space<vmem>>
            %dma_start3A_620 = arith.constant 0 : i32
            %dma_start3A_621 = tpu.memref_slice %dma_start3A_619[%run_scoped3A_409, %dma_start3A_620] : memref<2x128xi32, #tpu.memory_space<vmem>> -> memref<1x128xi32, #tpu.memory_space<vmem>>
            %dma_start3A_622 = tpu.memref_squeeze %dma_start3A_621 : memref<1x128xi32, #tpu.memory_space<vmem>> -> memref<128xi32, #tpu.memory_space<vmem>>
            %dma_start3A_623 = arith.constant 0 : i32
            %dma_start3A_624 = arith.constant 0 : i32
            %dma_start3A_625 = tpu.memref_slice %arg12[%dma_start3A_623, %dma_start3A_624] : memref<10000x16xf32, #tpu.memory_space<vmem_shared>> -> memref<10000x16xf32, #tpu.memory_space<vmem_shared>>
            tpu.enqueue_indirect_dma source(%arg11 : memref<128x16xf32, #tpu.memory_space<vmem>>) target(%dma_start3A_625 : memref<10000x16xf32, #tpu.memory_space<vmem_shared>>) offsets(%dma_start3A_622 : memref<128xi32, #tpu.memory_space<vmem>>) semaphore(%run_scoped3A_615 : memref<!tpu.dma_semaphore, #tpu.memory_space<semaphore_mem>>) {add = true}
            %dma_wait3A_626 = arith.constant 0 : i32
            %dma_wait3A_627 = arith.constant 0 : i32
            %dma_wait3A_628 = tpu.memref_slice %run_scoped3A_24[%rem3A_332, %dma_wait3A_626, %dma_wait3A_627] : memref<2x2x128xi32, #tpu.memory_space<vmem>> -> memref<1x2x128xi32, #tpu.memory_space<vmem>>
            %dma_wait3A_629 = tpu.memref_squeeze %dma_wait3A_628 : memref<1x2x128xi32, #tpu.memory_space<vmem>> -> memref<2x128xi32, #tpu.memory_space<vmem>>
            %dma_wait3A_630 = arith.constant 0 : i32
            %dma_wait3A_631 = tpu.memref_slice %dma_wait3A_629[%run_scoped3A_409, %dma_wait3A_630] : memref<2x128xi32, #tpu.memory_space<vmem>> -> memref<1x128xi32, #tpu.memory_space<vmem>>
            %dma_wait3A_632 = tpu.memref_squeeze %dma_wait3A_631 : memref<1x128xi32, #tpu.memory_space<vmem>> -> memref<128xi32, #tpu.memory_space<vmem>>
            %dma_wait3A_633 = arith.constant 0 : i32
            %dma_wait3A_634 = arith.constant 0 : i32
            %dma_wait3A_635 = tpu.memref_slice %arg12[%dma_wait3A_633, %dma_wait3A_634] : memref<10000x16xf32, #tpu.memory_space<vmem_shared>> -> memref<10000x16xf32, #tpu.memory_space<vmem_shared>>
            tpu.wait_indirect_dma semaphore(%run_scoped3A_615 : memref<!tpu.dma_semaphore, #tpu.memory_space<semaphore_mem>>) src(%arg11 : memref<128x16xf32, #tpu.memory_space<vmem>>) dst(%dma_wait3A_635 : memref<10000x16xf32, #tpu.memory_space<vmem_shared>>)
            tpu.yield
          }) : () -> ()
          %run_scoped3A_410 = arith.constant 1 : i32
          "tpu.region"() ({
            %run_scoped3A_615 = tpu.sem_alloc : memref<!tpu.dma_semaphore, #tpu.memory_space<semaphore_mem>>
            %dma_start3A_616 = arith.constant 0 : i32
            %dma_start3A_617 = arith.constant 0 : i32
            %dma_start3A_618 = tpu.memref_slice %run_scoped3A_24[%rem3A_332, %dma_start3A_616, %dma_start3A_617] : memref<2x2x128xi32, #tpu.memory_space<vmem>> -> memref<1x2x128xi32, #tpu.memory_space<vmem>>
            %dma_start3A_619 = tpu.memref_squeeze %dma_start3A_618 : memref<1x2x128xi32, #tpu.memory_space<vmem>> -> memref<2x128xi32, #tpu.memory_space<vmem>>
            %dma_start3A_620 = arith.constant 0 : i32
            %dma_start3A_621 = tpu.memref_slice %dma_start3A_619[%run_scoped3A_410, %dma_start3A_620] : memref<2x128xi32, #tpu.memory_space<vmem>> -> memref<1x128xi32, #tpu.memory_space<vmem>>
            %dma_start3A_622 = tpu.memref_squeeze %dma_start3A_621 : memref<1x128xi32, #tpu.memory_space<vmem>> -> memref<128xi32, #tpu.memory_space<vmem>>
            %dma_start3A_623 = arith.constant 0 : i32
            %dma_start3A_624 = arith.constant 0 : i32
            %dma_start3A_625 = tpu.memref_slice %arg12[%dma_start3A_623, %dma_start3A_624] : memref<10000x16xf32, #tpu.memory_space<vmem_shared>> -> memref<10000x16xf32, #tpu.memory_space<vmem_shared>>
            tpu.enqueue_indirect_dma source(%arg11 : memref<128x16xf32, #tpu.memory_space<vmem>>) target(%dma_start3A_625 : memref<10000x16xf32, #tpu.memory_space<vmem_shared>>) offsets(%dma_start3A_622 : memref<128xi32, #tpu.memory_space<vmem>>) semaphore(%run_scoped3A_615 : memref<!tpu.dma_semaphore, #tpu.memory_space<semaphore_mem>>) {add = true}
            %dma_wait3A_626 = arith.constant 0 : i32
            %dma_wait3A_627 = arith.constant 0 : i32
            %dma_wait3A_628 = tpu.memref_slice %run_scoped3A_24[%rem3A_332, %dma_wait3A_626, %dma_wait3A_627] : memref<2x2x128xi32, #tpu.memory_space<vmem>> -> memref<1x2x128xi32, #tpu.memory_space<vmem>>
            %dma_wait3A_629 = tpu.memref_squeeze %dma_wait3A_628 : memref<1x2x128xi32, #tpu.memory_space<vmem>> -> memref<2x128xi32, #tpu.memory_space<vmem>>
            %dma_wait3A_630 = arith.constant 0 : i32
            %dma_wait3A_631 = tpu.memref_slice %dma_wait3A_629[%run_scoped3A_410, %dma_wait3A_630] : memref<2x128xi32, #tpu.memory_space<vmem>> -> memref<1x128xi32, #tpu.memory_space<vmem>>
            %dma_wait3A_632 = tpu.memref_squeeze %dma_wait3A_631 : memref<1x128xi32, #tpu.memory_space<vmem>> -> memref<128xi32, #tpu.memory_space<vmem>>
            %dma_wait3A_633 = arith.constant 0 : i32
            %dma_wait3A_634 = arith.constant 0 : i32
            %dma_wait3A_635 = tpu.memref_slice %arg12[%dma_wait3A_633, %dma_wait3A_634] : memref<10000x16xf32, #tpu.memory_space<vmem_shared>> -> memref<10000x16xf32, #tpu.memory_space<vmem_shared>>
            tpu.wait_indirect_dma semaphore(%run_scoped3A_615 : memref<!tpu.dma_semaphore, #tpu.memory_space<semaphore_mem>>) src(%arg11 : memref<128x16xf32, #tpu.memory_space<vmem>>) dst(%dma_wait3A_635 : memref<10000x16xf32, #tpu.memory_space<vmem_shared>>)
            tpu.yield
          }) : () -> ()
          %dma_wait3A = arith.constant 0 : i32
          %dma_wait3A_411 = arith.constant 0 : i32
          %dma_wait3A_412 = arith.constant 0 : i32
          %dma_wait3A_413 = tpu.memref_slice %run_scoped3A_26[%rem3A_334, %dma_wait3A_411, %dma_wait3A_412] : memref<2x256x64xf32, #tpu.memory_space<vmem>> -> memref<1x256x64xf32, #tpu.memory_space<vmem>>
          %dma_wait3A_414 = tpu.memref_squeeze %dma_wait3A_413 : memref<1x256x64xf32, #tpu.memory_space<vmem>> -> memref<256x64xf32, #tpu.memory_space<vmem>>
          %dma_wait3A_415 = arith.constant 0 : i32
          %dma_wait3A_416 = arith.constant 0 : i32
          %dma_wait3A_417 = tpu.memref_slice %dma_wait3A_414[%dma_wait3A_415, %dma_wait3A_416] : memref<256x64xf32, #tpu.memory_space<vmem>> -> memref<128x64xf32, #tpu.memory_space<vmem>>
          %dma_wait3A_418 = arith.constant 0 : i32
          %dma_wait3A_419 = arith.constant 0 : i32
          %dma_wait3A_420 = tpu.memref_slice %run_scoped3A[%rem3A_330, %dma_wait3A_418, %dma_wait3A_419] : memref<2x2x128xi32, #tpu.memory_space<vmem>> -> memref<1x2x128xi32, #tpu.memory_space<vmem>>
          %dma_wait3A_421 = tpu.memref_squeeze %dma_wait3A_420 : memref<1x2x128xi32, #tpu.memory_space<vmem>> -> memref<2x128xi32, #tpu.memory_space<vmem>>
          %dma_wait3A_422 = arith.constant 0 : i32
          %dma_wait3A_423 = tpu.memref_slice %dma_wait3A_421[%dma_wait3A, %dma_wait3A_422] : memref<2x128xi32, #tpu.memory_space<vmem>> -> memref<1x128xi32, #tpu.memory_space<vmem>>
          %dma_wait3A_424 = tpu.memref_squeeze %dma_wait3A_423 : memref<1x128xi32, #tpu.memory_space<vmem>> -> memref<128xi32, #tpu.memory_space<vmem>>
          %dma_wait3A_425 = arith.constant 0 : i32
          %dma_wait3A_426 = arith.constant 0 : i32
          %dma_wait3A_427 = tpu.memref_slice %arg2[%dma_wait3A_425, %dma_wait3A_426] : memref<10000x64xf32, #tpu.memory_space<hbm>> -> memref<10000x64xf32, #tpu.memory_space<hbm>>
          tpu.wait_indirect_dma semaphore(%arg13 : memref<!tpu.dma_semaphore, #tpu.memory_space<semaphore_mem>>) src(%dma_wait3A_427 : memref<10000x64xf32, #tpu.memory_space<hbm>>) dst(%dma_wait3A_417 : memref<128x64xf32, #tpu.memory_space<vmem>>)
          %dma_wait3A_428 = arith.constant 0 : i32
          %dma_wait3A_429 = arith.constant 0 : i32
          %dma_wait3A_430 = arith.constant 0 : i32
          %dma_wait3A_431 = tpu.memref_slice %run_scoped3A_28[%rem3A_336, %dma_wait3A_429, %dma_wait3A_430] : memref<2x256x64xf32, #tpu.memory_space<vmem>> -> memref<1x256x64xf32, #tpu.memory_space<vmem>>
          %dma_wait3A_432 = tpu.memref_squeeze %dma_wait3A_431 : memref<1x256x64xf32, #tpu.memory_space<vmem>> -> memref<256x64xf32, #tpu.memory_space<vmem>>
          %dma_wait3A_433 = arith.constant 0 : i32
          %dma_wait3A_434 = arith.constant 0 : i32
          %dma_wait3A_435 = tpu.memref_slice %dma_wait3A_432[%dma_wait3A_433, %dma_wait3A_434] : memref<256x64xf32, #tpu.memory_space<vmem>> -> memref<128x64xf32, #tpu.memory_space<vmem>>
          %dma_wait3A_436 = arith.constant 0 : i32
          %dma_wait3A_437 = arith.constant 0 : i32
          %dma_wait3A_438 = tpu.memref_slice %run_scoped3A_24[%rem3A_332, %dma_wait3A_436, %dma_wait3A_437] : memref<2x2x128xi32, #tpu.memory_space<vmem>> -> memref<1x2x128xi32, #tpu.memory_space<vmem>>
          %dma_wait3A_439 = tpu.memref_squeeze %dma_wait3A_438 : memref<1x2x128xi32, #tpu.memory_space<vmem>> -> memref<2x128xi32, #tpu.memory_space<vmem>>
          %dma_wait3A_440 = arith.constant 0 : i32
          %dma_wait3A_441 = tpu.memref_slice %dma_wait3A_439[%dma_wait3A_428, %dma_wait3A_440] : memref<2x128xi32, #tpu.memory_space<vmem>> -> memref<1x128xi32, #tpu.memory_space<vmem>>
          %dma_wait3A_442 = tpu.memref_squeeze %dma_wait3A_441 : memref<1x128xi32, #tpu.memory_space<vmem>> -> memref<128xi32, #tpu.memory_space<vmem>>
          %dma_wait3A_443 = arith.constant 0 : i32
          %dma_wait3A_444 = arith.constant 0 : i32
          %dma_wait3A_445 = tpu.memref_slice %arg3[%dma_wait3A_443, %dma_wait3A_444] : memref<10000x64xf32, #tpu.memory_space<hbm>> -> memref<10000x64xf32, #tpu.memory_space<hbm>>
          tpu.wait_indirect_dma semaphore(%arg14 : memref<!tpu.dma_semaphore, #tpu.memory_space<semaphore_mem>>) src(%dma_wait3A_445 : memref<10000x64xf32, #tpu.memory_space<hbm>>) dst(%dma_wait3A_435 : memref<128x64xf32, #tpu.memory_space<vmem>>)
          %dma_wait3A_446 = arith.constant 1 : i32
          %dma_wait3A_447 = arith.constant 0 : i32
          %dma_wait3A_448 = arith.constant 0 : i32
          %dma_wait3A_449 = tpu.memref_slice %run_scoped3A_26[%rem3A_334, %dma_wait3A_447, %dma_wait3A_448] : memref<2x256x64xf32, #tpu.memory_space<vmem>> -> memref<1x256x64xf32, #tpu.memory_space<vmem>>
          %dma_wait3A_450 = tpu.memref_squeeze %dma_wait3A_449 : memref<1x256x64xf32, #tpu.memory_space<vmem>> -> memref<256x64xf32, #tpu.memory_space<vmem>>
          %dma_wait3A_451 = arith.constant 128 : i32
          %dma_wait3A_452 = arith.constant 0 : i32
          %dma_wait3A_453 = tpu.memref_slice %dma_wait3A_450[%dma_wait3A_451, %dma_wait3A_452] : memref<256x64xf32, #tpu.memory_space<vmem>> -> memref<128x64xf32, #tpu.memory_space<vmem>>
          %dma_wait3A_454 = arith.constant 0 : i32
          %dma_wait3A_455 = arith.constant 0 : i32
          %dma_wait3A_456 = tpu.memref_slice %run_scoped3A[%rem3A_330, %dma_wait3A_454, %dma_wait3A_455] : memref<2x2x128xi32, #tpu.memory_space<vmem>> -> memref<1x2x128xi32, #tpu.memory_space<vmem>>
          %dma_wait3A_457 = tpu.memref_squeeze %dma_wait3A_456 : memref<1x2x128xi32, #tpu.memory_space<vmem>> -> memref<2x128xi32, #tpu.memory_space<vmem>>
          %dma_wait3A_458 = arith.constant 0 : i32
          %dma_wait3A_459 = tpu.memref_slice %dma_wait3A_457[%dma_wait3A_446, %dma_wait3A_458] : memref<2x128xi32, #tpu.memory_space<vmem>> -> memref<1x128xi32, #tpu.memory_space<vmem>>
          %dma_wait3A_460 = tpu.memref_squeeze %dma_wait3A_459 : memref<1x128xi32, #tpu.memory_space<vmem>> -> memref<128xi32, #tpu.memory_space<vmem>>
          %dma_wait3A_461 = arith.constant 0 : i32
          %dma_wait3A_462 = arith.constant 0 : i32
          %dma_wait3A_463 = tpu.memref_slice %arg2[%dma_wait3A_461, %dma_wait3A_462] : memref<10000x64xf32, #tpu.memory_space<hbm>> -> memref<10000x64xf32, #tpu.memory_space<hbm>>
          tpu.wait_indirect_dma semaphore(%arg13 : memref<!tpu.dma_semaphore, #tpu.memory_space<semaphore_mem>>) src(%dma_wait3A_463 : memref<10000x64xf32, #tpu.memory_space<hbm>>) dst(%dma_wait3A_453 : memref<128x64xf32, #tpu.memory_space<vmem>>)
          %dma_wait3A_464 = arith.constant 1 : i32
          %dma_wait3A_465 = arith.constant 0 : i32
          %dma_wait3A_466 = arith.constant 0 : i32
          %dma_wait3A_467 = tpu.memref_slice %run_scoped3A_28[%rem3A_336, %dma_wait3A_465, %dma_wait3A_466] : memref<2x256x64xf32, #tpu.memory_space<vmem>> -> memref<1x256x64xf32, #tpu.memory_space<vmem>>
          %dma_wait3A_468 = tpu.memref_squeeze %dma_wait3A_467 : memref<1x256x64xf32, #tpu.memory_space<vmem>> -> memref<256x64xf32, #tpu.memory_space<vmem>>
          %dma_wait3A_469 = arith.constant 128 : i32
          %dma_wait3A_470 = arith.constant 0 : i32
          %dma_wait3A_471 = tpu.memref_slice %dma_wait3A_468[%dma_wait3A_469, %dma_wait3A_470] : memref<256x64xf32, #tpu.memory_space<vmem>> -> memref<128x64xf32, #tpu.memory_space<vmem>>
          %dma_wait3A_472 = arith.constant 0 : i32
          %dma_wait3A_473 = arith.constant 0 : i32
          %dma_wait3A_474 = tpu.memref_slice %run_scoped3A_24[%rem3A_332, %dma_wait3A_472, %dma_wait3A_473] : memref<2x2x128xi32, #tpu.memory_space<vmem>> -> memref<1x2x128xi32, #tpu.memory_space<vmem>>
          %dma_wait3A_475 = tpu.memref_squeeze %dma_wait3A_474 : memref<1x2x128xi32, #tpu.memory_space<vmem>> -> memref<2x128xi32, #tpu.memory_space<vmem>>
          %dma_wait3A_476 = arith.constant 0 : i32
          %dma_wait3A_477 = tpu.memref_slice %dma_wait3A_475[%dma_wait3A_464, %dma_wait3A_476] : memref<2x128xi32, #tpu.memory_space<vmem>> -> memref<1x128xi32, #tpu.memory_space<vmem>>
          %dma_wait3A_478 = tpu.memref_squeeze %dma_wait3A_477 : memref<1x128xi32, #tpu.memory_space<vmem>> -> memref<128xi32, #tpu.memory_space<vmem>>
          %dma_wait3A_479 = arith.constant 0 : i32
          %dma_wait3A_480 = arith.constant 0 : i32
          %dma_wait3A_481 = tpu.memref_slice %arg3[%dma_wait3A_479, %dma_wait3A_480] : memref<10000x64xf32, #tpu.memory_space<hbm>> -> memref<10000x64xf32, #tpu.memory_space<hbm>>
          tpu.wait_indirect_dma semaphore(%arg14 : memref<!tpu.dma_semaphore, #tpu.memory_space<semaphore_mem>>) src(%dma_wait3A_481 : memref<10000x64xf32, #tpu.memory_space<hbm>>) dst(%dma_wait3A_471 : memref<128x64xf32, #tpu.memory_space<vmem>>)
          "tpu.trace_stop"() : () -> ()
          %ne3A_482 = arith.cmpi ne, %add3A_203, %add3A_221 : i32
          %or3A_483 = arith.constant false
          %or3A_484 = arith.ori %or3A_483, %ne3A_482 : i1
          %or3A_485 = arith.constant false
          %or3A_486 = arith.ori %or3A_484, %or3A_485 : i1
          %or3A_487 = arith.ori %or3A_486, %eq3A_202 : i1
          %convert_element_type3A_488 = arith.extui %or3A_487 : i1 to i32
          %cond3A_489 = arith.constant 0 : i32
          %cond3A_490 = arith.cmpi ne, %convert_element_type3A_488, %cond3A_489 : i32
          scf.if %cond3A_490 {
          } else {
          }
          %and3A_491 = arith.constant false
          %and3A_492 = arith.andi %or3A_487, %and3A_491 : i1
          %ne3A_493 = arith.cmpi ne, %add3A_203, %add3A_221 : i32
          %or3A_494 = arith.constant false
          %or3A_495 = arith.ori %or3A_494, %ne3A_493 : i1
          %or3A_496 = arith.constant false
          %or3A_497 = arith.ori %or3A_495, %or3A_496 : i1
          %or3A_498 = arith.ori %or3A_497, %eq3A_202 : i1
          %convert_element_type3A_499 = arith.extui %or3A_498 : i1 to i32
          %cond3A_500 = arith.constant 0 : i32
          %cond3A_501 = arith.cmpi ne, %convert_element_type3A_499, %cond3A_500 : i32
          scf.if %cond3A_501 {
          } else {
          }
          %and3A_502 = arith.constant false
          %and3A_503 = arith.andi %or3A_498, %and3A_502 : i1
          %ne3A_504 = arith.cmpi ne, %add3A_203, %add3A_221 : i32
          %or3A_505 = arith.constant false
          %or3A_506 = arith.ori %or3A_505, %ne3A_504 : i1
          %or3A_507 = arith.constant false
          %or3A_508 = arith.ori %or3A_506, %or3A_507 : i1
          %or3A_509 = arith.ori %or3A_508, %eq3A_202 : i1
          %convert_element_type3A_510 = arith.extui %or3A_509 : i1 to i32
          %cond3A_511 = arith.constant 0 : i32
          %cond3A_512 = arith.cmpi ne, %convert_element_type3A_510, %cond3A_511 : i32
          scf.if %cond3A_512 {
            "tpu.trace_start"() <{level = 10 : i32, message = "ep_copy_out"}> : () -> ()
            %rem3A_615 = arith.constant 2 : i32
            %rem3A_616 = arith.remui %while3A_191, %rem3A_615 : i32
            %mul3A_617 = arith.constant 256 : i32
            %mul3A_618 = arith.muli %mul3A_617, %add3A_203 : i32
            %dma_start3A_619 = arith.constant 0 : i32
            %dma_start3A_620 = arith.constant 0 : i32
            %dma_start3A_621 = tpu.memref_slice %run_scoped3A_26[%rem3A_616, %dma_start3A_619, %dma_start3A_620] : memref<2x256x64xf32, #tpu.memory_space<vmem>> -> memref<1x256x64xf32, #tpu.memory_space<vmem>>
            %dma_start3A_622 = tpu.memref_squeeze %dma_start3A_621 : memref<1x256x64xf32, #tpu.memory_space<vmem>> -> memref<256x64xf32, #tpu.memory_space<vmem>>
            %dma_start3A_623 = arith.constant 0 : i32
            %dma_start3A_624 = tpu.memref_slice %arg8[%mul3A_618, %dma_start3A_623] : memref<320000x64xf32, #tpu.memory_space<hbm>> -> memref<256x64xf32, #tpu.memory_space<hbm>>
            %dma_start3A_625 = tpu.memref_slice %run_scoped3A_27[%rem3A_616] : memref<2x!tpu.dma_semaphore, #tpu.memory_space<semaphore_mem>> -> memref<1x!tpu.dma_semaphore, #tpu.memory_space<semaphore_mem>>
            %dma_start3A_626 = tpu.memref_squeeze %dma_start3A_625 : memref<1x!tpu.dma_semaphore, #tpu.memory_space<semaphore_mem>> -> memref<!tpu.dma_semaphore, #tpu.memory_space<semaphore_mem>>
            %dma_start3A_627 = arith.constant 0 : i32
            %dma_start3A_628 = tpu.memref_slice %arg8[%mul3A_618, %dma_start3A_627] : memref<320000x64xf32, #tpu.memory_space<hbm>> -> memref<256x64xf32, #tpu.memory_space<hbm>>
            %dma_start3A_629 = arith.constant 0 : i32
            %dma_start3A_630 = arith.constant 0 : i32
            %dma_start3A_631 = tpu.memref_slice %run_scoped3A_26[%rem3A_616, %dma_start3A_629, %dma_start3A_630] : memref<2x256x64xf32, #tpu.memory_space<vmem>> -> memref<1x256x64xf32, #tpu.memory_space<vmem>>
            %dma_start3A_632 = tpu.memref_squeeze %dma_start3A_631 : memref<1x256x64xf32, #tpu.memory_space<vmem>> -> memref<256x64xf32, #tpu.memory_space<vmem>>
            tpu.enqueue_dma source(%dma_start3A_632 : memref<256x64xf32, #tpu.memory_space<vmem>>) target(%dma_start3A_628 : memref<256x64xf32, #tpu.memory_space<hbm>>) target_semaphore(%dma_start3A_626 : memref<!tpu.dma_semaphore, #tpu.memory_space<semaphore_mem>>)
            "tpu.trace_stop"() : () -> ()
          } else {
          }
          %and3A_513 = arith.constant true
          %and3A_514 = arith.andi %or3A_509, %and3A_513 : i1
          %add3A_515 = arith.constant 1 : i32
          %add3A_516 = arith.addi %while3A_191, %add3A_515 : i32
          %select_n3A_517 = arith.select %and3A_514, %add3A_516, %while3A_191 : i32
          %ne3A_518 = arith.cmpi ne, %add3A_203, %add3A_221 : i32
          %or3A_519 = arith.constant false
          %or3A_520 = arith.ori %or3A_519, %ne3A_518 : i1
          %or3A_521 = arith.constant false
          %or3A_522 = arith.ori %or3A_520, %or3A_521 : i1
          %or3A_523 = arith.ori %or3A_522, %eq3A_202 : i1
          %convert_element_type3A_524 = arith.extui %or3A_523 : i1 to i32
          %cond3A_525 = arith.constant 0 : i32
          %cond3A_526 = arith.cmpi ne, %convert_element_type3A_524, %cond3A_525 : i32
          scf.if %cond3A_526 {
            "tpu.trace_start"() <{level = 10 : i32, message = "ep_copy_out"}> : () -> ()
            %rem3A_615 = arith.constant 2 : i32
            %rem3A_616 = arith.remui %while3A_193, %rem3A_615 : i32
            %mul3A_617 = arith.constant 256 : i32
            %mul3A_618 = arith.muli %mul3A_617, %add3A_203 : i32
            %dma_start3A_619 = arith.constant 0 : i32
            %dma_start3A_620 = arith.constant 0 : i32
            %dma_start3A_621 = tpu.memref_slice %run_scoped3A_28[%rem3A_616, %dma_start3A_619, %dma_start3A_620] : memref<2x256x64xf32, #tpu.memory_space<vmem>> -> memref<1x256x64xf32, #tpu.memory_space<vmem>>
            %dma_start3A_622 = tpu.memref_squeeze %dma_start3A_621 : memref<1x256x64xf32, #tpu.memory_space<vmem>> -> memref<256x64xf32, #tpu.memory_space<vmem>>
            %dma_start3A_623 = arith.constant 0 : i32
            %dma_start3A_624 = tpu.memref_slice %arg9[%mul3A_618, %dma_start3A_623] : memref<320000x64xf32, #tpu.memory_space<hbm>> -> memref<256x64xf32, #tpu.memory_space<hbm>>
            %dma_start3A_625 = tpu.memref_slice %run_scoped3A_29[%rem3A_616] : memref<2x!tpu.dma_semaphore, #tpu.memory_space<semaphore_mem>> -> memref<1x!tpu.dma_semaphore, #tpu.memory_space<semaphore_mem>>
            %dma_start3A_626 = tpu.memref_squeeze %dma_start3A_625 : memref<1x!tpu.dma_semaphore, #tpu.memory_space<semaphore_mem>> -> memref<!tpu.dma_semaphore, #tpu.memory_space<semaphore_mem>>
            %dma_start3A_627 = arith.constant 0 : i32
            %dma_start3A_628 = tpu.memref_slice %arg9[%mul3A_618, %dma_start3A_627] : memref<320000x64xf32, #tpu.memory_space<hbm>> -> memref<256x64xf32, #tpu.memory_space<hbm>>
            %dma_start3A_629 = arith.constant 0 : i32
            %dma_start3A_630 = arith.constant 0 : i32
            %dma_start3A_631 = tpu.memref_slice %run_scoped3A_28[%rem3A_616, %dma_start3A_629, %dma_start3A_630] : memref<2x256x64xf32, #tpu.memory_space<vmem>> -> memref<1x256x64xf32, #tpu.memory_space<vmem>>
            %dma_start3A_632 = tpu.memref_squeeze %dma_start3A_631 : memref<1x256x64xf32, #tpu.memory_space<vmem>> -> memref<256x64xf32, #tpu.memory_space<vmem>>
            tpu.enqueue_dma source(%dma_start3A_632 : memref<256x64xf32, #tpu.memory_space<vmem>>) target(%dma_start3A_628 : memref<256x64xf32, #tpu.memory_space<hbm>>) target_semaphore(%dma_start3A_626 : memref<!tpu.dma_semaphore, #tpu.memory_space<semaphore_mem>>)
            "tpu.trace_stop"() : () -> ()
          } else {
          }
          %and3A_527 = arith.constant true
          %and3A_528 = arith.andi %or3A_523, %and3A_527 : i1
          %add3A_529 = arith.constant 1 : i32
          %add3A_530 = arith.addi %while3A_193, %add3A_529 : i32
          %select_n3A_531 = arith.select %and3A_528, %add3A_530, %while3A_193 : i32
          %ne3A_532 = arith.cmpi ne, %add3A_203, %add3A_213 : i32
          %or3A_533 = arith.constant false
          %or3A_534 = arith.ori %or3A_533, %ne3A_532 : i1
          %or3A_535 = arith.constant false
          %or3A_536 = arith.ori %or3A_534, %or3A_535 : i1
          %not3A_537 = arith.constant true
          %not3A_538 = arith.xori %eq3A_199, %not3A_537 : i1
          %and3A_539 = arith.andi %or3A_536, %not3A_538 : i1
          %convert_element_type3A_540 = arith.extui %and3A_539 : i1 to i32
          %cond3A_541 = arith.constant 0 : i32
          %cond3A_542 = arith.cmpi ne, %convert_element_type3A_540, %cond3A_541 : i32
          scf.if %cond3A_542 {
          } else {
          }
          %and3A_543 = arith.constant false
          %and3A_544 = arith.andi %and3A_539, %and3A_543 : i1
          %ne3A_545 = arith.cmpi ne, %add3A_203, %add3A_213 : i32
          %or3A_546 = arith.constant false
          %or3A_547 = arith.ori %or3A_546, %ne3A_545 : i1
          %or3A_548 = arith.constant false
          %or3A_549 = arith.ori %or3A_547, %or3A_548 : i1
          %not3A_550 = arith.constant true
          %not3A_551 = arith.xori %eq3A_199, %not3A_550 : i1
          %and3A_552 = arith.andi %or3A_549, %not3A_551 : i1
          %convert_element_type3A_553 = arith.extui %and3A_552 : i1 to i32
          %cond3A_554 = arith.constant 0 : i32
          %cond3A_555 = arith.cmpi ne, %convert_element_type3A_553, %cond3A_554 : i32
          scf.if %cond3A_555 {
          } else {
          }
          %and3A_556 = arith.constant false
          %and3A_557 = arith.andi %and3A_552, %and3A_556 : i1
          %ne3A_558 = arith.cmpi ne, %add3A_203, %add3A_213 : i32
          %or3A_559 = arith.constant false
          %or3A_560 = arith.ori %or3A_559, %ne3A_558 : i1
          %or3A_561 = arith.constant false
          %or3A_562 = arith.ori %or3A_560, %or3A_561 : i1
          %not3A_563 = arith.constant true
          %not3A_564 = arith.xori %eq3A_199, %not3A_563 : i1
          %and3A_565 = arith.andi %or3A_562, %not3A_564 : i1
          %convert_element_type3A_566 = arith.extui %and3A_565 : i1 to i32
          %cond3A_567 = arith.constant 0 : i32
          %cond3A_568 = arith.cmpi ne, %convert_element_type3A_566, %cond3A_567 : i32
          scf.if %cond3A_568 {
            "tpu.trace_start"() <{level = 10 : i32, message = "ep_wait_out"}> : () -> ()
            %rem3A_615 = arith.constant 2 : i32
            %rem3A_616 = arith.remui %while3A_192, %rem3A_615 : i32
            %mul3A_617 = arith.constant 256 : i32
            %mul3A_618 = arith.muli %mul3A_617, %add3A_213 : i32
            %dma_wait3A_619 = arith.constant 0 : i32
            %dma_wait3A_620 = arith.constant 0 : i32
            %dma_wait3A_621 = tpu.memref_slice %run_scoped3A_26[%rem3A_616, %dma_wait3A_619, %dma_wait3A_620] : memref<2x256x64xf32, #tpu.memory_space<vmem>> -> memref<1x256x64xf32, #tpu.memory_space<vmem>>
            %dma_wait3A_622 = tpu.memref_squeeze %dma_wait3A_621 : memref<1x256x64xf32, #tpu.memory_space<vmem>> -> memref<256x64xf32, #tpu.memory_space<vmem>>
            %dma_wait3A_623 = arith.constant 0 : i32
            %dma_wait3A_624 = tpu.memref_slice %arg8[%mul3A_618, %dma_wait3A_623] : memref<320000x64xf32, #tpu.memory_space<hbm>> -> memref<256x64xf32, #tpu.memory_space<hbm>>
            %dma_wait3A_625 = tpu.memref_slice %run_scoped3A_27[%rem3A_616] : memref<2x!tpu.dma_semaphore, #tpu.memory_space<semaphore_mem>> -> memref<1x!tpu.dma_semaphore, #tpu.memory_space<semaphore_mem>>
            %dma_wait3A_626 = tpu.memref_squeeze %dma_wait3A_625 : memref<1x!tpu.dma_semaphore, #tpu.memory_space<semaphore_mem>> -> memref<!tpu.dma_semaphore, #tpu.memory_space<semaphore_mem>>
            %dma_wait3A_627 = arith.constant 0 : i32
            %dma_wait3A_628 = tpu.memref_slice %arg8[%mul3A_618, %dma_wait3A_627] : memref<320000x64xf32, #tpu.memory_space<hbm>> -> memref<256x64xf32, #tpu.memory_space<hbm>>
            %dma_wait3A_629 = arith.constant 0 : i32
            %dma_wait3A_630 = arith.constant 0 : i32
            %dma_wait3A_631 = tpu.memref_slice %run_scoped3A_26[%rem3A_616, %dma_wait3A_629, %dma_wait3A_630] : memref<2x256x64xf32, #tpu.memory_space<vmem>> -> memref<1x256x64xf32, #tpu.memory_space<vmem>>
            %dma_wait3A_632 = tpu.memref_squeeze %dma_wait3A_631 : memref<1x256x64xf32, #tpu.memory_space<vmem>> -> memref<256x64xf32, #tpu.memory_space<vmem>>
            tpu.wait_dma2 semaphore(%dma_wait3A_626 : memref<!tpu.dma_semaphore, #tpu.memory_space<semaphore_mem>>) src(%dma_wait3A_632 : memref<256x64xf32, #tpu.memory_space<vmem>>) dst(%dma_wait3A_628 : memref<256x64xf32, #tpu.memory_space<hbm>>)
            "tpu.trace_stop"() : () -> ()
          } else {
          }
          %and3A_569 = arith.constant true
          %and3A_570 = arith.andi %and3A_565, %and3A_569 : i1
          %add3A_571 = arith.constant 1 : i32
          %add3A_572 = arith.addi %while3A_192, %add3A_571 : i32
          %select_n3A_573 = arith.select %and3A_570, %add3A_572, %while3A_192 : i32
          %ne3A_574 = arith.cmpi ne, %add3A_203, %add3A_213 : i32
          %or3A_575 = arith.constant false
          %or3A_576 = arith.ori %or3A_575, %ne3A_574 : i1
          %or3A_577 = arith.constant false
          %or3A_578 = arith.ori %or3A_576, %or3A_577 : i1
          %not3A_579 = arith.constant true
          %not3A_580 = arith.xori %eq3A_199, %not3A_579 : i1
          %and3A_581 = arith.andi %or3A_578, %not3A_580 : i1
          %convert_element_type3A_582 = arith.extui %and3A_581 : i1 to i32
          %cond3A_583 = arith.constant 0 : i32
          %cond3A_584 = arith.cmpi ne, %convert_element_type3A_582, %cond3A_583 : i32
          scf.if %cond3A_584 {
            "tpu.trace_start"() <{level = 10 : i32, message = "ep_wait_out"}> : () -> ()
            %rem3A_615 = arith.constant 2 : i32
            %rem3A_616 = arith.remui %while3A_194, %rem3A_615 : i32
            %mul3A_617 = arith.constant 256 : i32
            %mul3A_618 = arith.muli %mul3A_617, %add3A_213 : i32
            %dma_wait3A_619 = arith.constant 0 : i32
            %dma_wait3A_620 = arith.constant 0 : i32
            %dma_wait3A_621 = tpu.memref_slice %run_scoped3A_28[%rem3A_616, %dma_wait3A_619, %dma_wait3A_620] : memref<2x256x64xf32, #tpu.memory_space<vmem>> -> memref<1x256x64xf32, #tpu.memory_space<vmem>>
            %dma_wait3A_622 = tpu.memref_squeeze %dma_wait3A_621 : memref<1x256x64xf32, #tpu.memory_space<vmem>> -> memref<256x64xf32, #tpu.memory_space<vmem>>
            %dma_wait3A_623 = arith.constant 0 : i32
            %dma_wait3A_624 = tpu.memref_slice %arg9[%mul3A_618, %dma_wait3A_623] : memref<320000x64xf32, #tpu.memory_space<hbm>> -> memref<256x64xf32, #tpu.memory_space<hbm>>
            %dma_wait3A_625 = tpu.memref_slice %run_scoped3A_29[%rem3A_616] : memref<2x!tpu.dma_semaphore, #tpu.memory_space<semaphore_mem>> -> memref<1x!tpu.dma_semaphore, #tpu.memory_space<semaphore_mem>>
            %dma_wait3A_626 = tpu.memref_squeeze %dma_wait3A_625 : memref<1x!tpu.dma_semaphore, #tpu.memory_space<semaphore_mem>> -> memref<!tpu.dma_semaphore, #tpu.memory_space<semaphore_mem>>
            %dma_wait3A_627 = arith.constant 0 : i32
            %dma_wait3A_628 = tpu.memref_slice %arg9[%mul3A_618, %dma_wait3A_627] : memref<320000x64xf32, #tpu.memory_space<hbm>> -> memref<256x64xf32, #tpu.memory_space<hbm>>
            %dma_wait3A_629 = arith.constant 0 : i32
            %dma_wait3A_630 = arith.constant 0 : i32
            %dma_wait3A_631 = tpu.memref_slice %run_scoped3A_28[%rem3A_616, %dma_wait3A_629, %dma_wait3A_630] : memref<2x256x64xf32, #tpu.memory_space<vmem>> -> memref<1x256x64xf32, #tpu.memory_space<vmem>>
            %dma_wait3A_632 = tpu.memref_squeeze %dma_wait3A_631 : memref<1x256x64xf32, #tpu.memory_space<vmem>> -> memref<256x64xf32, #tpu.memory_space<vmem>>
            tpu.wait_dma2 semaphore(%dma_wait3A_626 : memref<!tpu.dma_semaphore, #tpu.memory_space<semaphore_mem>>) src(%dma_wait3A_632 : memref<256x64xf32, #tpu.memory_space<vmem>>) dst(%dma_wait3A_628 : memref<256x64xf32, #tpu.memory_space<hbm>>)
            "tpu.trace_stop"() : () -> ()
          } else {
          }
          %and3A_585 = arith.constant true
          %and3A_586 = arith.andi %and3A_581, %and3A_585 : i1
          %add3A_587 = arith.constant 1 : i32
          %add3A_588 = arith.addi %while3A_194, %add3A_587 : i32
          %select_n3A_589 = arith.select %and3A_586, %add3A_588, %while3A_194 : i32
          %ne3A_590 = arith.cmpi ne, %add3A_203, %add3A_221 : i32
          %or3A_591 = arith.constant false
          %or3A_592 = arith.ori %or3A_591, %ne3A_590 : i1
          %or3A_593 = arith.constant false
          %or3A_594 = arith.ori %or3A_592, %or3A_593 : i1
          %or3A_595 = arith.ori %or3A_594, %eq3A_202 : i1
          %add3A_596 = arith.constant 1 : i32
          %add3A_597 = arith.addi %while3A_188, %add3A_596 : i32
          %select_n3A_598 = arith.select %or3A_595, %add3A_597, %while3A_188 : i32
          %ne3A_599 = arith.cmpi ne, %add3A_203, %add3A_221 : i32
          %or3A_600 = arith.constant false
          %or3A_601 = arith.ori %or3A_600, %ne3A_599 : i1
          %or3A_602 = arith.constant false
          %or3A_603 = arith.ori %or3A_601, %or3A_602 : i1
          %or3A_604 = arith.ori %or3A_603, %eq3A_202 : i1
          %add3A_605 = arith.constant 1 : i32
          %add3A_606 = arith.addi %while3A_190, %add3A_605 : i32
          %select_n3A_607 = arith.select %or3A_604, %add3A_606, %while3A_190 : i32
          %add3A_608 = arith.constant 1 : i32
          %add3A_609 = arith.addi %while3A_195, %add3A_608 : i32
          %select_n3A_610 = arith.constant true
          %select_n3A_611 = arith.select %select_n3A_610, %add3A_609, %while3A_195 : i32
          %eq3A_612 = arith.cmpi eq, %select_n3A_611, %select_n3A : i32
          %select_n3A_613 = arith.constant 0 : i32
          %select_n3A_614 = arith.select %eq3A_612, %select_n3A_613, %select_n3A_611 : i32
          scf.yield %select_n3A_245, %select_n3A_598, %select_n3A_266, %select_n3A_607, %select_n3A_517, %select_n3A_573, %select_n3A_531, %select_n3A_589, %select_n3A_614 : i32, i32, i32, i32, i32, i32, i32, i32, i32
        }
        %sub3A_129 = arith.constant 1 : i32
        %sub3A_130 = arith.subi %while3A_128#8, %sub3A_129 : i32
        %select_n3A_131 = arith.constant true
        %select_n3A_132 = arith.select %select_n3A_131, %sub3A_130, %while3A_128#8 : i32
        %eq3A_133 = arith.constant -1 : i32
        %eq3A_134 = arith.cmpi eq, %select_n3A_132, %eq3A_133 : i32
        %sub3A_135 = arith.constant 1 : i32
        %sub3A_136 = arith.subi %select_n3A, %sub3A_135 : i32
        %select_n3A_137 = arith.select %eq3A_134, %sub3A_136, %select_n3A_132 : i32
        %sub3A_138 = arith.constant 1 : i32
        %sub3A_139 = arith.subi %mul3A_18, %sub3A_138 : i32
        %mul3A_140 = arith.constant 1 : i32
        %mul3A_141 = arith.muli %mul3A_140, %select_n3A : i32
        %eq3A_142 = arith.constant 0 : i32
        %eq3A_143 = arith.cmpi eq, %sub3A_139, %eq3A_142 : i32
        %sub3A_144 = arith.constant 1 : i32
        %sub3A_145 = arith.subi %mul3A_141, %sub3A_144 : i32
        %eq3A_146 = arith.cmpi eq, %sub3A_139, %sub3A_145 : i32
        %add3A_147 = arith.addi %select_n3A_137, %select_n3A_16 : i32
        %sub3A_148 = arith.constant 1 : i32
        %sub3A_149 = arith.subi %select_n3A_137, %sub3A_148 : i32
        %select_n3A_150 = arith.constant true
        %select_n3A_151 = arith.select %select_n3A_150, %sub3A_149, %select_n3A_137 : i32
        %eq3A_152 = arith.constant -1 : i32
        %eq3A_153 = arith.cmpi eq, %select_n3A_151, %eq3A_152 : i32
        %sub3A_154 = arith.constant 1 : i32
        %sub3A_155 = arith.subi %select_n3A, %sub3A_154 : i32
        %select_n3A_156 = arith.select %eq3A_153, %sub3A_155, %select_n3A_151 : i32
        %add3A_157 = arith.addi %select_n3A_156, %select_n3A_16 : i32
        %add3A_158 = arith.constant 1 : i32
        %add3A_159 = arith.addi %select_n3A_137, %add3A_158 : i32
        %select_n3A_160 = arith.constant true
        %select_n3A_161 = arith.select %select_n3A_160, %add3A_159, %select_n3A_137 : i32
        %eq3A_162 = arith.cmpi eq, %select_n3A_161, %select_n3A : i32
        %select_n3A_163 = arith.constant 0 : i32
        %select_n3A_164 = arith.select %eq3A_162, %select_n3A_163, %select_n3A_161 : i32
        %add3A_165 = arith.addi %select_n3A_164, %select_n3A_16 : i32
        %add3A_166 = arith.constant 1 : i32
        %add3A_167 = arith.addi %select_n3A_164, %add3A_166 : i32
        %select_n3A_168 = arith.constant true
        %select_n3A_169 = arith.select %select_n3A_168, %add3A_167, %select_n3A_164 : i32
        %eq3A_170 = arith.cmpi eq, %select_n3A_169, %select_n3A : i32
        %select_n3A_171 = arith.constant 0 : i32
        %select_n3A_172 = arith.select %eq3A_170, %select_n3A_171, %select_n3A_169 : i32
        %add3A_173 = arith.addi %select_n3A_172, %select_n3A_16 : i32
        %convert_element_type3A_174 = arith.extui %eq3A_146 : i1 to i32
        %cond3A_175 = arith.constant 0 : i32
        %cond3A_176 = arith.cmpi ne, %convert_element_type3A_174, %cond3A_175 : i32
        scf.if %cond3A_176 {
        } else {
        }
        %convert_element_type3A_177 = arith.extui %eq3A_146 : i1 to i32
        %cond3A_178 = arith.constant 0 : i32
        %cond3A_179 = arith.cmpi ne, %convert_element_type3A_177, %cond3A_178 : i32
        scf.if %cond3A_179 {
        } else {
        }
        %convert_element_type3A_180 = arith.extui %eq3A_146 : i1 to i32
        %cond3A_181 = arith.constant 0 : i32
        %cond3A_182 = arith.cmpi ne, %convert_element_type3A_180, %cond3A_181 : i32
        scf.if %cond3A_182 {
          "tpu.trace_start"() <{level = 10 : i32, message = "ep_finalize"}> : () -> ()
          %rem3A_186 = arith.constant 2 : i32
          %rem3A_187 = arith.remui %while3A_128#5, %rem3A_186 : i32
          %mul3A_188 = arith.constant 256 : i32
          %mul3A_189 = arith.muli %mul3A_188, %add3A_147 : i32
          %dma_wait3A = arith.constant 0 : i32
          %dma_wait3A_190 = arith.constant 0 : i32
          %dma_wait3A_191 = tpu.memref_slice %run_scoped3A_26[%rem3A_187, %dma_wait3A, %dma_wait3A_190] : memref<2x256x64xf32, #tpu.memory_space<vmem>> -> memref<1x256x64xf32, #tpu.memory_space<vmem>>
          %dma_wait3A_192 = tpu.memref_squeeze %dma_wait3A_191 : memref<1x256x64xf32, #tpu.memory_space<vmem>> -> memref<256x64xf32, #tpu.memory_space<vmem>>
          %dma_wait3A_193 = arith.constant 0 : i32
          %dma_wait3A_194 = tpu.memref_slice %arg8[%mul3A_189, %dma_wait3A_193] : memref<320000x64xf32, #tpu.memory_space<hbm>> -> memref<256x64xf32, #tpu.memory_space<hbm>>
          %dma_wait3A_195 = tpu.memref_slice %run_scoped3A_27[%rem3A_187] : memref<2x!tpu.dma_semaphore, #tpu.memory_space<semaphore_mem>> -> memref<1x!tpu.dma_semaphore, #tpu.memory_space<semaphore_mem>>
          %dma_wait3A_196 = tpu.memref_squeeze %dma_wait3A_195 : memref<1x!tpu.dma_semaphore, #tpu.memory_space<semaphore_mem>> -> memref<!tpu.dma_semaphore, #tpu.memory_space<semaphore_mem>>
          %dma_wait3A_197 = arith.constant 0 : i32
          %dma_wait3A_198 = tpu.memref_slice %arg8[%mul3A_189, %dma_wait3A_197] : memref<320000x64xf32, #tpu.memory_space<hbm>> -> memref<256x64xf32, #tpu.memory_space<hbm>>
          %dma_wait3A_199 = arith.constant 0 : i32
          %dma_wait3A_200 = arith.constant 0 : i32
          %dma_wait3A_201 = tpu.memref_slice %run_scoped3A_26[%rem3A_187, %dma_wait3A_199, %dma_wait3A_200] : memref<2x256x64xf32, #tpu.memory_space<vmem>> -> memref<1x256x64xf32, #tpu.memory_space<vmem>>
          %dma_wait3A_202 = tpu.memref_squeeze %dma_wait3A_201 : memref<1x256x64xf32, #tpu.memory_space<vmem>> -> memref<256x64xf32, #tpu.memory_space<vmem>>
          tpu.wait_dma2 semaphore(%dma_wait3A_196 : memref<!tpu.dma_semaphore, #tpu.memory_space<semaphore_mem>>) src(%dma_wait3A_202 : memref<256x64xf32, #tpu.memory_space<vmem>>) dst(%dma_wait3A_198 : memref<256x64xf32, #tpu.memory_space<hbm>>)
          "tpu.trace_stop"() : () -> ()
        } else {
        }
        %convert_element_type3A_183 = arith.extui %eq3A_146 : i1 to i32
        %cond3A_184 = arith.constant 0 : i32
        %cond3A_185 = arith.cmpi ne, %convert_element_type3A_183, %cond3A_184 : i32
        scf.if %cond3A_185 {
          "tpu.trace_start"() <{level = 10 : i32, message = "ep_finalize"}> : () -> ()
          %rem3A_186 = arith.constant 2 : i32
          %rem3A_187 = arith.remui %while3A_128#7, %rem3A_186 : i32
          %mul3A_188 = arith.constant 256 : i32
          %mul3A_189 = arith.muli %mul3A_188, %add3A_147 : i32
          %dma_wait3A = arith.constant 0 : i32
          %dma_wait3A_190 = arith.constant 0 : i32
          %dma_wait3A_191 = tpu.memref_slice %run_scoped3A_28[%rem3A_187, %dma_wait3A, %dma_wait3A_190] : memref<2x256x64xf32, #tpu.memory_space<vmem>> -> memref<1x256x64xf32, #tpu.memory_space<vmem>>
          %dma_wait3A_192 = tpu.memref_squeeze %dma_wait3A_191 : memref<1x256x64xf32, #tpu.memory_space<vmem>> -> memref<256x64xf32, #tpu.memory_space<vmem>>
          %dma_wait3A_193 = arith.constant 0 : i32
          %dma_wait3A_194 = tpu.memref_slice %arg9[%mul3A_189, %dma_wait3A_193] : memref<320000x64xf32, #tpu.memory_space<hbm>> -> memref<256x64xf32, #tpu.memory_space<hbm>>
          %dma_wait3A_195 = tpu.memref_slice %run_scoped3A_29[%rem3A_187] : memref<2x!tpu.dma_semaphore, #tpu.memory_space<semaphore_mem>> -> memref<1x!tpu.dma_semaphore, #tpu.memory_space<semaphore_mem>>
          %dma_wait3A_196 = tpu.memref_squeeze %dma_wait3A_195 : memref<1x!tpu.dma_semaphore, #tpu.memory_space<semaphore_mem>> -> memref<!tpu.dma_semaphore, #tpu.memory_space<semaphore_mem>>
          %dma_wait3A_197 = arith.constant 0 : i32
          %dma_wait3A_198 = tpu.memref_slice %arg9[%mul3A_189, %dma_wait3A_197] : memref<320000x64xf32, #tpu.memory_space<hbm>> -> memref<256x64xf32, #tpu.memory_space<hbm>>
          %dma_wait3A_199 = arith.constant 0 : i32
          %dma_wait3A_200 = arith.constant 0 : i32
          %dma_wait3A_201 = tpu.memref_slice %run_scoped3A_28[%rem3A_187, %dma_wait3A_199, %dma_wait3A_200] : memref<2x256x64xf32, #tpu.memory_space<vmem>> -> memref<1x256x64xf32, #tpu.memory_space<vmem>>
          %dma_wait3A_202 = tpu.memref_squeeze %dma_wait3A_201 : memref<1x256x64xf32, #tpu.memory_space<vmem>> -> memref<256x64xf32, #tpu.memory_space<vmem>>
          tpu.wait_dma2 semaphore(%dma_wait3A_196 : memref<!tpu.dma_semaphore, #tpu.memory_space<semaphore_mem>>) src(%dma_wait3A_202 : memref<256x64xf32, #tpu.memory_space<vmem>>) dst(%dma_wait3A_198 : memref<256x64xf32, #tpu.memory_space<hbm>>)
          "tpu.trace_stop"() : () -> ()
        } else {
        }
      } else {
      }
      tpu.yield
    }) : () -> ()
    %barrier3A_19 = arith.constant 0 : index
    tpu.barrier barrier_id(%barrier3A_19)
    %mul3A_20 = arith.constant 10000 : i32
    %mul3A_21 = arith.muli %arg0, %mul3A_20 : i32
    %add3A_22 = arith.addi %mul3A_21, %mul3A_0 : i32
    "tpu.region"() ({
      %run_scoped3A = tpu.sem_alloc : memref<!tpu.dma_semaphore, #tpu.memory_space<semaphore_mem>>
      %dma_start3A = arith.constant 0 : i32
      %dma_start3A_23 = tpu.memref_slice %arg10[%add3A_22, %dma_start3A] : memref<20000x16xf32, #tpu.memory_space<hbm>> -> memref<625x16xf32, #tpu.memory_space<hbm>>
      %dma_start3A_24 = arith.constant 0 : i32
      %dma_start3A_25 = tpu.memref_slice %arg12[%mul3A_0, %dma_start3A_24] : memref<10000x16xf32, #tpu.memory_space<vmem_shared>> -> memref<625x16xf32, #tpu.memory_space<vmem_shared>>
      tpu.enqueue_dma source(%dma_start3A_25 : memref<625x16xf32, #tpu.memory_space<vmem_shared>>) target(%dma_start3A_23 : memref<625x16xf32, #tpu.memory_space<hbm>>) target_semaphore(%run_scoped3A : memref<!tpu.dma_semaphore, #tpu.memory_space<semaphore_mem>>)
      %dma_wait3A = arith.constant 0 : i32
      %dma_wait3A_26 = tpu.memref_slice %arg10[%add3A_22, %dma_wait3A] : memref<20000x16xf32, #tpu.memory_space<hbm>> -> memref<625x16xf32, #tpu.memory_space<hbm>>
      %dma_wait3A_27 = arith.constant 0 : i32
      %dma_wait3A_28 = tpu.memref_slice %arg12[%mul3A_0, %dma_wait3A_27] : memref<10000x16xf32, #tpu.memory_space<vmem_shared>> -> memref<625x16xf32, #tpu.memory_space<vmem_shared>>
      tpu.wait_dma2 semaphore(%run_scoped3A : memref<!tpu.dma_semaphore, #tpu.memory_space<semaphore_mem>>) src(%dma_wait3A_28 : memref<625x16xf32, #tpu.memory_space<vmem_shared>>) dst(%dma_wait3A_26 : memref<625x16xf32, #tpu.memory_space<hbm>>)
      tpu.yield
    }) : () -> ()
    return
  }
}

#map = affine_map<(d0, d1) -> (0, 0)>
module attributes {stable_mosaic.version = 14 : i64} {
  func.func @k(%arg0: i32, %arg1: i32, %arg2: memref<320000x16xf32, #tpu.memory_space<hbm>>, %arg3: memref<2500x128xi32, #tpu.memory_space<hbm>>, %arg4: memref<10000x16xf32, #tpu.memory_space<hbm>>, %arg5: memref<20000x16xf32, #tpu.memory_space<hbm>>, %arg6: memref<10000x16xf32, #tpu.memory_space<vmem_shared>>) attributes {dimension_semantics = [#tpu.dimension_semantics<core_parallel>, #tpu.dimension_semantics<subcore_parallel>], iteration_bounds = array<i64: 2, 16>, scalar_prefetch = 0 : i64, scratch_operands = 1 : i64, tpu.core_type = #tpu.core_type<sc_vector_subcore>, window_params = [{transform_indices = #map}, {transform_indices = #map}, {transform_indices = #map}, {transform_indices = #map}]} {
    %mul3A = arith.constant 625 : i32
    %mul3A_0 = arith.muli %arg1, %mul3A : i32
    "tpu.region"() ({
      %run_scoped3A = tpu.sem_alloc : memref<!tpu.dma_semaphore, #tpu.memory_space<semaphore_mem>>
      %dma_start3A = arith.constant 0 : i32
      %dma_start3A_23 = tpu.memref_slice %arg6[%mul3A_0, %dma_start3A] : memref<10000x16xf32, #tpu.memory_space<vmem_shared>> -> memref<625x16xf32, #tpu.memory_space<vmem_shared>>
      %dma_start3A_24 = arith.constant 0 : i32
      %dma_start3A_25 = tpu.memref_slice %arg4[%mul3A_0, %dma_start3A_24] : memref<10000x16xf32, #tpu.memory_space<hbm>> -> memref<625x16xf32, #tpu.memory_space<hbm>>
      tpu.enqueue_dma source(%dma_start3A_25 : memref<625x16xf32, #tpu.memory_space<hbm>>) target(%dma_start3A_23 : memref<625x16xf32, #tpu.memory_space<vmem_shared>>) target_semaphore(%run_scoped3A : memref<!tpu.dma_semaphore, #tpu.memory_space<semaphore_mem>>)
      %dma_wait3A = arith.constant 0 : i32
      %dma_wait3A_26 = tpu.memref_slice %arg6[%mul3A_0, %dma_wait3A] : memref<10000x16xf32, #tpu.memory_space<vmem_shared>> -> memref<625x16xf32, #tpu.memory_space<vmem_shared>>
      %dma_wait3A_27 = arith.constant 0 : i32
      %dma_wait3A_28 = tpu.memref_slice %arg4[%mul3A_0, %dma_wait3A_27] : memref<10000x16xf32, #tpu.memory_space<hbm>> -> memref<625x16xf32, #tpu.memory_space<hbm>>
      tpu.wait_dma2 semaphore(%run_scoped3A : memref<!tpu.dma_semaphore, #tpu.memory_space<semaphore_mem>>) src(%dma_wait3A_28 : memref<625x16xf32, #tpu.memory_space<hbm>>) dst(%dma_wait3A_26 : memref<625x16xf32, #tpu.memory_space<vmem_shared>>)
      tpu.yield
    }) : () -> ()
    %barrier3A = arith.constant 0 : index
    tpu.barrier barrier_id(%barrier3A)
    %mul3A_1 = arith.constant 1 : i32
    %mul3A_2 = arith.muli %arg1, %mul3A_1 : i32
    %add3A = arith.constant 0 : i32
    %add3A_3 = arith.addi %add3A, %mul3A_2 : i32
    %mul3A_4 = arith.constant 16 : i32
    %mul3A_5 = arith.muli %arg0, %mul3A_4 : i32
    %add3A_6 = arith.addi %add3A_3, %mul3A_5 : i32
    %lt3A = arith.constant 17 : i32
    %lt3A_7 = arith.cmpi slt, %add3A_6, %lt3A : i32
    %jit3A = arith.constant 20 : i32
    %jit3A_8 = arith.constant 19 : i32
    %select_n3A = arith.select %lt3A_7, %jit3A, %jit3A_8 : i32
    %lt3A_9 = arith.constant 17 : i32
    %lt3A_10 = arith.cmpi slt, %add3A_6, %lt3A_9 : i32
    %mul3A_11 = arith.muli %add3A_6, %select_n3A : i32
    %mul3A_12 = arith.constant 19 : i32
    %mul3A_13 = arith.muli %add3A_6, %mul3A_12 : i32
    %add3A_14 = arith.constant 17 : i32
    %add3A_15 = arith.addi %mul3A_13, %add3A_14 : i32
    %select_n3A_16 = arith.select %lt3A_10, %mul3A_11, %add3A_15 : i32
    %mul3A_17 = arith.constant 1 : i32
    %mul3A_18 = arith.muli %mul3A_17, %select_n3A : i32
    "tpu.region"() ({
      %run_scoped3A = memref.alloca() : memref<2x512x16xf32, #tpu.memory_space<vmem>>
      %run_scoped3A_23 = tpu.sem_alloc : memref<2x!tpu.dma_semaphore, #tpu.memory_space<semaphore_mem>>
      %run_scoped3A_24 = memref.alloca() : memref<2x4x128xi32, #tpu.memory_space<vmem>>
      %run_scoped3A_25 = tpu.sem_alloc : memref<2x!tpu.dma_semaphore, #tpu.memory_space<semaphore_mem>>
      %gt3A = arith.constant 0 : i32
      %gt3A_26 = arith.cmpi sgt, %mul3A_18, %gt3A : i32
      %convert_element_type3A = arith.extui %gt3A_26 : i1 to i32
      %cond3A = arith.constant 0 : i32
      %cond3A_27 = arith.cmpi ne, %convert_element_type3A, %cond3A : i32
      scf.if %cond3A_27 {
        %mul3A_28 = arith.constant 1 : i32
        %mul3A_29 = arith.muli %mul3A_28, %select_n3A : i32
        %sub3A = arith.constant 1 : i32
        %sub3A_30 = arith.subi %mul3A_29, %sub3A : i32
        %eq3A = arith.constant 0 : i32
        %eq3A_31 = arith.cmpi eq, %sub3A_30, %eq3A : i32
        %add3A_32 = arith.constant 0 : i32
        %add3A_33 = arith.addi %add3A_32, %select_n3A_16 : i32
        %select_n3A_34 = arith.constant true
        %select_n3A_35 = arith.constant 0 : i32
        %select_n3A_36 = arith.constant -1 : i32
        %select_n3A_37 = arith.select %select_n3A_34, %select_n3A_36, %select_n3A_35 : i32
        %eq3A_38 = arith.constant -1 : i32
        %eq3A_39 = arith.cmpi eq, %select_n3A_37, %eq3A_38 : i32
        %sub3A_40 = arith.constant 1 : i32
        %sub3A_41 = arith.subi %select_n3A, %sub3A_40 : i32
        %select_n3A_42 = arith.select %eq3A_39, %sub3A_41, %select_n3A_37 : i32
        %add3A_43 = arith.addi %select_n3A_42, %select_n3A_16 : i32
        %select_n3A_44 = arith.constant true
        %select_n3A_45 = arith.constant 0 : i32
        %select_n3A_46 = arith.constant 1 : i32
        %select_n3A_47 = arith.select %select_n3A_44, %select_n3A_46, %select_n3A_45 : i32
        %eq3A_48 = arith.cmpi eq, %select_n3A_47, %select_n3A : i32
        %select_n3A_49 = arith.constant 0 : i32
        %select_n3A_50 = arith.select %eq3A_48, %select_n3A_49, %select_n3A_47 : i32
        %add3A_51 = arith.addi %select_n3A_50, %select_n3A_16 : i32
        %add3A_52 = arith.constant 1 : i32
        %add3A_53 = arith.addi %select_n3A_50, %add3A_52 : i32
        %select_n3A_54 = arith.constant true
        %select_n3A_55 = arith.select %select_n3A_54, %add3A_53, %select_n3A_50 : i32
        %eq3A_56 = arith.cmpi eq, %select_n3A_55, %select_n3A : i32
        %select_n3A_57 = arith.constant 0 : i32
        %select_n3A_58 = arith.select %eq3A_56, %select_n3A_57, %select_n3A_55 : i32
        %add3A_59 = arith.addi %select_n3A_58, %select_n3A_16 : i32
        "tpu.trace_start"() <{level = 10 : i32, message = "ep_initialize_0"}> : () -> ()
        %rem3A = arith.constant 0 : i32
        %rem3A_60 = arith.constant 2 : i32
        %rem3A_61 = arith.remui %rem3A, %rem3A_60 : i32
        %mul3A_62 = arith.constant 512 : i32
        %mul3A_63 = arith.muli %mul3A_62, %add3A_33 : i32
        %dma_start3A = arith.constant 0 : i32
        %dma_start3A_64 = arith.constant 0 : i32
        %dma_start3A_65 = tpu.memref_slice %run_scoped3A[%rem3A_61, %dma_start3A, %dma_start3A_64] : memref<2x512x16xf32, #tpu.memory_space<vmem>> -> memref<1x512x16xf32, #tpu.memory_space<vmem>>
        %dma_start3A_66 = tpu.memref_squeeze %dma_start3A_65 : memref<1x512x16xf32, #tpu.memory_space<vmem>> -> memref<512x16xf32, #tpu.memory_space<vmem>>
        %dma_start3A_67 = arith.constant 0 : i32
        %dma_start3A_68 = tpu.memref_slice %arg2[%mul3A_63, %dma_start3A_67] : memref<320000x16xf32, #tpu.memory_space<hbm>> -> memref<512x16xf32, #tpu.memory_space<hbm>>
        %dma_start3A_69 = tpu.memref_slice %run_scoped3A_23[%rem3A_61] : memref<2x!tpu.dma_semaphore, #tpu.memory_space<semaphore_mem>> -> memref<1x!tpu.dma_semaphore, #tpu.memory_space<semaphore_mem>>
        %dma_start3A_70 = tpu.memref_squeeze %dma_start3A_69 : memref<1x!tpu.dma_semaphore, #tpu.memory_space<semaphore_mem>> -> memref<!tpu.dma_semaphore, #tpu.memory_space<semaphore_mem>>
        %dma_start3A_71 = arith.constant 0 : i32
        %dma_start3A_72 = arith.constant 0 : i32
        %dma_start3A_73 = tpu.memref_slice %run_scoped3A[%rem3A_61, %dma_start3A_71, %dma_start3A_72] : memref<2x512x16xf32, #tpu.memory_space<vmem>> -> memref<1x512x16xf32, #tpu.memory_space<vmem>>
        %dma_start3A_74 = tpu.memref_squeeze %dma_start3A_73 : memref<1x512x16xf32, #tpu.memory_space<vmem>> -> memref<512x16xf32, #tpu.memory_space<vmem>>
        %dma_start3A_75 = arith.constant 0 : i32
        %dma_start3A_76 = tpu.memref_slice %arg2[%mul3A_63, %dma_start3A_75] : memref<320000x16xf32, #tpu.memory_space<hbm>> -> memref<512x16xf32, #tpu.memory_space<hbm>>
        tpu.enqueue_dma source(%dma_start3A_76 : memref<512x16xf32, #tpu.memory_space<hbm>>) target(%dma_start3A_74 : memref<512x16xf32, #tpu.memory_space<vmem>>) target_semaphore(%dma_start3A_70 : memref<!tpu.dma_semaphore, #tpu.memory_space<semaphore_mem>>)
        %add3A_77 = arith.constant 0 : i32
        %add3A_78 = arith.constant 1 : i32
        %add3A_79 = arith.addi %add3A_77, %add3A_78 : i32
        %select_n3A_80 = arith.constant true
        %select_n3A_81 = arith.constant 0 : i32
        %select_n3A_82 = arith.select %select_n3A_80, %add3A_79, %select_n3A_81 : i32
        %rem3A_83 = arith.constant 0 : i32
        %rem3A_84 = arith.constant 2 : i32
        %rem3A_85 = arith.remui %rem3A_83, %rem3A_84 : i32
        %mul3A_86 = arith.constant 4 : i32
        %mul3A_87 = arith.muli %mul3A_86, %add3A_33 : i32
        %dma_start3A_88 = arith.constant 0 : i32
        %dma_start3A_89 = arith.constant 0 : i32
        %dma_start3A_90 = tpu.memref_slice %run_scoped3A_24[%rem3A_85, %dma_start3A_88, %dma_start3A_89] : memref<2x4x128xi32, #tpu.memory_space<vmem>> -> memref<1x4x128xi32, #tpu.memory_space<vmem>>
        %dma_start3A_91 = tpu.memref_squeeze %dma_start3A_90 : memref<1x4x128xi32, #tpu.memory_space<vmem>> -> memref<4x128xi32, #tpu.memory_space<vmem>>
        %dma_start3A_92 = arith.constant 0 : i32
        %dma_start3A_93 = tpu.memref_slice %arg3[%mul3A_87, %dma_start3A_92] : memref<2500x128xi32, #tpu.memory_space<hbm>> -> memref<4x128xi32, #tpu.memory_space<hbm>>
        %dma_start3A_94 = tpu.memref_slice %run_scoped3A_25[%rem3A_85] : memref<2x!tpu.dma_semaphore, #tpu.memory_space<semaphore_mem>> -> memref<1x!tpu.dma_semaphore, #tpu.memory_space<semaphore_mem>>
        %dma_start3A_95 = tpu.memref_squeeze %dma_start3A_94 : memref<1x!tpu.dma_semaphore, #tpu.memory_space<semaphore_mem>> -> memref<!tpu.dma_semaphore, #tpu.memory_space<semaphore_mem>>
        %dma_start3A_96 = arith.constant 0 : i32
        %dma_start3A_97 = arith.constant 0 : i32
        %dma_start3A_98 = tpu.memref_slice %run_scoped3A_24[%rem3A_85, %dma_start3A_96, %dma_start3A_97] : memref<2x4x128xi32, #tpu.memory_space<vmem>> -> memref<1x4x128xi32, #tpu.memory_space<vmem>>
        %dma_start3A_99 = tpu.memref_squeeze %dma_start3A_98 : memref<1x4x128xi32, #tpu.memory_space<vmem>> -> memref<4x128xi32, #tpu.memory_space<vmem>>
        %dma_start3A_100 = arith.constant 0 : i32
        %dma_start3A_101 = tpu.memref_slice %arg3[%mul3A_87, %dma_start3A_100] : memref<2500x128xi32, #tpu.memory_space<hbm>> -> memref<4x128xi32, #tpu.memory_space<hbm>>
        tpu.enqueue_dma source(%dma_start3A_101 : memref<4x128xi32, #tpu.memory_space<hbm>>) target(%dma_start3A_99 : memref<4x128xi32, #tpu.memory_space<vmem>>) target_semaphore(%dma_start3A_95 : memref<!tpu.dma_semaphore, #tpu.memory_space<semaphore_mem>>)
        %add3A_102 = arith.constant 0 : i32
        %add3A_103 = arith.constant 1 : i32
        %add3A_104 = arith.addi %add3A_102, %add3A_103 : i32
        %select_n3A_105 = arith.constant true
        %select_n3A_106 = arith.constant 0 : i32
        %select_n3A_107 = arith.select %select_n3A_105, %add3A_104, %select_n3A_106 : i32
        %while3A = arith.constant 0 : i32
        %while3A_108 = arith.constant 0 : i32
        %while3A_109 = arith.constant 0 : i32
        %while3A_110 = arith.constant 0 : i32
        "tpu.trace_stop"() : () -> ()
        %while3A_111 = arith.subi %mul3A_18, %while3A : i32
        %while3A_112 = arith.addi %while3A, %while3A_111 : i32
        %while3A_113 = arith.constant 1 : i32
        %while3A_114 = arith.divsi %while3A_111, %while3A_113 : i32
        %while3A_115 = arith.muli %while3A_114, %while3A_113 : i32
        %while3A_116 = arith.addi %while3A, %while3A_115 : i32
        %while3A_117 = arith.constant 1 : i32
        %while3A_118:5 = scf.for %while3A_172 = %while3A to %while3A_116 step %while3A_117 iter_args(%while3A_173 = %select_n3A_82, %while3A_174 = %while3A_108, %while3A_175 = %select_n3A_107, %while3A_176 = %while3A_109, %while3A_177 = %while3A_110) -> (i32, i32, i32, i32, i32)  : i32 {
          %mul3A_178 = arith.constant 1 : i32
          %mul3A_179 = arith.muli %mul3A_178, %select_n3A : i32
          %eq3A_180 = arith.constant 0 : i32
          %eq3A_181 = arith.cmpi eq, %while3A_172, %eq3A_180 : i32
          %sub3A_182 = arith.constant 1 : i32
          %sub3A_183 = arith.subi %mul3A_179, %sub3A_182 : i32
          %eq3A_184 = arith.cmpi eq, %while3A_172, %sub3A_183 : i32
          %add3A_185 = arith.addi %while3A_177, %select_n3A_16 : i32
          %sub3A_186 = arith.constant 1 : i32
          %sub3A_187 = arith.subi %while3A_177, %sub3A_186 : i32
          %select_n3A_188 = arith.constant true
          %select_n3A_189 = arith.select %select_n3A_188, %sub3A_187, %while3A_177 : i32
          %eq3A_190 = arith.constant -1 : i32
          %eq3A_191 = arith.cmpi eq, %select_n3A_189, %eq3A_190 : i32
          %sub3A_192 = arith.constant 1 : i32
          %sub3A_193 = arith.subi %select_n3A, %sub3A_192 : i32
          %select_n3A_194 = arith.select %eq3A_191, %sub3A_193, %select_n3A_189 : i32
          %add3A_195 = arith.addi %select_n3A_194, %select_n3A_16 : i32
          %add3A_196 = arith.constant 1 : i32
          %add3A_197 = arith.addi %while3A_177, %add3A_196 : i32
          %select_n3A_198 = arith.constant true
          %select_n3A_199 = arith.select %select_n3A_198, %add3A_197, %while3A_177 : i32
          %eq3A_200 = arith.cmpi eq, %select_n3A_199, %select_n3A : i32
          %select_n3A_201 = arith.constant 0 : i32
          %select_n3A_202 = arith.select %eq3A_200, %select_n3A_201, %select_n3A_199 : i32
          %add3A_203 = arith.addi %select_n3A_202, %select_n3A_16 : i32
          %add3A_204 = arith.constant 1 : i32
          %add3A_205 = arith.addi %select_n3A_202, %add3A_204 : i32
          %select_n3A_206 = arith.constant true
          %select_n3A_207 = arith.select %select_n3A_206, %add3A_205, %select_n3A_202 : i32
          %eq3A_208 = arith.cmpi eq, %select_n3A_207, %select_n3A : i32
          %select_n3A_209 = arith.constant 0 : i32
          %select_n3A_210 = arith.select %eq3A_208, %select_n3A_209, %select_n3A_207 : i32
          %add3A_211 = arith.addi %select_n3A_210, %select_n3A_16 : i32
          %ne3A = arith.cmpi ne, %add3A_185, %add3A_203 : i32
          %or3A = arith.constant false
          %or3A_212 = arith.ori %or3A, %ne3A : i1
          %or3A_213 = arith.constant false
          %or3A_214 = arith.ori %or3A_212, %or3A_213 : i1
          %sub3A_215 = arith.constant 2 : i32
          %sub3A_216 = arith.subi %mul3A_179, %sub3A_215 : i32
          %add3A_217 = arith.constant 1 : i32
          %add3A_218 = arith.addi %sub3A_216, %add3A_217 : i32
          %ge3A = arith.cmpi sge, %while3A_172, %add3A_218 : i32
          %not3A = arith.constant true
          %not3A_219 = arith.xori %ge3A, %not3A : i1
          %and3A = arith.andi %or3A_214, %not3A_219 : i1
          %convert_element_type3A_220 = arith.extui %and3A : i1 to i32
          %cond3A_221 = arith.constant 0 : i32
          %cond3A_222 = arith.cmpi ne, %convert_element_type3A_220, %cond3A_221 : i32
          scf.if %cond3A_222 {
            "tpu.trace_start"() <{level = 10 : i32, message = "ep_copy_in"}> : () -> ()
            %rem3A_348 = arith.constant 2 : i32
            %rem3A_349 = arith.remui %while3A_173, %rem3A_348 : i32
            %mul3A_350 = arith.constant 512 : i32
            %mul3A_351 = arith.muli %mul3A_350, %add3A_203 : i32
            %dma_start3A_352 = arith.constant 0 : i32
            %dma_start3A_353 = arith.constant 0 : i32
            %dma_start3A_354 = tpu.memref_slice %run_scoped3A[%rem3A_349, %dma_start3A_352, %dma_start3A_353] : memref<2x512x16xf32, #tpu.memory_space<vmem>> -> memref<1x512x16xf32, #tpu.memory_space<vmem>>
            %dma_start3A_355 = tpu.memref_squeeze %dma_start3A_354 : memref<1x512x16xf32, #tpu.memory_space<vmem>> -> memref<512x16xf32, #tpu.memory_space<vmem>>
            %dma_start3A_356 = arith.constant 0 : i32
            %dma_start3A_357 = tpu.memref_slice %arg2[%mul3A_351, %dma_start3A_356] : memref<320000x16xf32, #tpu.memory_space<hbm>> -> memref<512x16xf32, #tpu.memory_space<hbm>>
            %dma_start3A_358 = tpu.memref_slice %run_scoped3A_23[%rem3A_349] : memref<2x!tpu.dma_semaphore, #tpu.memory_space<semaphore_mem>> -> memref<1x!tpu.dma_semaphore, #tpu.memory_space<semaphore_mem>>
            %dma_start3A_359 = tpu.memref_squeeze %dma_start3A_358 : memref<1x!tpu.dma_semaphore, #tpu.memory_space<semaphore_mem>> -> memref<!tpu.dma_semaphore, #tpu.memory_space<semaphore_mem>>
            %dma_start3A_360 = arith.constant 0 : i32
            %dma_start3A_361 = arith.constant 0 : i32
            %dma_start3A_362 = tpu.memref_slice %run_scoped3A[%rem3A_349, %dma_start3A_360, %dma_start3A_361] : memref<2x512x16xf32, #tpu.memory_space<vmem>> -> memref<1x512x16xf32, #tpu.memory_space<vmem>>
            %dma_start3A_363 = tpu.memref_squeeze %dma_start3A_362 : memref<1x512x16xf32, #tpu.memory_space<vmem>> -> memref<512x16xf32, #tpu.memory_space<vmem>>
            %dma_start3A_364 = arith.constant 0 : i32
            %dma_start3A_365 = tpu.memref_slice %arg2[%mul3A_351, %dma_start3A_364] : memref<320000x16xf32, #tpu.memory_space<hbm>> -> memref<512x16xf32, #tpu.memory_space<hbm>>
            tpu.enqueue_dma source(%dma_start3A_365 : memref<512x16xf32, #tpu.memory_space<hbm>>) target(%dma_start3A_363 : memref<512x16xf32, #tpu.memory_space<vmem>>) target_semaphore(%dma_start3A_359 : memref<!tpu.dma_semaphore, #tpu.memory_space<semaphore_mem>>)
            "tpu.trace_stop"() : () -> ()
          } else {
          }
          %and3A_223 = arith.constant true
          %and3A_224 = arith.andi %and3A, %and3A_223 : i1
          %add3A_225 = arith.constant 1 : i32
          %add3A_226 = arith.addi %while3A_173, %add3A_225 : i32
          %select_n3A_227 = arith.select %and3A_224, %add3A_226, %while3A_173 : i32
          %ne3A_228 = arith.cmpi ne, %add3A_185, %add3A_203 : i32
          %or3A_229 = arith.constant false
          %or3A_230 = arith.ori %or3A_229, %ne3A_228 : i1
          %or3A_231 = arith.constant false
          %or3A_232 = arith.ori %or3A_230, %or3A_231 : i1
          %sub3A_233 = arith.constant 2 : i32
          %sub3A_234 = arith.subi %mul3A_179, %sub3A_233 : i32
          %add3A_235 = arith.constant 1 : i32
          %add3A_236 = arith.addi %sub3A_234, %add3A_235 : i32
          %ge3A_237 = arith.cmpi sge, %while3A_172, %add3A_236 : i32
          %not3A_238 = arith.constant true
          %not3A_239 = arith.xori %ge3A_237, %not3A_238 : i1
          %and3A_240 = arith.andi %or3A_232, %not3A_239 : i1
          %convert_element_type3A_241 = arith.extui %and3A_240 : i1 to i32
          %cond3A_242 = arith.constant 0 : i32
          %cond3A_243 = arith.cmpi ne, %convert_element_type3A_241, %cond3A_242 : i32
          scf.if %cond3A_243 {
            "tpu.trace_start"() <{level = 10 : i32, message = "ep_copy_in"}> : () -> ()
            %rem3A_348 = arith.constant 2 : i32
            %rem3A_349 = arith.remui %while3A_175, %rem3A_348 : i32
            %mul3A_350 = arith.constant 4 : i32
            %mul3A_351 = arith.muli %mul3A_350, %add3A_203 : i32
            %dma_start3A_352 = arith.constant 0 : i32
            %dma_start3A_353 = arith.constant 0 : i32
            %dma_start3A_354 = tpu.memref_slice %run_scoped3A_24[%rem3A_349, %dma_start3A_352, %dma_start3A_353] : memref<2x4x128xi32, #tpu.memory_space<vmem>> -> memref<1x4x128xi32, #tpu.memory_space<vmem>>
            %dma_start3A_355 = tpu.memref_squeeze %dma_start3A_354 : memref<1x4x128xi32, #tpu.memory_space<vmem>> -> memref<4x128xi32, #tpu.memory_space<vmem>>
            %dma_start3A_356 = arith.constant 0 : i32
            %dma_start3A_357 = tpu.memref_slice %arg3[%mul3A_351, %dma_start3A_356] : memref<2500x128xi32, #tpu.memory_space<hbm>> -> memref<4x128xi32, #tpu.memory_space<hbm>>
            %dma_start3A_358 = tpu.memref_slice %run_scoped3A_25[%rem3A_349] : memref<2x!tpu.dma_semaphore, #tpu.memory_space<semaphore_mem>> -> memref<1x!tpu.dma_semaphore, #tpu.memory_space<semaphore_mem>>
            %dma_start3A_359 = tpu.memref_squeeze %dma_start3A_358 : memref<1x!tpu.dma_semaphore, #tpu.memory_space<semaphore_mem>> -> memref<!tpu.dma_semaphore, #tpu.memory_space<semaphore_mem>>
            %dma_start3A_360 = arith.constant 0 : i32
            %dma_start3A_361 = arith.constant 0 : i32
            %dma_start3A_362 = tpu.memref_slice %run_scoped3A_24[%rem3A_349, %dma_start3A_360, %dma_start3A_361] : memref<2x4x128xi32, #tpu.memory_space<vmem>> -> memref<1x4x128xi32, #tpu.memory_space<vmem>>
            %dma_start3A_363 = tpu.memref_squeeze %dma_start3A_362 : memref<1x4x128xi32, #tpu.memory_space<vmem>> -> memref<4x128xi32, #tpu.memory_space<vmem>>
            %dma_start3A_364 = arith.constant 0 : i32
            %dma_start3A_365 = tpu.memref_slice %arg3[%mul3A_351, %dma_start3A_364] : memref<2500x128xi32, #tpu.memory_space<hbm>> -> memref<4x128xi32, #tpu.memory_space<hbm>>
            tpu.enqueue_dma source(%dma_start3A_365 : memref<4x128xi32, #tpu.memory_space<hbm>>) target(%dma_start3A_363 : memref<4x128xi32, #tpu.memory_space<vmem>>) target_semaphore(%dma_start3A_359 : memref<!tpu.dma_semaphore, #tpu.memory_space<semaphore_mem>>)
            "tpu.trace_stop"() : () -> ()
          } else {
          }
          %and3A_244 = arith.constant true
          %and3A_245 = arith.andi %and3A_240, %and3A_244 : i1
          %add3A_246 = arith.constant 1 : i32
          %add3A_247 = arith.addi %while3A_175, %add3A_246 : i32
          %select_n3A_248 = arith.select %and3A_245, %add3A_247, %while3A_175 : i32
          %ne3A_249 = arith.cmpi ne, %add3A_185, %add3A_195 : i32
          %or3A_250 = arith.constant false
          %or3A_251 = arith.ori %or3A_250, %ne3A_249 : i1
          %or3A_252 = arith.constant false
          %or3A_253 = arith.ori %or3A_251, %or3A_252 : i1
          %or3A_254 = arith.ori %or3A_253, %eq3A_181 : i1
          %convert_element_type3A_255 = arith.extui %or3A_254 : i1 to i32
          %cond3A_256 = arith.constant 0 : i32
          %cond3A_257 = arith.cmpi ne, %convert_element_type3A_255, %cond3A_256 : i32
          scf.if %cond3A_257 {
            "tpu.trace_start"() <{level = 10 : i32, message = "ep_wait_in"}> : () -> ()
            %mul3A_348 = arith.constant 512 : i32
            %mul3A_349 = arith.muli %mul3A_348, %add3A_185 : i32
            %rem3A_350 = arith.constant 2 : i32
            %rem3A_351 = arith.remui %while3A_174, %rem3A_350 : i32
            %dma_wait3A = arith.constant 0 : i32
            %dma_wait3A_352 = arith.constant 0 : i32
            %dma_wait3A_353 = tpu.memref_slice %run_scoped3A[%rem3A_351, %dma_wait3A, %dma_wait3A_352] : memref<2x512x16xf32, #tpu.memory_space<vmem>> -> memref<1x512x16xf32, #tpu.memory_space<vmem>>
            %dma_wait3A_354 = tpu.memref_squeeze %dma_wait3A_353 : memref<1x512x16xf32, #tpu.memory_space<vmem>> -> memref<512x16xf32, #tpu.memory_space<vmem>>
            %dma_wait3A_355 = arith.constant 0 : i32
            %dma_wait3A_356 = tpu.memref_slice %arg2[%mul3A_349, %dma_wait3A_355] : memref<320000x16xf32, #tpu.memory_space<hbm>> -> memref<512x16xf32, #tpu.memory_space<hbm>>
            %dma_wait3A_357 = tpu.memref_slice %run_scoped3A_23[%rem3A_351] : memref<2x!tpu.dma_semaphore, #tpu.memory_space<semaphore_mem>> -> memref<1x!tpu.dma_semaphore, #tpu.memory_space<semaphore_mem>>
            %dma_wait3A_358 = tpu.memref_squeeze %dma_wait3A_357 : memref<1x!tpu.dma_semaphore, #tpu.memory_space<semaphore_mem>> -> memref<!tpu.dma_semaphore, #tpu.memory_space<semaphore_mem>>
            %dma_wait3A_359 = arith.constant 0 : i32
            %dma_wait3A_360 = arith.constant 0 : i32
            %dma_wait3A_361 = tpu.memref_slice %run_scoped3A[%rem3A_351, %dma_wait3A_359, %dma_wait3A_360] : memref<2x512x16xf32, #tpu.memory_space<vmem>> -> memref<1x512x16xf32, #tpu.memory_space<vmem>>
            %dma_wait3A_362 = tpu.memref_squeeze %dma_wait3A_361 : memref<1x512x16xf32, #tpu.memory_space<vmem>> -> memref<512x16xf32, #tpu.memory_space<vmem>>
            %dma_wait3A_363 = arith.constant 0 : i32
            %dma_wait3A_364 = tpu.memref_slice %arg2[%mul3A_349, %dma_wait3A_363] : memref<320000x16xf32, #tpu.memory_space<hbm>> -> memref<512x16xf32, #tpu.memory_space<hbm>>
            tpu.wait_dma2 semaphore(%dma_wait3A_358 : memref<!tpu.dma_semaphore, #tpu.memory_space<semaphore_mem>>) src(%dma_wait3A_364 : memref<512x16xf32, #tpu.memory_space<hbm>>) dst(%dma_wait3A_362 : memref<512x16xf32, #tpu.memory_space<vmem>>)
            "tpu.trace_stop"() : () -> ()
          } else {
          }
          %ne3A_258 = arith.cmpi ne, %add3A_185, %add3A_195 : i32
          %or3A_259 = arith.constant false
          %or3A_260 = arith.ori %or3A_259, %ne3A_258 : i1
          %or3A_261 = arith.constant false
          %or3A_262 = arith.ori %or3A_260, %or3A_261 : i1
          %or3A_263 = arith.ori %or3A_262, %eq3A_181 : i1
          %convert_element_type3A_264 = arith.extui %or3A_263 : i1 to i32
          %cond3A_265 = arith.constant 0 : i32
          %cond3A_266 = arith.cmpi ne, %convert_element_type3A_264, %cond3A_265 : i32
          scf.if %cond3A_266 {
            "tpu.trace_start"() <{level = 10 : i32, message = "ep_wait_in"}> : () -> ()
            %mul3A_348 = arith.constant 4 : i32
            %mul3A_349 = arith.muli %mul3A_348, %add3A_185 : i32
            %rem3A_350 = arith.constant 2 : i32
            %rem3A_351 = arith.remui %while3A_176, %rem3A_350 : i32
            %dma_wait3A = arith.constant 0 : i32
            %dma_wait3A_352 = arith.constant 0 : i32
            %dma_wait3A_353 = tpu.memref_slice %run_scoped3A_24[%rem3A_351, %dma_wait3A, %dma_wait3A_352] : memref<2x4x128xi32, #tpu.memory_space<vmem>> -> memref<1x4x128xi32, #tpu.memory_space<vmem>>
            %dma_wait3A_354 = tpu.memref_squeeze %dma_wait3A_353 : memref<1x4x128xi32, #tpu.memory_space<vmem>> -> memref<4x128xi32, #tpu.memory_space<vmem>>
            %dma_wait3A_355 = arith.constant 0 : i32
            %dma_wait3A_356 = tpu.memref_slice %arg3[%mul3A_349, %dma_wait3A_355] : memref<2500x128xi32, #tpu.memory_space<hbm>> -> memref<4x128xi32, #tpu.memory_space<hbm>>
            %dma_wait3A_357 = tpu.memref_slice %run_scoped3A_25[%rem3A_351] : memref<2x!tpu.dma_semaphore, #tpu.memory_space<semaphore_mem>> -> memref<1x!tpu.dma_semaphore, #tpu.memory_space<semaphore_mem>>
            %dma_wait3A_358 = tpu.memref_squeeze %dma_wait3A_357 : memref<1x!tpu.dma_semaphore, #tpu.memory_space<semaphore_mem>> -> memref<!tpu.dma_semaphore, #tpu.memory_space<semaphore_mem>>
            %dma_wait3A_359 = arith.constant 0 : i32
            %dma_wait3A_360 = arith.constant 0 : i32
            %dma_wait3A_361 = tpu.memref_slice %run_scoped3A_24[%rem3A_351, %dma_wait3A_359, %dma_wait3A_360] : memref<2x4x128xi32, #tpu.memory_space<vmem>> -> memref<1x4x128xi32, #tpu.memory_space<vmem>>
            %dma_wait3A_362 = tpu.memref_squeeze %dma_wait3A_361 : memref<1x4x128xi32, #tpu.memory_space<vmem>> -> memref<4x128xi32, #tpu.memory_space<vmem>>
            %dma_wait3A_363 = arith.constant 0 : i32
            %dma_wait3A_364 = tpu.memref_slice %arg3[%mul3A_349, %dma_wait3A_363] : memref<2500x128xi32, #tpu.memory_space<hbm>> -> memref<4x128xi32, #tpu.memory_space<hbm>>
            tpu.wait_dma2 semaphore(%dma_wait3A_358 : memref<!tpu.dma_semaphore, #tpu.memory_space<semaphore_mem>>) src(%dma_wait3A_364 : memref<4x128xi32, #tpu.memory_space<hbm>>) dst(%dma_wait3A_362 : memref<4x128xi32, #tpu.memory_space<vmem>>)
            "tpu.trace_stop"() : () -> ()
          } else {
          }
          %rem3A_267 = arith.constant 2 : i32
          %rem3A_268 = arith.remui %while3A_174, %rem3A_267 : i32
          %rem3A_269 = arith.constant 2 : i32
          %rem3A_270 = arith.remui %while3A_176, %rem3A_269 : i32
          %run_scoped3A_271 = arith.constant 0 : i32
          "tpu.trace_start"() <{level = 10 : i32, message = "ep_run_kernel"}> : () -> ()
          "tpu.region"() ({
            %run_scoped3A_348 = tpu.sem_alloc : memref<!tpu.dma_semaphore, #tpu.memory_space<semaphore_mem>>
            %dma_start3A_349 = arith.constant 0 : i32
            %dma_start3A_350 = arith.constant 0 : i32
            %dma_start3A_351 = tpu.memref_slice %run_scoped3A[%rem3A_268, %dma_start3A_349, %dma_start3A_350] : memref<2x512x16xf32, #tpu.memory_space<vmem>> -> memref<1x512x16xf32, #tpu.memory_space<vmem>>
            %dma_start3A_352 = tpu.memref_squeeze %dma_start3A_351 : memref<1x512x16xf32, #tpu.memory_space<vmem>> -> memref<512x16xf32, #tpu.memory_space<vmem>>
            %dma_start3A_353 = arith.constant 0 : i32
            %dma_start3A_354 = arith.constant 0 : i32
            %dma_start3A_355 = tpu.memref_slice %dma_start3A_352[%dma_start3A_353, %dma_start3A_354] : memref<512x16xf32, #tpu.memory_space<vmem>> -> memref<128x16xf32, #tpu.memory_space<vmem>>
            %dma_start3A_356 = arith.constant 0 : i32
            %dma_start3A_357 = arith.constant 0 : i32
            %dma_start3A_358 = tpu.memref_slice %run_scoped3A_24[%rem3A_270, %dma_start3A_356, %dma_start3A_357] : memref<2x4x128xi32, #tpu.memory_space<vmem>> -> memref<1x4x128xi32, #tpu.memory_space<vmem>>
            %dma_start3A_359 = tpu.memref_squeeze %dma_start3A_358 : memref<1x4x128xi32, #tpu.memory_space<vmem>> -> memref<4x128xi32, #tpu.memory_space<vmem>>
            %dma_start3A_360 = arith.constant 0 : i32
            %dma_start3A_361 = tpu.memref_slice %dma_start3A_359[%run_scoped3A_271, %dma_start3A_360] : memref<4x128xi32, #tpu.memory_space<vmem>> -> memref<1x128xi32, #tpu.memory_space<vmem>>
            %dma_start3A_362 = tpu.memref_squeeze %dma_start3A_361 : memref<1x128xi32, #tpu.memory_space<vmem>> -> memref<128xi32, #tpu.memory_space<vmem>>
            %dma_start3A_363 = arith.constant 0 : i32
            %dma_start3A_364 = arith.constant 0 : i32
            %dma_start3A_365 = tpu.memref_slice %arg6[%dma_start3A_363, %dma_start3A_364] : memref<10000x16xf32, #tpu.memory_space<vmem_shared>> -> memref<10000x16xf32, #tpu.memory_space<vmem_shared>>
            tpu.enqueue_indirect_dma source(%dma_start3A_355 : memref<128x16xf32, #tpu.memory_space<vmem>>) target(%dma_start3A_365 : memref<10000x16xf32, #tpu.memory_space<vmem_shared>>) offsets(%dma_start3A_362 : memref<128xi32, #tpu.memory_space<vmem>>) semaphore(%run_scoped3A_348 : memref<!tpu.dma_semaphore, #tpu.memory_space<semaphore_mem>>) {add = true}
            %dma_wait3A = arith.constant 0 : i32
            %dma_wait3A_366 = arith.constant 0 : i32
            %dma_wait3A_367 = tpu.memref_slice %run_scoped3A[%rem3A_268, %dma_wait3A, %dma_wait3A_366] : memref<2x512x16xf32, #tpu.memory_space<vmem>> -> memref<1x512x16xf32, #tpu.memory_space<vmem>>
            %dma_wait3A_368 = tpu.memref_squeeze %dma_wait3A_367 : memref<1x512x16xf32, #tpu.memory_space<vmem>> -> memref<512x16xf32, #tpu.memory_space<vmem>>
            %dma_wait3A_369 = arith.constant 0 : i32
            %dma_wait3A_370 = arith.constant 0 : i32
            %dma_wait3A_371 = tpu.memref_slice %dma_wait3A_368[%dma_wait3A_369, %dma_wait3A_370] : memref<512x16xf32, #tpu.memory_space<vmem>> -> memref<128x16xf32, #tpu.memory_space<vmem>>
            %dma_wait3A_372 = arith.constant 0 : i32
            %dma_wait3A_373 = arith.constant 0 : i32
            %dma_wait3A_374 = tpu.memref_slice %run_scoped3A_24[%rem3A_270, %dma_wait3A_372, %dma_wait3A_373] : memref<2x4x128xi32, #tpu.memory_space<vmem>> -> memref<1x4x128xi32, #tpu.memory_space<vmem>>
            %dma_wait3A_375 = tpu.memref_squeeze %dma_wait3A_374 : memref<1x4x128xi32, #tpu.memory_space<vmem>> -> memref<4x128xi32, #tpu.memory_space<vmem>>
            %dma_wait3A_376 = arith.constant 0 : i32
            %dma_wait3A_377 = tpu.memref_slice %dma_wait3A_375[%run_scoped3A_271, %dma_wait3A_376] : memref<4x128xi32, #tpu.memory_space<vmem>> -> memref<1x128xi32, #tpu.memory_space<vmem>>
            %dma_wait3A_378 = tpu.memref_squeeze %dma_wait3A_377 : memref<1x128xi32, #tpu.memory_space<vmem>> -> memref<128xi32, #tpu.memory_space<vmem>>
            %dma_wait3A_379 = arith.constant 0 : i32
            %dma_wait3A_380 = arith.constant 0 : i32
            %dma_wait3A_381 = tpu.memref_slice %arg6[%dma_wait3A_379, %dma_wait3A_380] : memref<10000x16xf32, #tpu.memory_space<vmem_shared>> -> memref<10000x16xf32, #tpu.memory_space<vmem_shared>>
            tpu.wait_indirect_dma semaphore(%run_scoped3A_348 : memref<!tpu.dma_semaphore, #tpu.memory_space<semaphore_mem>>) src(%dma_wait3A_371 : memref<128x16xf32, #tpu.memory_space<vmem>>) dst(%dma_wait3A_381 : memref<10000x16xf32, #tpu.memory_space<vmem_shared>>)
            tpu.yield
          }) : () -> ()
          %run_scoped3A_272 = arith.constant 1 : i32
          "tpu.region"() ({
            %run_scoped3A_348 = tpu.sem_alloc : memref<!tpu.dma_semaphore, #tpu.memory_space<semaphore_mem>>
            %dma_start3A_349 = arith.constant 0 : i32
            %dma_start3A_350 = arith.constant 0 : i32
            %dma_start3A_351 = tpu.memref_slice %run_scoped3A[%rem3A_268, %dma_start3A_349, %dma_start3A_350] : memref<2x512x16xf32, #tpu.memory_space<vmem>> -> memref<1x512x16xf32, #tpu.memory_space<vmem>>
            %dma_start3A_352 = tpu.memref_squeeze %dma_start3A_351 : memref<1x512x16xf32, #tpu.memory_space<vmem>> -> memref<512x16xf32, #tpu.memory_space<vmem>>
            %dma_start3A_353 = arith.constant 128 : i32
            %dma_start3A_354 = arith.constant 0 : i32
            %dma_start3A_355 = tpu.memref_slice %dma_start3A_352[%dma_start3A_353, %dma_start3A_354] : memref<512x16xf32, #tpu.memory_space<vmem>> -> memref<128x16xf32, #tpu.memory_space<vmem>>
            %dma_start3A_356 = arith.constant 0 : i32
            %dma_start3A_357 = arith.constant 0 : i32
            %dma_start3A_358 = tpu.memref_slice %run_scoped3A_24[%rem3A_270, %dma_start3A_356, %dma_start3A_357] : memref<2x4x128xi32, #tpu.memory_space<vmem>> -> memref<1x4x128xi32, #tpu.memory_space<vmem>>
            %dma_start3A_359 = tpu.memref_squeeze %dma_start3A_358 : memref<1x4x128xi32, #tpu.memory_space<vmem>> -> memref<4x128xi32, #tpu.memory_space<vmem>>
            %dma_start3A_360 = arith.constant 0 : i32
            %dma_start3A_361 = tpu.memref_slice %dma_start3A_359[%run_scoped3A_272, %dma_start3A_360] : memref<4x128xi32, #tpu.memory_space<vmem>> -> memref<1x128xi32, #tpu.memory_space<vmem>>
            %dma_start3A_362 = tpu.memref_squeeze %dma_start3A_361 : memref<1x128xi32, #tpu.memory_space<vmem>> -> memref<128xi32, #tpu.memory_space<vmem>>
            %dma_start3A_363 = arith.constant 0 : i32
            %dma_start3A_364 = arith.constant 0 : i32
            %dma_start3A_365 = tpu.memref_slice %arg6[%dma_start3A_363, %dma_start3A_364] : memref<10000x16xf32, #tpu.memory_space<vmem_shared>> -> memref<10000x16xf32, #tpu.memory_space<vmem_shared>>
            tpu.enqueue_indirect_dma source(%dma_start3A_355 : memref<128x16xf32, #tpu.memory_space<vmem>>) target(%dma_start3A_365 : memref<10000x16xf32, #tpu.memory_space<vmem_shared>>) offsets(%dma_start3A_362 : memref<128xi32, #tpu.memory_space<vmem>>) semaphore(%run_scoped3A_348 : memref<!tpu.dma_semaphore, #tpu.memory_space<semaphore_mem>>) {add = true}
            %dma_wait3A = arith.constant 0 : i32
            %dma_wait3A_366 = arith.constant 0 : i32
            %dma_wait3A_367 = tpu.memref_slice %run_scoped3A[%rem3A_268, %dma_wait3A, %dma_wait3A_366] : memref<2x512x16xf32, #tpu.memory_space<vmem>> -> memref<1x512x16xf32, #tpu.memory_space<vmem>>
            %dma_wait3A_368 = tpu.memref_squeeze %dma_wait3A_367 : memref<1x512x16xf32, #tpu.memory_space<vmem>> -> memref<512x16xf32, #tpu.memory_space<vmem>>
            %dma_wait3A_369 = arith.constant 128 : i32
            %dma_wait3A_370 = arith.constant 0 : i32
            %dma_wait3A_371 = tpu.memref_slice %dma_wait3A_368[%dma_wait3A_369, %dma_wait3A_370] : memref<512x16xf32, #tpu.memory_space<vmem>> -> memref<128x16xf32, #tpu.memory_space<vmem>>
            %dma_wait3A_372 = arith.constant 0 : i32
            %dma_wait3A_373 = arith.constant 0 : i32
            %dma_wait3A_374 = tpu.memref_slice %run_scoped3A_24[%rem3A_270, %dma_wait3A_372, %dma_wait3A_373] : memref<2x4x128xi32, #tpu.memory_space<vmem>> -> memref<1x4x128xi32, #tpu.memory_space<vmem>>
            %dma_wait3A_375 = tpu.memref_squeeze %dma_wait3A_374 : memref<1x4x128xi32, #tpu.memory_space<vmem>> -> memref<4x128xi32, #tpu.memory_space<vmem>>
            %dma_wait3A_376 = arith.constant 0 : i32
            %dma_wait3A_377 = tpu.memref_slice %dma_wait3A_375[%run_scoped3A_272, %dma_wait3A_376] : memref<4x128xi32, #tpu.memory_space<vmem>> -> memref<1x128xi32, #tpu.memory_space<vmem>>
            %dma_wait3A_378 = tpu.memref_squeeze %dma_wait3A_377 : memref<1x128xi32, #tpu.memory_space<vmem>> -> memref<128xi32, #tpu.memory_space<vmem>>
            %dma_wait3A_379 = arith.constant 0 : i32
            %dma_wait3A_380 = arith.constant 0 : i32
            %dma_wait3A_381 = tpu.memref_slice %arg6[%dma_wait3A_379, %dma_wait3A_380] : memref<10000x16xf32, #tpu.memory_space<vmem_shared>> -> memref<10000x16xf32, #tpu.memory_space<vmem_shared>>
            tpu.wait_indirect_dma semaphore(%run_scoped3A_348 : memref<!tpu.dma_semaphore, #tpu.memory_space<semaphore_mem>>) src(%dma_wait3A_371 : memref<128x16xf32, #tpu.memory_space<vmem>>) dst(%dma_wait3A_381 : memref<10000x16xf32, #tpu.memory_space<vmem_shared>>)
            tpu.yield
          }) : () -> ()
          %run_scoped3A_273 = arith.constant 2 : i32
          "tpu.region"() ({
            %run_scoped3A_348 = tpu.sem_alloc : memref<!tpu.dma_semaphore, #tpu.memory_space<semaphore_mem>>
            %dma_start3A_349 = arith.constant 0 : i32
            %dma_start3A_350 = arith.constant 0 : i32
            %dma_start3A_351 = tpu.memref_slice %run_scoped3A[%rem3A_268, %dma_start3A_349, %dma_start3A_350] : memref<2x512x16xf32, #tpu.memory_space<vmem>> -> memref<1x512x16xf32, #tpu.memory_space<vmem>>
            %dma_start3A_352 = tpu.memref_squeeze %dma_start3A_351 : memref<1x512x16xf32, #tpu.memory_space<vmem>> -> memref<512x16xf32, #tpu.memory_space<vmem>>
            %dma_start3A_353 = arith.constant 256 : i32
            %dma_start3A_354 = arith.constant 0 : i32
            %dma_start3A_355 = tpu.memref_slice %dma_start3A_352[%dma_start3A_353, %dma_start3A_354] : memref<512x16xf32, #tpu.memory_space<vmem>> -> memref<128x16xf32, #tpu.memory_space<vmem>>
            %dma_start3A_356 = arith.constant 0 : i32
            %dma_start3A_357 = arith.constant 0 : i32
            %dma_start3A_358 = tpu.memref_slice %run_scoped3A_24[%rem3A_270, %dma_start3A_356, %dma_start3A_357] : memref<2x4x128xi32, #tpu.memory_space<vmem>> -> memref<1x4x128xi32, #tpu.memory_space<vmem>>
            %dma_start3A_359 = tpu.memref_squeeze %dma_start3A_358 : memref<1x4x128xi32, #tpu.memory_space<vmem>> -> memref<4x128xi32, #tpu.memory_space<vmem>>
            %dma_start3A_360 = arith.constant 0 : i32
            %dma_start3A_361 = tpu.memref_slice %dma_start3A_359[%run_scoped3A_273, %dma_start3A_360] : memref<4x128xi32, #tpu.memory_space<vmem>> -> memref<1x128xi32, #tpu.memory_space<vmem>>
            %dma_start3A_362 = tpu.memref_squeeze %dma_start3A_361 : memref<1x128xi32, #tpu.memory_space<vmem>> -> memref<128xi32, #tpu.memory_space<vmem>>
            %dma_start3A_363 = arith.constant 0 : i32
            %dma_start3A_364 = arith.constant 0 : i32
            %dma_start3A_365 = tpu.memref_slice %arg6[%dma_start3A_363, %dma_start3A_364] : memref<10000x16xf32, #tpu.memory_space<vmem_shared>> -> memref<10000x16xf32, #tpu.memory_space<vmem_shared>>
            tpu.enqueue_indirect_dma source(%dma_start3A_355 : memref<128x16xf32, #tpu.memory_space<vmem>>) target(%dma_start3A_365 : memref<10000x16xf32, #tpu.memory_space<vmem_shared>>) offsets(%dma_start3A_362 : memref<128xi32, #tpu.memory_space<vmem>>) semaphore(%run_scoped3A_348 : memref<!tpu.dma_semaphore, #tpu.memory_space<semaphore_mem>>) {add = true}
            %dma_wait3A = arith.constant 0 : i32
            %dma_wait3A_366 = arith.constant 0 : i32
            %dma_wait3A_367 = tpu.memref_slice %run_scoped3A[%rem3A_268, %dma_wait3A, %dma_wait3A_366] : memref<2x512x16xf32, #tpu.memory_space<vmem>> -> memref<1x512x16xf32, #tpu.memory_space<vmem>>
            %dma_wait3A_368 = tpu.memref_squeeze %dma_wait3A_367 : memref<1x512x16xf32, #tpu.memory_space<vmem>> -> memref<512x16xf32, #tpu.memory_space<vmem>>
            %dma_wait3A_369 = arith.constant 256 : i32
            %dma_wait3A_370 = arith.constant 0 : i32
            %dma_wait3A_371 = tpu.memref_slice %dma_wait3A_368[%dma_wait3A_369, %dma_wait3A_370] : memref<512x16xf32, #tpu.memory_space<vmem>> -> memref<128x16xf32, #tpu.memory_space<vmem>>
            %dma_wait3A_372 = arith.constant 0 : i32
            %dma_wait3A_373 = arith.constant 0 : i32
            %dma_wait3A_374 = tpu.memref_slice %run_scoped3A_24[%rem3A_270, %dma_wait3A_372, %dma_wait3A_373] : memref<2x4x128xi32, #tpu.memory_space<vmem>> -> memref<1x4x128xi32, #tpu.memory_space<vmem>>
            %dma_wait3A_375 = tpu.memref_squeeze %dma_wait3A_374 : memref<1x4x128xi32, #tpu.memory_space<vmem>> -> memref<4x128xi32, #tpu.memory_space<vmem>>
            %dma_wait3A_376 = arith.constant 0 : i32
            %dma_wait3A_377 = tpu.memref_slice %dma_wait3A_375[%run_scoped3A_273, %dma_wait3A_376] : memref<4x128xi32, #tpu.memory_space<vmem>> -> memref<1x128xi32, #tpu.memory_space<vmem>>
            %dma_wait3A_378 = tpu.memref_squeeze %dma_wait3A_377 : memref<1x128xi32, #tpu.memory_space<vmem>> -> memref<128xi32, #tpu.memory_space<vmem>>
            %dma_wait3A_379 = arith.constant 0 : i32
            %dma_wait3A_380 = arith.constant 0 : i32
            %dma_wait3A_381 = tpu.memref_slice %arg6[%dma_wait3A_379, %dma_wait3A_380] : memref<10000x16xf32, #tpu.memory_space<vmem_shared>> -> memref<10000x16xf32, #tpu.memory_space<vmem_shared>>
            tpu.wait_indirect_dma semaphore(%run_scoped3A_348 : memref<!tpu.dma_semaphore, #tpu.memory_space<semaphore_mem>>) src(%dma_wait3A_371 : memref<128x16xf32, #tpu.memory_space<vmem>>) dst(%dma_wait3A_381 : memref<10000x16xf32, #tpu.memory_space<vmem_shared>>)
            tpu.yield
          }) : () -> ()
          %run_scoped3A_274 = arith.constant 3 : i32
          "tpu.region"() ({
            %run_scoped3A_348 = tpu.sem_alloc : memref<!tpu.dma_semaphore, #tpu.memory_space<semaphore_mem>>
            %dma_start3A_349 = arith.constant 0 : i32
            %dma_start3A_350 = arith.constant 0 : i32
            %dma_start3A_351 = tpu.memref_slice %run_scoped3A[%rem3A_268, %dma_start3A_349, %dma_start3A_350] : memref<2x512x16xf32, #tpu.memory_space<vmem>> -> memref<1x512x16xf32, #tpu.memory_space<vmem>>
            %dma_start3A_352 = tpu.memref_squeeze %dma_start3A_351 : memref<1x512x16xf32, #tpu.memory_space<vmem>> -> memref<512x16xf32, #tpu.memory_space<vmem>>
            %dma_start3A_353 = arith.constant 384 : i32
            %dma_start3A_354 = arith.constant 0 : i32
            %dma_start3A_355 = tpu.memref_slice %dma_start3A_352[%dma_start3A_353, %dma_start3A_354] : memref<512x16xf32, #tpu.memory_space<vmem>> -> memref<128x16xf32, #tpu.memory_space<vmem>>
            %dma_start3A_356 = arith.constant 0 : i32
            %dma_start3A_357 = arith.constant 0 : i32
            %dma_start3A_358 = tpu.memref_slice %run_scoped3A_24[%rem3A_270, %dma_start3A_356, %dma_start3A_357] : memref<2x4x128xi32, #tpu.memory_space<vmem>> -> memref<1x4x128xi32, #tpu.memory_space<vmem>>
            %dma_start3A_359 = tpu.memref_squeeze %dma_start3A_358 : memref<1x4x128xi32, #tpu.memory_space<vmem>> -> memref<4x128xi32, #tpu.memory_space<vmem>>
            %dma_start3A_360 = arith.constant 0 : i32
            %dma_start3A_361 = tpu.memref_slice %dma_start3A_359[%run_scoped3A_274, %dma_start3A_360] : memref<4x128xi32, #tpu.memory_space<vmem>> -> memref<1x128xi32, #tpu.memory_space<vmem>>
            %dma_start3A_362 = tpu.memref_squeeze %dma_start3A_361 : memref<1x128xi32, #tpu.memory_space<vmem>> -> memref<128xi32, #tpu.memory_space<vmem>>
            %dma_start3A_363 = arith.constant 0 : i32
            %dma_start3A_364 = arith.constant 0 : i32
            %dma_start3A_365 = tpu.memref_slice %arg6[%dma_start3A_363, %dma_start3A_364] : memref<10000x16xf32, #tpu.memory_space<vmem_shared>> -> memref<10000x16xf32, #tpu.memory_space<vmem_shared>>
            tpu.enqueue_indirect_dma source(%dma_start3A_355 : memref<128x16xf32, #tpu.memory_space<vmem>>) target(%dma_start3A_365 : memref<10000x16xf32, #tpu.memory_space<vmem_shared>>) offsets(%dma_start3A_362 : memref<128xi32, #tpu.memory_space<vmem>>) semaphore(%run_scoped3A_348 : memref<!tpu.dma_semaphore, #tpu.memory_space<semaphore_mem>>) {add = true}
            %dma_wait3A = arith.constant 0 : i32
            %dma_wait3A_366 = arith.constant 0 : i32
            %dma_wait3A_367 = tpu.memref_slice %run_scoped3A[%rem3A_268, %dma_wait3A, %dma_wait3A_366] : memref<2x512x16xf32, #tpu.memory_space<vmem>> -> memref<1x512x16xf32, #tpu.memory_space<vmem>>
            %dma_wait3A_368 = tpu.memref_squeeze %dma_wait3A_367 : memref<1x512x16xf32, #tpu.memory_space<vmem>> -> memref<512x16xf32, #tpu.memory_space<vmem>>
            %dma_wait3A_369 = arith.constant 384 : i32
            %dma_wait3A_370 = arith.constant 0 : i32
            %dma_wait3A_371 = tpu.memref_slice %dma_wait3A_368[%dma_wait3A_369, %dma_wait3A_370] : memref<512x16xf32, #tpu.memory_space<vmem>> -> memref<128x16xf32, #tpu.memory_space<vmem>>
            %dma_wait3A_372 = arith.constant 0 : i32
            %dma_wait3A_373 = arith.constant 0 : i32
            %dma_wait3A_374 = tpu.memref_slice %run_scoped3A_24[%rem3A_270, %dma_wait3A_372, %dma_wait3A_373] : memref<2x4x128xi32, #tpu.memory_space<vmem>> -> memref<1x4x128xi32, #tpu.memory_space<vmem>>
            %dma_wait3A_375 = tpu.memref_squeeze %dma_wait3A_374 : memref<1x4x128xi32, #tpu.memory_space<vmem>> -> memref<4x128xi32, #tpu.memory_space<vmem>>
            %dma_wait3A_376 = arith.constant 0 : i32
            %dma_wait3A_377 = tpu.memref_slice %dma_wait3A_375[%run_scoped3A_274, %dma_wait3A_376] : memref<4x128xi32, #tpu.memory_space<vmem>> -> memref<1x128xi32, #tpu.memory_space<vmem>>
            %dma_wait3A_378 = tpu.memref_squeeze %dma_wait3A_377 : memref<1x128xi32, #tpu.memory_space<vmem>> -> memref<128xi32, #tpu.memory_space<vmem>>
            %dma_wait3A_379 = arith.constant 0 : i32
            %dma_wait3A_380 = arith.constant 0 : i32
            %dma_wait3A_381 = tpu.memref_slice %arg6[%dma_wait3A_379, %dma_wait3A_380] : memref<10000x16xf32, #tpu.memory_space<vmem_shared>> -> memref<10000x16xf32, #tpu.memory_space<vmem_shared>>
            tpu.wait_indirect_dma semaphore(%run_scoped3A_348 : memref<!tpu.dma_semaphore, #tpu.memory_space<semaphore_mem>>) src(%dma_wait3A_371 : memref<128x16xf32, #tpu.memory_space<vmem>>) dst(%dma_wait3A_381 : memref<10000x16xf32, #tpu.memory_space<vmem_shared>>)
            tpu.yield
          }) : () -> ()
          "tpu.trace_stop"() : () -> ()
          %ne3A_275 = arith.cmpi ne, %add3A_185, %add3A_203 : i32
          %or3A_276 = arith.constant false
          %or3A_277 = arith.ori %or3A_276, %ne3A_275 : i1
          %or3A_278 = arith.constant false
          %or3A_279 = arith.ori %or3A_277, %or3A_278 : i1
          %or3A_280 = arith.ori %or3A_279, %eq3A_184 : i1
          %convert_element_type3A_281 = arith.extui %or3A_280 : i1 to i32
          %cond3A_282 = arith.constant 0 : i32
          %cond3A_283 = arith.cmpi ne, %convert_element_type3A_281, %cond3A_282 : i32
          scf.if %cond3A_283 {
          } else {
          }
          %and3A_284 = arith.constant false
          %and3A_285 = arith.andi %or3A_280, %and3A_284 : i1
          %ne3A_286 = arith.cmpi ne, %add3A_185, %add3A_203 : i32
          %or3A_287 = arith.constant false
          %or3A_288 = arith.ori %or3A_287, %ne3A_286 : i1
          %or3A_289 = arith.constant false
          %or3A_290 = arith.ori %or3A_288, %or3A_289 : i1
          %or3A_291 = arith.ori %or3A_290, %eq3A_184 : i1
          %convert_element_type3A_292 = arith.extui %or3A_291 : i1 to i32
          %cond3A_293 = arith.constant 0 : i32
          %cond3A_294 = arith.cmpi ne, %convert_element_type3A_292, %cond3A_293 : i32
          scf.if %cond3A_294 {
          } else {
          }
          %and3A_295 = arith.constant false
          %and3A_296 = arith.andi %or3A_291, %and3A_295 : i1
          %ne3A_297 = arith.cmpi ne, %add3A_185, %add3A_195 : i32
          %or3A_298 = arith.constant false
          %or3A_299 = arith.ori %or3A_298, %ne3A_297 : i1
          %or3A_300 = arith.constant false
          %or3A_301 = arith.ori %or3A_299, %or3A_300 : i1
          %not3A_302 = arith.constant true
          %not3A_303 = arith.xori %eq3A_181, %not3A_302 : i1
          %and3A_304 = arith.andi %or3A_301, %not3A_303 : i1
          %convert_element_type3A_305 = arith.extui %and3A_304 : i1 to i32
          %cond3A_306 = arith.constant 0 : i32
          %cond3A_307 = arith.cmpi ne, %convert_element_type3A_305, %cond3A_306 : i32
          scf.if %cond3A_307 {
          } else {
          }
          %and3A_308 = arith.constant false
          %and3A_309 = arith.andi %and3A_304, %and3A_308 : i1
          %ne3A_310 = arith.cmpi ne, %add3A_185, %add3A_195 : i32
          %or3A_311 = arith.constant false
          %or3A_312 = arith.ori %or3A_311, %ne3A_310 : i1
          %or3A_313 = arith.constant false
          %or3A_314 = arith.ori %or3A_312, %or3A_313 : i1
          %not3A_315 = arith.constant true
          %not3A_316 = arith.xori %eq3A_181, %not3A_315 : i1
          %and3A_317 = arith.andi %or3A_314, %not3A_316 : i1
          %convert_element_type3A_318 = arith.extui %and3A_317 : i1 to i32
          %cond3A_319 = arith.constant 0 : i32
          %cond3A_320 = arith.cmpi ne, %convert_element_type3A_318, %cond3A_319 : i32
          scf.if %cond3A_320 {
          } else {
          }
          %and3A_321 = arith.constant false
          %and3A_322 = arith.andi %and3A_317, %and3A_321 : i1
          %ne3A_323 = arith.cmpi ne, %add3A_185, %add3A_203 : i32
          %or3A_324 = arith.constant false
          %or3A_325 = arith.ori %or3A_324, %ne3A_323 : i1
          %or3A_326 = arith.constant false
          %or3A_327 = arith.ori %or3A_325, %or3A_326 : i1
          %or3A_328 = arith.ori %or3A_327, %eq3A_184 : i1
          %add3A_329 = arith.constant 1 : i32
          %add3A_330 = arith.addi %while3A_174, %add3A_329 : i32
          %select_n3A_331 = arith.select %or3A_328, %add3A_330, %while3A_174 : i32
          %ne3A_332 = arith.cmpi ne, %add3A_185, %add3A_203 : i32
          %or3A_333 = arith.constant false
          %or3A_334 = arith.ori %or3A_333, %ne3A_332 : i1
          %or3A_335 = arith.constant false
          %or3A_336 = arith.ori %or3A_334, %or3A_335 : i1
          %or3A_337 = arith.ori %or3A_336, %eq3A_184 : i1
          %add3A_338 = arith.constant 1 : i32
          %add3A_339 = arith.addi %while3A_176, %add3A_338 : i32
          %select_n3A_340 = arith.select %or3A_337, %add3A_339, %while3A_176 : i32
          %add3A_341 = arith.constant 1 : i32
          %add3A_342 = arith.addi %while3A_177, %add3A_341 : i32
          %select_n3A_343 = arith.constant true
          %select_n3A_344 = arith.select %select_n3A_343, %add3A_342, %while3A_177 : i32
          %eq3A_345 = arith.cmpi eq, %select_n3A_344, %select_n3A : i32
          %select_n3A_346 = arith.constant 0 : i32
          %select_n3A_347 = arith.select %eq3A_345, %select_n3A_346, %select_n3A_344 : i32
          scf.yield %select_n3A_227, %select_n3A_331, %select_n3A_248, %select_n3A_340, %select_n3A_347 : i32, i32, i32, i32, i32
        }
        %while3A_119 = arith.constant 1 : i32
        %while3A_120:5 = scf.for %while3A_172 = %while3A_116 to %while3A_112 step %while3A_119 iter_args(%while3A_173 = %while3A_118#0, %while3A_174 = %while3A_118#1, %while3A_175 = %while3A_118#2, %while3A_176 = %while3A_118#3, %while3A_177 = %while3A_118#4) -> (i32, i32, i32, i32, i32)  : i32 {
          %mul3A_178 = arith.constant 1 : i32
          %mul3A_179 = arith.muli %mul3A_178, %select_n3A : i32
          %eq3A_180 = arith.constant 0 : i32
          %eq3A_181 = arith.cmpi eq, %while3A_172, %eq3A_180 : i32
          %sub3A_182 = arith.constant 1 : i32
          %sub3A_183 = arith.subi %mul3A_179, %sub3A_182 : i32
          %eq3A_184 = arith.cmpi eq, %while3A_172, %sub3A_183 : i32
          %add3A_185 = arith.addi %while3A_177, %select_n3A_16 : i32
          %sub3A_186 = arith.constant 1 : i32
          %sub3A_187 = arith.subi %while3A_177, %sub3A_186 : i32
          %select_n3A_188 = arith.constant true
          %select_n3A_189 = arith.select %select_n3A_188, %sub3A_187, %while3A_177 : i32
          %eq3A_190 = arith.constant -1 : i32
          %eq3A_191 = arith.cmpi eq, %select_n3A_189, %eq3A_190 : i32
          %sub3A_192 = arith.constant 1 : i32
          %sub3A_193 = arith.subi %select_n3A, %sub3A_192 : i32
          %select_n3A_194 = arith.select %eq3A_191, %sub3A_193, %select_n3A_189 : i32
          %add3A_195 = arith.addi %select_n3A_194, %select_n3A_16 : i32
          %add3A_196 = arith.constant 1 : i32
          %add3A_197 = arith.addi %while3A_177, %add3A_196 : i32
          %select_n3A_198 = arith.constant true
          %select_n3A_199 = arith.select %select_n3A_198, %add3A_197, %while3A_177 : i32
          %eq3A_200 = arith.cmpi eq, %select_n3A_199, %select_n3A : i32
          %select_n3A_201 = arith.constant 0 : i32
          %select_n3A_202 = arith.select %eq3A_200, %select_n3A_201, %select_n3A_199 : i32
          %add3A_203 = arith.addi %select_n3A_202, %select_n3A_16 : i32
          %add3A_204 = arith.constant 1 : i32
          %add3A_205 = arith.addi %select_n3A_202, %add3A_204 : i32
          %select_n3A_206 = arith.constant true
          %select_n3A_207 = arith.select %select_n3A_206, %add3A_205, %select_n3A_202 : i32
          %eq3A_208 = arith.cmpi eq, %select_n3A_207, %select_n3A : i32
          %select_n3A_209 = arith.constant 0 : i32
          %select_n3A_210 = arith.select %eq3A_208, %select_n3A_209, %select_n3A_207 : i32
          %add3A_211 = arith.addi %select_n3A_210, %select_n3A_16 : i32
          %ne3A = arith.cmpi ne, %add3A_185, %add3A_203 : i32
          %or3A = arith.constant false
          %or3A_212 = arith.ori %or3A, %ne3A : i1
          %or3A_213 = arith.constant false
          %or3A_214 = arith.ori %or3A_212, %or3A_213 : i1
          %sub3A_215 = arith.constant 2 : i32
          %sub3A_216 = arith.subi %mul3A_179, %sub3A_215 : i32
          %add3A_217 = arith.constant 1 : i32
          %add3A_218 = arith.addi %sub3A_216, %add3A_217 : i32
          %ge3A = arith.cmpi sge, %while3A_172, %add3A_218 : i32
          %not3A = arith.constant true
          %not3A_219 = arith.xori %ge3A, %not3A : i1
          %and3A = arith.andi %or3A_214, %not3A_219 : i1
          %convert_element_type3A_220 = arith.extui %and3A : i1 to i32
          %cond3A_221 = arith.constant 0 : i32
          %cond3A_222 = arith.cmpi ne, %convert_element_type3A_220, %cond3A_221 : i32
          scf.if %cond3A_222 {
            "tpu.trace_start"() <{level = 10 : i32, message = "ep_copy_in"}> : () -> ()
            %rem3A_348 = arith.constant 2 : i32
            %rem3A_349 = arith.remui %while3A_173, %rem3A_348 : i32
            %mul3A_350 = arith.constant 512 : i32
            %mul3A_351 = arith.muli %mul3A_350, %add3A_203 : i32
            %dma_start3A_352 = arith.constant 0 : i32
            %dma_start3A_353 = arith.constant 0 : i32
            %dma_start3A_354 = tpu.memref_slice %run_scoped3A[%rem3A_349, %dma_start3A_352, %dma_start3A_353] : memref<2x512x16xf32, #tpu.memory_space<vmem>> -> memref<1x512x16xf32, #tpu.memory_space<vmem>>
            %dma_start3A_355 = tpu.memref_squeeze %dma_start3A_354 : memref<1x512x16xf32, #tpu.memory_space<vmem>> -> memref<512x16xf32, #tpu.memory_space<vmem>>
            %dma_start3A_356 = arith.constant 0 : i32
            %dma_start3A_357 = tpu.memref_slice %arg2[%mul3A_351, %dma_start3A_356] : memref<320000x16xf32, #tpu.memory_space<hbm>> -> memref<512x16xf32, #tpu.memory_space<hbm>>
            %dma_start3A_358 = tpu.memref_slice %run_scoped3A_23[%rem3A_349] : memref<2x!tpu.dma_semaphore, #tpu.memory_space<semaphore_mem>> -> memref<1x!tpu.dma_semaphore, #tpu.memory_space<semaphore_mem>>
            %dma_start3A_359 = tpu.memref_squeeze %dma_start3A_358 : memref<1x!tpu.dma_semaphore, #tpu.memory_space<semaphore_mem>> -> memref<!tpu.dma_semaphore, #tpu.memory_space<semaphore_mem>>
            %dma_start3A_360 = arith.constant 0 : i32
            %dma_start3A_361 = arith.constant 0 : i32
            %dma_start3A_362 = tpu.memref_slice %run_scoped3A[%rem3A_349, %dma_start3A_360, %dma_start3A_361] : memref<2x512x16xf32, #tpu.memory_space<vmem>> -> memref<1x512x16xf32, #tpu.memory_space<vmem>>
            %dma_start3A_363 = tpu.memref_squeeze %dma_start3A_362 : memref<1x512x16xf32, #tpu.memory_space<vmem>> -> memref<512x16xf32, #tpu.memory_space<vmem>>
            %dma_start3A_364 = arith.constant 0 : i32
            %dma_start3A_365 = tpu.memref_slice %arg2[%mul3A_351, %dma_start3A_364] : memref<320000x16xf32, #tpu.memory_space<hbm>> -> memref<512x16xf32, #tpu.memory_space<hbm>>
            tpu.enqueue_dma source(%dma_start3A_365 : memref<512x16xf32, #tpu.memory_space<hbm>>) target(%dma_start3A_363 : memref<512x16xf32, #tpu.memory_space<vmem>>) target_semaphore(%dma_start3A_359 : memref<!tpu.dma_semaphore, #tpu.memory_space<semaphore_mem>>)
            "tpu.trace_stop"() : () -> ()
          } else {
          }
          %and3A_223 = arith.constant true
          %and3A_224 = arith.andi %and3A, %and3A_223 : i1
          %add3A_225 = arith.constant 1 : i32
          %add3A_226 = arith.addi %while3A_173, %add3A_225 : i32
          %select_n3A_227 = arith.select %and3A_224, %add3A_226, %while3A_173 : i32
          %ne3A_228 = arith.cmpi ne, %add3A_185, %add3A_203 : i32
          %or3A_229 = arith.constant false
          %or3A_230 = arith.ori %or3A_229, %ne3A_228 : i1
          %or3A_231 = arith.constant false
          %or3A_232 = arith.ori %or3A_230, %or3A_231 : i1
          %sub3A_233 = arith.constant 2 : i32
          %sub3A_234 = arith.subi %mul3A_179, %sub3A_233 : i32
          %add3A_235 = arith.constant 1 : i32
          %add3A_236 = arith.addi %sub3A_234, %add3A_235 : i32
          %ge3A_237 = arith.cmpi sge, %while3A_172, %add3A_236 : i32
          %not3A_238 = arith.constant true
          %not3A_239 = arith.xori %ge3A_237, %not3A_238 : i1
          %and3A_240 = arith.andi %or3A_232, %not3A_239 : i1
          %convert_element_type3A_241 = arith.extui %and3A_240 : i1 to i32
          %cond3A_242 = arith.constant 0 : i32
          %cond3A_243 = arith.cmpi ne, %convert_element_type3A_241, %cond3A_242 : i32
          scf.if %cond3A_243 {
            "tpu.trace_start"() <{level = 10 : i32, message = "ep_copy_in"}> : () -> ()
            %rem3A_348 = arith.constant 2 : i32
            %rem3A_349 = arith.remui %while3A_175, %rem3A_348 : i32
            %mul3A_350 = arith.constant 4 : i32
            %mul3A_351 = arith.muli %mul3A_350, %add3A_203 : i32
            %dma_start3A_352 = arith.constant 0 : i32
            %dma_start3A_353 = arith.constant 0 : i32
            %dma_start3A_354 = tpu.memref_slice %run_scoped3A_24[%rem3A_349, %dma_start3A_352, %dma_start3A_353] : memref<2x4x128xi32, #tpu.memory_space<vmem>> -> memref<1x4x128xi32, #tpu.memory_space<vmem>>
            %dma_start3A_355 = tpu.memref_squeeze %dma_start3A_354 : memref<1x4x128xi32, #tpu.memory_space<vmem>> -> memref<4x128xi32, #tpu.memory_space<vmem>>
            %dma_start3A_356 = arith.constant 0 : i32
            %dma_start3A_357 = tpu.memref_slice %arg3[%mul3A_351, %dma_start3A_356] : memref<2500x128xi32, #tpu.memory_space<hbm>> -> memref<4x128xi32, #tpu.memory_space<hbm>>
            %dma_start3A_358 = tpu.memref_slice %run_scoped3A_25[%rem3A_349] : memref<2x!tpu.dma_semaphore, #tpu.memory_space<semaphore_mem>> -> memref<1x!tpu.dma_semaphore, #tpu.memory_space<semaphore_mem>>
            %dma_start3A_359 = tpu.memref_squeeze %dma_start3A_358 : memref<1x!tpu.dma_semaphore, #tpu.memory_space<semaphore_mem>> -> memref<!tpu.dma_semaphore, #tpu.memory_space<semaphore_mem>>
            %dma_start3A_360 = arith.constant 0 : i32
            %dma_start3A_361 = arith.constant 0 : i32
            %dma_start3A_362 = tpu.memref_slice %run_scoped3A_24[%rem3A_349, %dma_start3A_360, %dma_start3A_361] : memref<2x4x128xi32, #tpu.memory_space<vmem>> -> memref<1x4x128xi32, #tpu.memory_space<vmem>>
            %dma_start3A_363 = tpu.memref_squeeze %dma_start3A_362 : memref<1x4x128xi32, #tpu.memory_space<vmem>> -> memref<4x128xi32, #tpu.memory_space<vmem>>
            %dma_start3A_364 = arith.constant 0 : i32
            %dma_start3A_365 = tpu.memref_slice %arg3[%mul3A_351, %dma_start3A_364] : memref<2500x128xi32, #tpu.memory_space<hbm>> -> memref<4x128xi32, #tpu.memory_space<hbm>>
            tpu.enqueue_dma source(%dma_start3A_365 : memref<4x128xi32, #tpu.memory_space<hbm>>) target(%dma_start3A_363 : memref<4x128xi32, #tpu.memory_space<vmem>>) target_semaphore(%dma_start3A_359 : memref<!tpu.dma_semaphore, #tpu.memory_space<semaphore_mem>>)
            "tpu.trace_stop"() : () -> ()
          } else {
          }
          %and3A_244 = arith.constant true
          %and3A_245 = arith.andi %and3A_240, %and3A_244 : i1
          %add3A_246 = arith.constant 1 : i32
          %add3A_247 = arith.addi %while3A_175, %add3A_246 : i32
          %select_n3A_248 = arith.select %and3A_245, %add3A_247, %while3A_175 : i32
          %ne3A_249 = arith.cmpi ne, %add3A_185, %add3A_195 : i32
          %or3A_250 = arith.constant false
          %or3A_251 = arith.ori %or3A_250, %ne3A_249 : i1
          %or3A_252 = arith.constant false
          %or3A_253 = arith.ori %or3A_251, %or3A_252 : i1
          %or3A_254 = arith.ori %or3A_253, %eq3A_181 : i1
          %convert_element_type3A_255 = arith.extui %or3A_254 : i1 to i32
          %cond3A_256 = arith.constant 0 : i32
          %cond3A_257 = arith.cmpi ne, %convert_element_type3A_255, %cond3A_256 : i32
          scf.if %cond3A_257 {
            "tpu.trace_start"() <{level = 10 : i32, message = "ep_wait_in"}> : () -> ()
            %mul3A_348 = arith.constant 512 : i32
            %mul3A_349 = arith.muli %mul3A_348, %add3A_185 : i32
            %rem3A_350 = arith.constant 2 : i32
            %rem3A_351 = arith.remui %while3A_174, %rem3A_350 : i32
            %dma_wait3A = arith.constant 0 : i32
            %dma_wait3A_352 = arith.constant 0 : i32
            %dma_wait3A_353 = tpu.memref_slice %run_scoped3A[%rem3A_351, %dma_wait3A, %dma_wait3A_352] : memref<2x512x16xf32, #tpu.memory_space<vmem>> -> memref<1x512x16xf32, #tpu.memory_space<vmem>>
            %dma_wait3A_354 = tpu.memref_squeeze %dma_wait3A_353 : memref<1x512x16xf32, #tpu.memory_space<vmem>> -> memref<512x16xf32, #tpu.memory_space<vmem>>
            %dma_wait3A_355 = arith.constant 0 : i32
            %dma_wait3A_356 = tpu.memref_slice %arg2[%mul3A_349, %dma_wait3A_355] : memref<320000x16xf32, #tpu.memory_space<hbm>> -> memref<512x16xf32, #tpu.memory_space<hbm>>
            %dma_wait3A_357 = tpu.memref_slice %run_scoped3A_23[%rem3A_351] : memref<2x!tpu.dma_semaphore, #tpu.memory_space<semaphore_mem>> -> memref<1x!tpu.dma_semaphore, #tpu.memory_space<semaphore_mem>>
            %dma_wait3A_358 = tpu.memref_squeeze %dma_wait3A_357 : memref<1x!tpu.dma_semaphore, #tpu.memory_space<semaphore_mem>> -> memref<!tpu.dma_semaphore, #tpu.memory_space<semaphore_mem>>
            %dma_wait3A_359 = arith.constant 0 : i32
            %dma_wait3A_360 = arith.constant 0 : i32
            %dma_wait3A_361 = tpu.memref_slice %run_scoped3A[%rem3A_351, %dma_wait3A_359, %dma_wait3A_360] : memref<2x512x16xf32, #tpu.memory_space<vmem>> -> memref<1x512x16xf32, #tpu.memory_space<vmem>>
            %dma_wait3A_362 = tpu.memref_squeeze %dma_wait3A_361 : memref<1x512x16xf32, #tpu.memory_space<vmem>> -> memref<512x16xf32, #tpu.memory_space<vmem>>
            %dma_wait3A_363 = arith.constant 0 : i32
            %dma_wait3A_364 = tpu.memref_slice %arg2[%mul3A_349, %dma_wait3A_363] : memref<320000x16xf32, #tpu.memory_space<hbm>> -> memref<512x16xf32, #tpu.memory_space<hbm>>
            tpu.wait_dma2 semaphore(%dma_wait3A_358 : memref<!tpu.dma_semaphore, #tpu.memory_space<semaphore_mem>>) src(%dma_wait3A_364 : memref<512x16xf32, #tpu.memory_space<hbm>>) dst(%dma_wait3A_362 : memref<512x16xf32, #tpu.memory_space<vmem>>)
            "tpu.trace_stop"() : () -> ()
          } else {
          }
          %ne3A_258 = arith.cmpi ne, %add3A_185, %add3A_195 : i32
          %or3A_259 = arith.constant false
          %or3A_260 = arith.ori %or3A_259, %ne3A_258 : i1
          %or3A_261 = arith.constant false
          %or3A_262 = arith.ori %or3A_260, %or3A_261 : i1
          %or3A_263 = arith.ori %or3A_262, %eq3A_181 : i1
          %convert_element_type3A_264 = arith.extui %or3A_263 : i1 to i32
          %cond3A_265 = arith.constant 0 : i32
          %cond3A_266 = arith.cmpi ne, %convert_element_type3A_264, %cond3A_265 : i32
          scf.if %cond3A_266 {
            "tpu.trace_start"() <{level = 10 : i32, message = "ep_wait_in"}> : () -> ()
            %mul3A_348 = arith.constant 4 : i32
            %mul3A_349 = arith.muli %mul3A_348, %add3A_185 : i32
            %rem3A_350 = arith.constant 2 : i32
            %rem3A_351 = arith.remui %while3A_176, %rem3A_350 : i32
            %dma_wait3A = arith.constant 0 : i32
            %dma_wait3A_352 = arith.constant 0 : i32
            %dma_wait3A_353 = tpu.memref_slice %run_scoped3A_24[%rem3A_351, %dma_wait3A, %dma_wait3A_352] : memref<2x4x128xi32, #tpu.memory_space<vmem>> -> memref<1x4x128xi32, #tpu.memory_space<vmem>>
            %dma_wait3A_354 = tpu.memref_squeeze %dma_wait3A_353 : memref<1x4x128xi32, #tpu.memory_space<vmem>> -> memref<4x128xi32, #tpu.memory_space<vmem>>
            %dma_wait3A_355 = arith.constant 0 : i32
            %dma_wait3A_356 = tpu.memref_slice %arg3[%mul3A_349, %dma_wait3A_355] : memref<2500x128xi32, #tpu.memory_space<hbm>> -> memref<4x128xi32, #tpu.memory_space<hbm>>
            %dma_wait3A_357 = tpu.memref_slice %run_scoped3A_25[%rem3A_351] : memref<2x!tpu.dma_semaphore, #tpu.memory_space<semaphore_mem>> -> memref<1x!tpu.dma_semaphore, #tpu.memory_space<semaphore_mem>>
            %dma_wait3A_358 = tpu.memref_squeeze %dma_wait3A_357 : memref<1x!tpu.dma_semaphore, #tpu.memory_space<semaphore_mem>> -> memref<!tpu.dma_semaphore, #tpu.memory_space<semaphore_mem>>
            %dma_wait3A_359 = arith.constant 0 : i32
            %dma_wait3A_360 = arith.constant 0 : i32
            %dma_wait3A_361 = tpu.memref_slice %run_scoped3A_24[%rem3A_351, %dma_wait3A_359, %dma_wait3A_360] : memref<2x4x128xi32, #tpu.memory_space<vmem>> -> memref<1x4x128xi32, #tpu.memory_space<vmem>>
            %dma_wait3A_362 = tpu.memref_squeeze %dma_wait3A_361 : memref<1x4x128xi32, #tpu.memory_space<vmem>> -> memref<4x128xi32, #tpu.memory_space<vmem>>
            %dma_wait3A_363 = arith.constant 0 : i32
            %dma_wait3A_364 = tpu.memref_slice %arg3[%mul3A_349, %dma_wait3A_363] : memref<2500x128xi32, #tpu.memory_space<hbm>> -> memref<4x128xi32, #tpu.memory_space<hbm>>
            tpu.wait_dma2 semaphore(%dma_wait3A_358 : memref<!tpu.dma_semaphore, #tpu.memory_space<semaphore_mem>>) src(%dma_wait3A_364 : memref<4x128xi32, #tpu.memory_space<hbm>>) dst(%dma_wait3A_362 : memref<4x128xi32, #tpu.memory_space<vmem>>)
            "tpu.trace_stop"() : () -> ()
          } else {
          }
          %rem3A_267 = arith.constant 2 : i32
          %rem3A_268 = arith.remui %while3A_174, %rem3A_267 : i32
          %rem3A_269 = arith.constant 2 : i32
          %rem3A_270 = arith.remui %while3A_176, %rem3A_269 : i32
          %run_scoped3A_271 = arith.constant 0 : i32
          "tpu.trace_start"() <{level = 10 : i32, message = "ep_run_kernel"}> : () -> ()
          "tpu.region"() ({
            %run_scoped3A_348 = tpu.sem_alloc : memref<!tpu.dma_semaphore, #tpu.memory_space<semaphore_mem>>
            %dma_start3A_349 = arith.constant 0 : i32
            %dma_start3A_350 = arith.constant 0 : i32
            %dma_start3A_351 = tpu.memref_slice %run_scoped3A[%rem3A_268, %dma_start3A_349, %dma_start3A_350] : memref<2x512x16xf32, #tpu.memory_space<vmem>> -> memref<1x512x16xf32, #tpu.memory_space<vmem>>
            %dma_start3A_352 = tpu.memref_squeeze %dma_start3A_351 : memref<1x512x16xf32, #tpu.memory_space<vmem>> -> memref<512x16xf32, #tpu.memory_space<vmem>>
            %dma_start3A_353 = arith.constant 0 : i32
            %dma_start3A_354 = arith.constant 0 : i32
            %dma_start3A_355 = tpu.memref_slice %dma_start3A_352[%dma_start3A_353, %dma_start3A_354] : memref<512x16xf32, #tpu.memory_space<vmem>> -> memref<128x16xf32, #tpu.memory_space<vmem>>
            %dma_start3A_356 = arith.constant 0 : i32
            %dma_start3A_357 = arith.constant 0 : i32
            %dma_start3A_358 = tpu.memref_slice %run_scoped3A_24[%rem3A_270, %dma_start3A_356, %dma_start3A_357] : memref<2x4x128xi32, #tpu.memory_space<vmem>> -> memref<1x4x128xi32, #tpu.memory_space<vmem>>
            %dma_start3A_359 = tpu.memref_squeeze %dma_start3A_358 : memref<1x4x128xi32, #tpu.memory_space<vmem>> -> memref<4x128xi32, #tpu.memory_space<vmem>>
            %dma_start3A_360 = arith.constant 0 : i32
            %dma_start3A_361 = tpu.memref_slice %dma_start3A_359[%run_scoped3A_271, %dma_start3A_360] : memref<4x128xi32, #tpu.memory_space<vmem>> -> memref<1x128xi32, #tpu.memory_space<vmem>>
            %dma_start3A_362 = tpu.memref_squeeze %dma_start3A_361 : memref<1x128xi32, #tpu.memory_space<vmem>> -> memref<128xi32, #tpu.memory_space<vmem>>
            %dma_start3A_363 = arith.constant 0 : i32
            %dma_start3A_364 = arith.constant 0 : i32
            %dma_start3A_365 = tpu.memref_slice %arg6[%dma_start3A_363, %dma_start3A_364] : memref<10000x16xf32, #tpu.memory_space<vmem_shared>> -> memref<10000x16xf32, #tpu.memory_space<vmem_shared>>
            tpu.enqueue_indirect_dma source(%dma_start3A_355 : memref<128x16xf32, #tpu.memory_space<vmem>>) target(%dma_start3A_365 : memref<10000x16xf32, #tpu.memory_space<vmem_shared>>) offsets(%dma_start3A_362 : memref<128xi32, #tpu.memory_space<vmem>>) semaphore(%run_scoped3A_348 : memref<!tpu.dma_semaphore, #tpu.memory_space<semaphore_mem>>) {add = true}
            %dma_wait3A = arith.constant 0 : i32
            %dma_wait3A_366 = arith.constant 0 : i32
            %dma_wait3A_367 = tpu.memref_slice %run_scoped3A[%rem3A_268, %dma_wait3A, %dma_wait3A_366] : memref<2x512x16xf32, #tpu.memory_space<vmem>> -> memref<1x512x16xf32, #tpu.memory_space<vmem>>
            %dma_wait3A_368 = tpu.memref_squeeze %dma_wait3A_367 : memref<1x512x16xf32, #tpu.memory_space<vmem>> -> memref<512x16xf32, #tpu.memory_space<vmem>>
            %dma_wait3A_369 = arith.constant 0 : i32
            %dma_wait3A_370 = arith.constant 0 : i32
            %dma_wait3A_371 = tpu.memref_slice %dma_wait3A_368[%dma_wait3A_369, %dma_wait3A_370] : memref<512x16xf32, #tpu.memory_space<vmem>> -> memref<128x16xf32, #tpu.memory_space<vmem>>
            %dma_wait3A_372 = arith.constant 0 : i32
            %dma_wait3A_373 = arith.constant 0 : i32
            %dma_wait3A_374 = tpu.memref_slice %run_scoped3A_24[%rem3A_270, %dma_wait3A_372, %dma_wait3A_373] : memref<2x4x128xi32, #tpu.memory_space<vmem>> -> memref<1x4x128xi32, #tpu.memory_space<vmem>>
            %dma_wait3A_375 = tpu.memref_squeeze %dma_wait3A_374 : memref<1x4x128xi32, #tpu.memory_space<vmem>> -> memref<4x128xi32, #tpu.memory_space<vmem>>
            %dma_wait3A_376 = arith.constant 0 : i32
            %dma_wait3A_377 = tpu.memref_slice %dma_wait3A_375[%run_scoped3A_271, %dma_wait3A_376] : memref<4x128xi32, #tpu.memory_space<vmem>> -> memref<1x128xi32, #tpu.memory_space<vmem>>
            %dma_wait3A_378 = tpu.memref_squeeze %dma_wait3A_377 : memref<1x128xi32, #tpu.memory_space<vmem>> -> memref<128xi32, #tpu.memory_space<vmem>>
            %dma_wait3A_379 = arith.constant 0 : i32
            %dma_wait3A_380 = arith.constant 0 : i32
            %dma_wait3A_381 = tpu.memref_slice %arg6[%dma_wait3A_379, %dma_wait3A_380] : memref<10000x16xf32, #tpu.memory_space<vmem_shared>> -> memref<10000x16xf32, #tpu.memory_space<vmem_shared>>
            tpu.wait_indirect_dma semaphore(%run_scoped3A_348 : memref<!tpu.dma_semaphore, #tpu.memory_space<semaphore_mem>>) src(%dma_wait3A_371 : memref<128x16xf32, #tpu.memory_space<vmem>>) dst(%dma_wait3A_381 : memref<10000x16xf32, #tpu.memory_space<vmem_shared>>)
            tpu.yield
          }) : () -> ()
          %run_scoped3A_272 = arith.constant 1 : i32
          "tpu.region"() ({
            %run_scoped3A_348 = tpu.sem_alloc : memref<!tpu.dma_semaphore, #tpu.memory_space<semaphore_mem>>
            %dma_start3A_349 = arith.constant 0 : i32
            %dma_start3A_350 = arith.constant 0 : i32
            %dma_start3A_351 = tpu.memref_slice %run_scoped3A[%rem3A_268, %dma_start3A_349, %dma_start3A_350] : memref<2x512x16xf32, #tpu.memory_space<vmem>> -> memref<1x512x16xf32, #tpu.memory_space<vmem>>
            %dma_start3A_352 = tpu.memref_squeeze %dma_start3A_351 : memref<1x512x16xf32, #tpu.memory_space<vmem>> -> memref<512x16xf32, #tpu.memory_space<vmem>>
            %dma_start3A_353 = arith.constant 128 : i32
            %dma_start3A_354 = arith.constant 0 : i32
            %dma_start3A_355 = tpu.memref_slice %dma_start3A_352[%dma_start3A_353, %dma_start3A_354] : memref<512x16xf32, #tpu.memory_space<vmem>> -> memref<128x16xf32, #tpu.memory_space<vmem>>
            %dma_start3A_356 = arith.constant 0 : i32
            %dma_start3A_357 = arith.constant 0 : i32
            %dma_start3A_358 = tpu.memref_slice %run_scoped3A_24[%rem3A_270, %dma_start3A_356, %dma_start3A_357] : memref<2x4x128xi32, #tpu.memory_space<vmem>> -> memref<1x4x128xi32, #tpu.memory_space<vmem>>
            %dma_start3A_359 = tpu.memref_squeeze %dma_start3A_358 : memref<1x4x128xi32, #tpu.memory_space<vmem>> -> memref<4x128xi32, #tpu.memory_space<vmem>>
            %dma_start3A_360 = arith.constant 0 : i32
            %dma_start3A_361 = tpu.memref_slice %dma_start3A_359[%run_scoped3A_272, %dma_start3A_360] : memref<4x128xi32, #tpu.memory_space<vmem>> -> memref<1x128xi32, #tpu.memory_space<vmem>>
            %dma_start3A_362 = tpu.memref_squeeze %dma_start3A_361 : memref<1x128xi32, #tpu.memory_space<vmem>> -> memref<128xi32, #tpu.memory_space<vmem>>
            %dma_start3A_363 = arith.constant 0 : i32
            %dma_start3A_364 = arith.constant 0 : i32
            %dma_start3A_365 = tpu.memref_slice %arg6[%dma_start3A_363, %dma_start3A_364] : memref<10000x16xf32, #tpu.memory_space<vmem_shared>> -> memref<10000x16xf32, #tpu.memory_space<vmem_shared>>
            tpu.enqueue_indirect_dma source(%dma_start3A_355 : memref<128x16xf32, #tpu.memory_space<vmem>>) target(%dma_start3A_365 : memref<10000x16xf32, #tpu.memory_space<vmem_shared>>) offsets(%dma_start3A_362 : memref<128xi32, #tpu.memory_space<vmem>>) semaphore(%run_scoped3A_348 : memref<!tpu.dma_semaphore, #tpu.memory_space<semaphore_mem>>) {add = true}
            %dma_wait3A = arith.constant 0 : i32
            %dma_wait3A_366 = arith.constant 0 : i32
            %dma_wait3A_367 = tpu.memref_slice %run_scoped3A[%rem3A_268, %dma_wait3A, %dma_wait3A_366] : memref<2x512x16xf32, #tpu.memory_space<vmem>> -> memref<1x512x16xf32, #tpu.memory_space<vmem>>
            %dma_wait3A_368 = tpu.memref_squeeze %dma_wait3A_367 : memref<1x512x16xf32, #tpu.memory_space<vmem>> -> memref<512x16xf32, #tpu.memory_space<vmem>>
            %dma_wait3A_369 = arith.constant 128 : i32
            %dma_wait3A_370 = arith.constant 0 : i32
            %dma_wait3A_371 = tpu.memref_slice %dma_wait3A_368[%dma_wait3A_369, %dma_wait3A_370] : memref<512x16xf32, #tpu.memory_space<vmem>> -> memref<128x16xf32, #tpu.memory_space<vmem>>
            %dma_wait3A_372 = arith.constant 0 : i32
            %dma_wait3A_373 = arith.constant 0 : i32
            %dma_wait3A_374 = tpu.memref_slice %run_scoped3A_24[%rem3A_270, %dma_wait3A_372, %dma_wait3A_373] : memref<2x4x128xi32, #tpu.memory_space<vmem>> -> memref<1x4x128xi32, #tpu.memory_space<vmem>>
            %dma_wait3A_375 = tpu.memref_squeeze %dma_wait3A_374 : memref<1x4x128xi32, #tpu.memory_space<vmem>> -> memref<4x128xi32, #tpu.memory_space<vmem>>
            %dma_wait3A_376 = arith.constant 0 : i32
            %dma_wait3A_377 = tpu.memref_slice %dma_wait3A_375[%run_scoped3A_272, %dma_wait3A_376] : memref<4x128xi32, #tpu.memory_space<vmem>> -> memref<1x128xi32, #tpu.memory_space<vmem>>
            %dma_wait3A_378 = tpu.memref_squeeze %dma_wait3A_377 : memref<1x128xi32, #tpu.memory_space<vmem>> -> memref<128xi32, #tpu.memory_space<vmem>>
            %dma_wait3A_379 = arith.constant 0 : i32
            %dma_wait3A_380 = arith.constant 0 : i32
            %dma_wait3A_381 = tpu.memref_slice %arg6[%dma_wait3A_379, %dma_wait3A_380] : memref<10000x16xf32, #tpu.memory_space<vmem_shared>> -> memref<10000x16xf32, #tpu.memory_space<vmem_shared>>
            tpu.wait_indirect_dma semaphore(%run_scoped3A_348 : memref<!tpu.dma_semaphore, #tpu.memory_space<semaphore_mem>>) src(%dma_wait3A_371 : memref<128x16xf32, #tpu.memory_space<vmem>>) dst(%dma_wait3A_381 : memref<10000x16xf32, #tpu.memory_space<vmem_shared>>)
            tpu.yield
          }) : () -> ()
          %run_scoped3A_273 = arith.constant 2 : i32
          "tpu.region"() ({
            %run_scoped3A_348 = tpu.sem_alloc : memref<!tpu.dma_semaphore, #tpu.memory_space<semaphore_mem>>
            %dma_start3A_349 = arith.constant 0 : i32
            %dma_start3A_350 = arith.constant 0 : i32
            %dma_start3A_351 = tpu.memref_slice %run_scoped3A[%rem3A_268, %dma_start3A_349, %dma_start3A_350] : memref<2x512x16xf32, #tpu.memory_space<vmem>> -> memref<1x512x16xf32, #tpu.memory_space<vmem>>
            %dma_start3A_352 = tpu.memref_squeeze %dma_start3A_351 : memref<1x512x16xf32, #tpu.memory_space<vmem>> -> memref<512x16xf32, #tpu.memory_space<vmem>>
            %dma_start3A_353 = arith.constant 256 : i32
            %dma_start3A_354 = arith.constant 0 : i32
            %dma_start3A_355 = tpu.memref_slice %dma_start3A_352[%dma_start3A_353, %dma_start3A_354] : memref<512x16xf32, #tpu.memory_space<vmem>> -> memref<128x16xf32, #tpu.memory_space<vmem>>
            %dma_start3A_356 = arith.constant 0 : i32
            %dma_start3A_357 = arith.constant 0 : i32
            %dma_start3A_358 = tpu.memref_slice %run_scoped3A_24[%rem3A_270, %dma_start3A_356, %dma_start3A_357] : memref<2x4x128xi32, #tpu.memory_space<vmem>> -> memref<1x4x128xi32, #tpu.memory_space<vmem>>
            %dma_start3A_359 = tpu.memref_squeeze %dma_start3A_358 : memref<1x4x128xi32, #tpu.memory_space<vmem>> -> memref<4x128xi32, #tpu.memory_space<vmem>>
            %dma_start3A_360 = arith.constant 0 : i32
            %dma_start3A_361 = tpu.memref_slice %dma_start3A_359[%run_scoped3A_273, %dma_start3A_360] : memref<4x128xi32, #tpu.memory_space<vmem>> -> memref<1x128xi32, #tpu.memory_space<vmem>>
            %dma_start3A_362 = tpu.memref_squeeze %dma_start3A_361 : memref<1x128xi32, #tpu.memory_space<vmem>> -> memref<128xi32, #tpu.memory_space<vmem>>
            %dma_start3A_363 = arith.constant 0 : i32
            %dma_start3A_364 = arith.constant 0 : i32
            %dma_start3A_365 = tpu.memref_slice %arg6[%dma_start3A_363, %dma_start3A_364] : memref<10000x16xf32, #tpu.memory_space<vmem_shared>> -> memref<10000x16xf32, #tpu.memory_space<vmem_shared>>
            tpu.enqueue_indirect_dma source(%dma_start3A_355 : memref<128x16xf32, #tpu.memory_space<vmem>>) target(%dma_start3A_365 : memref<10000x16xf32, #tpu.memory_space<vmem_shared>>) offsets(%dma_start3A_362 : memref<128xi32, #tpu.memory_space<vmem>>) semaphore(%run_scoped3A_348 : memref<!tpu.dma_semaphore, #tpu.memory_space<semaphore_mem>>) {add = true}
            %dma_wait3A = arith.constant 0 : i32
            %dma_wait3A_366 = arith.constant 0 : i32
            %dma_wait3A_367 = tpu.memref_slice %run_scoped3A[%rem3A_268, %dma_wait3A, %dma_wait3A_366] : memref<2x512x16xf32, #tpu.memory_space<vmem>> -> memref<1x512x16xf32, #tpu.memory_space<vmem>>
            %dma_wait3A_368 = tpu.memref_squeeze %dma_wait3A_367 : memref<1x512x16xf32, #tpu.memory_space<vmem>> -> memref<512x16xf32, #tpu.memory_space<vmem>>
            %dma_wait3A_369 = arith.constant 256 : i32
            %dma_wait3A_370 = arith.constant 0 : i32
            %dma_wait3A_371 = tpu.memref_slice %dma_wait3A_368[%dma_wait3A_369, %dma_wait3A_370] : memref<512x16xf32, #tpu.memory_space<vmem>> -> memref<128x16xf32, #tpu.memory_space<vmem>>
            %dma_wait3A_372 = arith.constant 0 : i32
            %dma_wait3A_373 = arith.constant 0 : i32
            %dma_wait3A_374 = tpu.memref_slice %run_scoped3A_24[%rem3A_270, %dma_wait3A_372, %dma_wait3A_373] : memref<2x4x128xi32, #tpu.memory_space<vmem>> -> memref<1x4x128xi32, #tpu.memory_space<vmem>>
            %dma_wait3A_375 = tpu.memref_squeeze %dma_wait3A_374 : memref<1x4x128xi32, #tpu.memory_space<vmem>> -> memref<4x128xi32, #tpu.memory_space<vmem>>
            %dma_wait3A_376 = arith.constant 0 : i32
            %dma_wait3A_377 = tpu.memref_slice %dma_wait3A_375[%run_scoped3A_273, %dma_wait3A_376] : memref<4x128xi32, #tpu.memory_space<vmem>> -> memref<1x128xi32, #tpu.memory_space<vmem>>
            %dma_wait3A_378 = tpu.memref_squeeze %dma_wait3A_377 : memref<1x128xi32, #tpu.memory_space<vmem>> -> memref<128xi32, #tpu.memory_space<vmem>>
            %dma_wait3A_379 = arith.constant 0 : i32
            %dma_wait3A_380 = arith.constant 0 : i32
            %dma_wait3A_381 = tpu.memref_slice %arg6[%dma_wait3A_379, %dma_wait3A_380] : memref<10000x16xf32, #tpu.memory_space<vmem_shared>> -> memref<10000x16xf32, #tpu.memory_space<vmem_shared>>
            tpu.wait_indirect_dma semaphore(%run_scoped3A_348 : memref<!tpu.dma_semaphore, #tpu.memory_space<semaphore_mem>>) src(%dma_wait3A_371 : memref<128x16xf32, #tpu.memory_space<vmem>>) dst(%dma_wait3A_381 : memref<10000x16xf32, #tpu.memory_space<vmem_shared>>)
            tpu.yield
          }) : () -> ()
          %run_scoped3A_274 = arith.constant 3 : i32
          "tpu.region"() ({
            %run_scoped3A_348 = tpu.sem_alloc : memref<!tpu.dma_semaphore, #tpu.memory_space<semaphore_mem>>
            %dma_start3A_349 = arith.constant 0 : i32
            %dma_start3A_350 = arith.constant 0 : i32
            %dma_start3A_351 = tpu.memref_slice %run_scoped3A[%rem3A_268, %dma_start3A_349, %dma_start3A_350] : memref<2x512x16xf32, #tpu.memory_space<vmem>> -> memref<1x512x16xf32, #tpu.memory_space<vmem>>
            %dma_start3A_352 = tpu.memref_squeeze %dma_start3A_351 : memref<1x512x16xf32, #tpu.memory_space<vmem>> -> memref<512x16xf32, #tpu.memory_space<vmem>>
            %dma_start3A_353 = arith.constant 384 : i32
            %dma_start3A_354 = arith.constant 0 : i32
            %dma_start3A_355 = tpu.memref_slice %dma_start3A_352[%dma_start3A_353, %dma_start3A_354] : memref<512x16xf32, #tpu.memory_space<vmem>> -> memref<128x16xf32, #tpu.memory_space<vmem>>
            %dma_start3A_356 = arith.constant 0 : i32
            %dma_start3A_357 = arith.constant 0 : i32
            %dma_start3A_358 = tpu.memref_slice %run_scoped3A_24[%rem3A_270, %dma_start3A_356, %dma_start3A_357] : memref<2x4x128xi32, #tpu.memory_space<vmem>> -> memref<1x4x128xi32, #tpu.memory_space<vmem>>
            %dma_start3A_359 = tpu.memref_squeeze %dma_start3A_358 : memref<1x4x128xi32, #tpu.memory_space<vmem>> -> memref<4x128xi32, #tpu.memory_space<vmem>>
            %dma_start3A_360 = arith.constant 0 : i32
            %dma_start3A_361 = tpu.memref_slice %dma_start3A_359[%run_scoped3A_274, %dma_start3A_360] : memref<4x128xi32, #tpu.memory_space<vmem>> -> memref<1x128xi32, #tpu.memory_space<vmem>>
            %dma_start3A_362 = tpu.memref_squeeze %dma_start3A_361 : memref<1x128xi32, #tpu.memory_space<vmem>> -> memref<128xi32, #tpu.memory_space<vmem>>
            %dma_start3A_363 = arith.constant 0 : i32
            %dma_start3A_364 = arith.constant 0 : i32
            %dma_start3A_365 = tpu.memref_slice %arg6[%dma_start3A_363, %dma_start3A_364] : memref<10000x16xf32, #tpu.memory_space<vmem_shared>> -> memref<10000x16xf32, #tpu.memory_space<vmem_shared>>
            tpu.enqueue_indirect_dma source(%dma_start3A_355 : memref<128x16xf32, #tpu.memory_space<vmem>>) target(%dma_start3A_365 : memref<10000x16xf32, #tpu.memory_space<vmem_shared>>) offsets(%dma_start3A_362 : memref<128xi32, #tpu.memory_space<vmem>>) semaphore(%run_scoped3A_348 : memref<!tpu.dma_semaphore, #tpu.memory_space<semaphore_mem>>) {add = true}
            %dma_wait3A = arith.constant 0 : i32
            %dma_wait3A_366 = arith.constant 0 : i32
            %dma_wait3A_367 = tpu.memref_slice %run_scoped3A[%rem3A_268, %dma_wait3A, %dma_wait3A_366] : memref<2x512x16xf32, #tpu.memory_space<vmem>> -> memref<1x512x16xf32, #tpu.memory_space<vmem>>
            %dma_wait3A_368 = tpu.memref_squeeze %dma_wait3A_367 : memref<1x512x16xf32, #tpu.memory_space<vmem>> -> memref<512x16xf32, #tpu.memory_space<vmem>>
            %dma_wait3A_369 = arith.constant 384 : i32
            %dma_wait3A_370 = arith.constant 0 : i32
            %dma_wait3A_371 = tpu.memref_slice %dma_wait3A_368[%dma_wait3A_369, %dma_wait3A_370] : memref<512x16xf32, #tpu.memory_space<vmem>> -> memref<128x16xf32, #tpu.memory_space<vmem>>
            %dma_wait3A_372 = arith.constant 0 : i32
            %dma_wait3A_373 = arith.constant 0 : i32
            %dma_wait3A_374 = tpu.memref_slice %run_scoped3A_24[%rem3A_270, %dma_wait3A_372, %dma_wait3A_373] : memref<2x4x128xi32, #tpu.memory_space<vmem>> -> memref<1x4x128xi32, #tpu.memory_space<vmem>>
            %dma_wait3A_375 = tpu.memref_squeeze %dma_wait3A_374 : memref<1x4x128xi32, #tpu.memory_space<vmem>> -> memref<4x128xi32, #tpu.memory_space<vmem>>
            %dma_wait3A_376 = arith.constant 0 : i32
            %dma_wait3A_377 = tpu.memref_slice %dma_wait3A_375[%run_scoped3A_274, %dma_wait3A_376] : memref<4x128xi32, #tpu.memory_space<vmem>> -> memref<1x128xi32, #tpu.memory_space<vmem>>
            %dma_wait3A_378 = tpu.memref_squeeze %dma_wait3A_377 : memref<1x128xi32, #tpu.memory_space<vmem>> -> memref<128xi32, #tpu.memory_space<vmem>>
            %dma_wait3A_379 = arith.constant 0 : i32
            %dma_wait3A_380 = arith.constant 0 : i32
            %dma_wait3A_381 = tpu.memref_slice %arg6[%dma_wait3A_379, %dma_wait3A_380] : memref<10000x16xf32, #tpu.memory_space<vmem_shared>> -> memref<10000x16xf32, #tpu.memory_space<vmem_shared>>
            tpu.wait_indirect_dma semaphore(%run_scoped3A_348 : memref<!tpu.dma_semaphore, #tpu.memory_space<semaphore_mem>>) src(%dma_wait3A_371 : memref<128x16xf32, #tpu.memory_space<vmem>>) dst(%dma_wait3A_381 : memref<10000x16xf32, #tpu.memory_space<vmem_shared>>)
            tpu.yield
          }) : () -> ()
          "tpu.trace_stop"() : () -> ()
          %ne3A_275 = arith.cmpi ne, %add3A_185, %add3A_203 : i32
          %or3A_276 = arith.constant false
          %or3A_277 = arith.ori %or3A_276, %ne3A_275 : i1
          %or3A_278 = arith.constant false
          %or3A_279 = arith.ori %or3A_277, %or3A_278 : i1
          %or3A_280 = arith.ori %or3A_279, %eq3A_184 : i1
          %convert_element_type3A_281 = arith.extui %or3A_280 : i1 to i32
          %cond3A_282 = arith.constant 0 : i32
          %cond3A_283 = arith.cmpi ne, %convert_element_type3A_281, %cond3A_282 : i32
          scf.if %cond3A_283 {
          } else {
          }
          %and3A_284 = arith.constant false
          %and3A_285 = arith.andi %or3A_280, %and3A_284 : i1
          %ne3A_286 = arith.cmpi ne, %add3A_185, %add3A_203 : i32
          %or3A_287 = arith.constant false
          %or3A_288 = arith.ori %or3A_287, %ne3A_286 : i1
          %or3A_289 = arith.constant false
          %or3A_290 = arith.ori %or3A_288, %or3A_289 : i1
          %or3A_291 = arith.ori %or3A_290, %eq3A_184 : i1
          %convert_element_type3A_292 = arith.extui %or3A_291 : i1 to i32
          %cond3A_293 = arith.constant 0 : i32
          %cond3A_294 = arith.cmpi ne, %convert_element_type3A_292, %cond3A_293 : i32
          scf.if %cond3A_294 {
          } else {
          }
          %and3A_295 = arith.constant false
          %and3A_296 = arith.andi %or3A_291, %and3A_295 : i1
          %ne3A_297 = arith.cmpi ne, %add3A_185, %add3A_195 : i32
          %or3A_298 = arith.constant false
          %or3A_299 = arith.ori %or3A_298, %ne3A_297 : i1
          %or3A_300 = arith.constant false
          %or3A_301 = arith.ori %or3A_299, %or3A_300 : i1
          %not3A_302 = arith.constant true
          %not3A_303 = arith.xori %eq3A_181, %not3A_302 : i1
          %and3A_304 = arith.andi %or3A_301, %not3A_303 : i1
          %convert_element_type3A_305 = arith.extui %and3A_304 : i1 to i32
          %cond3A_306 = arith.constant 0 : i32
          %cond3A_307 = arith.cmpi ne, %convert_element_type3A_305, %cond3A_306 : i32
          scf.if %cond3A_307 {
          } else {
          }
          %and3A_308 = arith.constant false
          %and3A_309 = arith.andi %and3A_304, %and3A_308 : i1
          %ne3A_310 = arith.cmpi ne, %add3A_185, %add3A_195 : i32
          %or3A_311 = arith.constant false
          %or3A_312 = arith.ori %or3A_311, %ne3A_310 : i1
          %or3A_313 = arith.constant false
          %or3A_314 = arith.ori %or3A_312, %or3A_313 : i1
          %not3A_315 = arith.constant true
          %not3A_316 = arith.xori %eq3A_181, %not3A_315 : i1
          %and3A_317 = arith.andi %or3A_314, %not3A_316 : i1
          %convert_element_type3A_318 = arith.extui %and3A_317 : i1 to i32
          %cond3A_319 = arith.constant 0 : i32
          %cond3A_320 = arith.cmpi ne, %convert_element_type3A_318, %cond3A_319 : i32
          scf.if %cond3A_320 {
          } else {
          }
          %and3A_321 = arith.constant false
          %and3A_322 = arith.andi %and3A_317, %and3A_321 : i1
          %ne3A_323 = arith.cmpi ne, %add3A_185, %add3A_203 : i32
          %or3A_324 = arith.constant false
          %or3A_325 = arith.ori %or3A_324, %ne3A_323 : i1
          %or3A_326 = arith.constant false
          %or3A_327 = arith.ori %or3A_325, %or3A_326 : i1
          %or3A_328 = arith.ori %or3A_327, %eq3A_184 : i1
          %add3A_329 = arith.constant 1 : i32
          %add3A_330 = arith.addi %while3A_174, %add3A_329 : i32
          %select_n3A_331 = arith.select %or3A_328, %add3A_330, %while3A_174 : i32
          %ne3A_332 = arith.cmpi ne, %add3A_185, %add3A_203 : i32
          %or3A_333 = arith.constant false
          %or3A_334 = arith.ori %or3A_333, %ne3A_332 : i1
          %or3A_335 = arith.constant false
          %or3A_336 = arith.ori %or3A_334, %or3A_335 : i1
          %or3A_337 = arith.ori %or3A_336, %eq3A_184 : i1
          %add3A_338 = arith.constant 1 : i32
          %add3A_339 = arith.addi %while3A_176, %add3A_338 : i32
          %select_n3A_340 = arith.select %or3A_337, %add3A_339, %while3A_176 : i32
          %add3A_341 = arith.constant 1 : i32
          %add3A_342 = arith.addi %while3A_177, %add3A_341 : i32
          %select_n3A_343 = arith.constant true
          %select_n3A_344 = arith.select %select_n3A_343, %add3A_342, %while3A_177 : i32
          %eq3A_345 = arith.cmpi eq, %select_n3A_344, %select_n3A : i32
          %select_n3A_346 = arith.constant 0 : i32
          %select_n3A_347 = arith.select %eq3A_345, %select_n3A_346, %select_n3A_344 : i32
          scf.yield %select_n3A_227, %select_n3A_331, %select_n3A_248, %select_n3A_340, %select_n3A_347 : i32, i32, i32, i32, i32
        }
        %sub3A_121 = arith.constant 1 : i32
        %sub3A_122 = arith.subi %while3A_120#4, %sub3A_121 : i32
        %select_n3A_123 = arith.constant true
        %select_n3A_124 = arith.select %select_n3A_123, %sub3A_122, %while3A_120#4 : i32
        %eq3A_125 = arith.constant -1 : i32
        %eq3A_126 = arith.cmpi eq, %select_n3A_124, %eq3A_125 : i32
        %sub3A_127 = arith.constant 1 : i32
        %sub3A_128 = arith.subi %select_n3A, %sub3A_127 : i32
        %select_n3A_129 = arith.select %eq3A_126, %sub3A_128, %select_n3A_124 : i32
        %sub3A_130 = arith.constant 1 : i32
        %sub3A_131 = arith.subi %mul3A_18, %sub3A_130 : i32
        %mul3A_132 = arith.constant 1 : i32
        %mul3A_133 = arith.muli %mul3A_132, %select_n3A : i32
        %eq3A_134 = arith.constant 0 : i32
        %eq3A_135 = arith.cmpi eq, %sub3A_131, %eq3A_134 : i32
        %sub3A_136 = arith.constant 1 : i32
        %sub3A_137 = arith.subi %mul3A_133, %sub3A_136 : i32
        %eq3A_138 = arith.cmpi eq, %sub3A_131, %sub3A_137 : i32
        %add3A_139 = arith.addi %select_n3A_129, %select_n3A_16 : i32
        %sub3A_140 = arith.constant 1 : i32
        %sub3A_141 = arith.subi %select_n3A_129, %sub3A_140 : i32
        %select_n3A_142 = arith.constant true
        %select_n3A_143 = arith.select %select_n3A_142, %sub3A_141, %select_n3A_129 : i32
        %eq3A_144 = arith.constant -1 : i32
        %eq3A_145 = arith.cmpi eq, %select_n3A_143, %eq3A_144 : i32
        %sub3A_146 = arith.constant 1 : i32
        %sub3A_147 = arith.subi %select_n3A, %sub3A_146 : i32
        %select_n3A_148 = arith.select %eq3A_145, %sub3A_147, %select_n3A_143 : i32
        %add3A_149 = arith.addi %select_n3A_148, %select_n3A_16 : i32
        %add3A_150 = arith.constant 1 : i32
        %add3A_151 = arith.addi %select_n3A_129, %add3A_150 : i32
        %select_n3A_152 = arith.constant true
        %select_n3A_153 = arith.select %select_n3A_152, %add3A_151, %select_n3A_129 : i32
        %eq3A_154 = arith.cmpi eq, %select_n3A_153, %select_n3A : i32
        %select_n3A_155 = arith.constant 0 : i32
        %select_n3A_156 = arith.select %eq3A_154, %select_n3A_155, %select_n3A_153 : i32
        %add3A_157 = arith.addi %select_n3A_156, %select_n3A_16 : i32
        %add3A_158 = arith.constant 1 : i32
        %add3A_159 = arith.addi %select_n3A_156, %add3A_158 : i32
        %select_n3A_160 = arith.constant true
        %select_n3A_161 = arith.select %select_n3A_160, %add3A_159, %select_n3A_156 : i32
        %eq3A_162 = arith.cmpi eq, %select_n3A_161, %select_n3A : i32
        %select_n3A_163 = arith.constant 0 : i32
        %select_n3A_164 = arith.select %eq3A_162, %select_n3A_163, %select_n3A_161 : i32
        %add3A_165 = arith.addi %select_n3A_164, %select_n3A_16 : i32
        %convert_element_type3A_166 = arith.extui %eq3A_138 : i1 to i32
        %cond3A_167 = arith.constant 0 : i32
        %cond3A_168 = arith.cmpi ne, %convert_element_type3A_166, %cond3A_167 : i32
        scf.if %cond3A_168 {
        } else {
        }
        %convert_element_type3A_169 = arith.extui %eq3A_138 : i1 to i32
        %cond3A_170 = arith.constant 0 : i32
        %cond3A_171 = arith.cmpi ne, %convert_element_type3A_169, %cond3A_170 : i32
        scf.if %cond3A_171 {
        } else {
        }
      } else {
      }
      tpu.yield
    }) : () -> ()
    %barrier3A_19 = arith.constant 0 : index
    tpu.barrier barrier_id(%barrier3A_19)
    %mul3A_20 = arith.constant 10000 : i32
    %mul3A_21 = arith.muli %arg0, %mul3A_20 : i32
    %add3A_22 = arith.addi %mul3A_21, %mul3A_0 : i32
    "tpu.region"() ({
      %run_scoped3A = tpu.sem_alloc : memref<!tpu.dma_semaphore, #tpu.memory_space<semaphore_mem>>
      %dma_start3A = arith.constant 0 : i32
      %dma_start3A_23 = tpu.memref_slice %arg5[%add3A_22, %dma_start3A] : memref<20000x16xf32, #tpu.memory_space<hbm>> -> memref<625x16xf32, #tpu.memory_space<hbm>>
      %dma_start3A_24 = arith.constant 0 : i32
      %dma_start3A_25 = tpu.memref_slice %arg6[%mul3A_0, %dma_start3A_24] : memref<10000x16xf32, #tpu.memory_space<vmem_shared>> -> memref<625x16xf32, #tpu.memory_space<vmem_shared>>
      tpu.enqueue_dma source(%dma_start3A_25 : memref<625x16xf32, #tpu.memory_space<vmem_shared>>) target(%dma_start3A_23 : memref<625x16xf32, #tpu.memory_space<hbm>>) target_semaphore(%run_scoped3A : memref<!tpu.dma_semaphore, #tpu.memory_space<semaphore_mem>>)
      %dma_wait3A = arith.constant 0 : i32
      %dma_wait3A_26 = tpu.memref_slice %arg5[%add3A_22, %dma_wait3A] : memref<20000x16xf32, #tpu.memory_space<hbm>> -> memref<625x16xf32, #tpu.memory_space<hbm>>
      %dma_wait3A_27 = arith.constant 0 : i32
      %dma_wait3A_28 = tpu.memref_slice %arg6[%mul3A_0, %dma_wait3A_27] : memref<10000x16xf32, #tpu.memory_space<vmem_shared>> -> memref<625x16xf32, #tpu.memory_space<vmem_shared>>
      tpu.wait_dma2 semaphore(%run_scoped3A : memref<!tpu.dma_semaphore, #tpu.memory_space<semaphore_mem>>) src(%dma_wait3A_28 : memref<625x16xf32, #tpu.memory_space<vmem_shared>>) dst(%dma_wait3A_26 : memref<625x16xf32, #tpu.memory_space<hbm>>)
      tpu.yield
    }) : () -> ()
    return
  }
}

module attributes {stable_mosaic.version = 14 : i64} {
  func.func @k(%arg0: memref<10000x128xf32, #tpu.memory_space<vmem>>, %arg1: memref<128x16xf32, #tpu.memory_space<vmem>>, %arg2: memref<272x64xf32, #tpu.memory_space<vmem>>, %arg3: memref<10000x64xf32, #tpu.memory_space<vmem>>, %arg4: memref<10000x64xf32, #tpu.memory_space<vmem>>) attributes {dimension_semantics = [], scalar_prefetch = 0 : i64, scratch_operands = 0 : i64, tpu.core_type = #tpu.core_type<tc>} {
    %get3A = arith.constant 0 : index
    %get3A_0 = arith.constant 0 : index
    %get3A_1 = vector.load %arg2[%get3A, %get3A_0] : memref<272x64xf32, #tpu.memory_space<vmem>>, vector<128x64xf32>
    %get3A_2 = arith.constant 128 : index
    %get3A_3 = arith.constant 0 : index
    %get3A_4 = vector.load %arg2[%get3A_2, %get3A_3] : memref<272x64xf32, #tpu.memory_space<vmem>>, vector<128x64xf32>
    %get3A_5 = arith.constant 256 : index
    %get3A_6 = arith.constant 0 : index
    %get3A_7 = vector.load %arg2[%get3A_5, %get3A_6] : memref<272x64xf32, #tpu.memory_space<vmem>>, vector<16x64xf32>
    %get3A_8 = arith.constant 0 : index
    %get3A_9 = arith.constant 0 : index
    %get3A_10 = vector.load %arg1[%get3A_8, %get3A_9] : memref<128x16xf32, #tpu.memory_space<vmem>>, vector<128x16xf32>
    %dot_general3A = arith.constant dense<0.000000e+00> : vector<128x64xf32>
    %dot_general3A_11 = tpu.matmul %get3A_10, %get3A_7, %dot_general3A {dimension_numbers = #tpu.dot_dimension_numbers<[1], [0], [0], [1], [0, 0, 1, 1], [], []>, transpose_lhs_hint = false} : vector<128x16xf32>, vector<16x64xf32>, vector<128x64xf32> -> vector<128x64xf32>
    %add3A = arith.addf %get3A_1, %dot_general3A_11 : vector<128x64xf32>
    %get3A_12 = arith.constant 0 : index
    %get3A_13 = arith.constant 0 : index
    %get3A_14 = vector.load %arg0[%get3A_12, %get3A_13] : memref<10000x128xf32, #tpu.memory_space<vmem>>, vector<10000x128xf32>
    %dot_general3A_15 = arith.constant dense<0.000000e+00> : vector<10000x64xf32>
    %dot_general3A_16 = tpu.matmul %get3A_14, %add3A, %dot_general3A_15 {dimension_numbers = #tpu.dot_dimension_numbers<[1], [0], [0], [1], [0, 0, 1, 1], [], []>, transpose_lhs_hint = false} : vector<10000x128xf32>, vector<128x64xf32>, vector<10000x64xf32> -> vector<10000x64xf32>
    %swap3A = arith.constant 0 : index
    %swap3A_17 = arith.constant 0 : index
    %swap3A_18 = vector.load %arg3[%swap3A, %swap3A_17] : memref<10000x64xf32, #tpu.memory_space<vmem>>, vector<10000x64xf32>
    tpu.vector_store %arg3[%swap3A, %swap3A_17], %dot_general3A_16 {strides = array<i32>} : memref<10000x64xf32, #tpu.memory_space<vmem>>, vector<10000x64xf32>,
    %get3A_19 = arith.constant 0 : index
    %get3A_20 = arith.constant 0 : index
    %get3A_21 = vector.load %arg0[%get3A_19, %get3A_20] : memref<10000x128xf32, #tpu.memory_space<vmem>>, vector<10000x128xf32>
    %dot_general3A_22 = arith.constant dense<0.000000e+00> : vector<10000x64xf32>
    %dot_general3A_23 = tpu.matmul %get3A_21, %get3A_4, %dot_general3A_22 {dimension_numbers = #tpu.dot_dimension_numbers<[1], [0], [0], [1], [0, 0, 1, 1], [], []>, transpose_lhs_hint = false} : vector<10000x128xf32>, vector<128x64xf32>, vector<10000x64xf32> -> vector<10000x64xf32>
    %swap3A_24 = arith.constant 0 : index
    %swap3A_25 = arith.constant 0 : index
    %swap3A_26 = vector.load %arg4[%swap3A_24, %swap3A_25] : memref<10000x64xf32, #tpu.memory_space<vmem>>, vector<10000x64xf32>
    tpu.vector_store %arg4[%swap3A_24, %swap3A_25], %dot_general3A_23 {strides = array<i32>} : memref<10000x64xf32, #tpu.memory_space<vmem>>, vector<10000x64xf32>,
    return
  }
}

module attributes {stable_mosaic.version = 14 : i64} {
  func.func @k(%arg0: i32, %arg1: memref<8000x64xf32, #tpu.memory_space<vmem>>, %arg2: memref<8000x64xf32, #tpu.memory_space<vmem>>, %arg3: memref<8000x16xf32, #tpu.memory_space<vmem>>, %arg4: memref<16x64xf32, #tpu.memory_space<vmem>>, %arg5: memref<1x64xf32, #tpu.memory_space<vmem>>, %arg6: memref<64x16xf32, #tpu.memory_space<vmem>>, %arg7: memref<1x16xf32, #tpu.memory_space<vmem>>, %arg8: memref<8000x16xf32, #tpu.memory_space<vmem>>) attributes {dimension_semantics = [#tpu.dimension_semantics<arbitrary>], iteration_bounds = array<i64: 40>, scalar_prefetch = 0 : i64, scratch_operands = 0 : i64, tpu.core_type = #tpu.core_type<tc>, window_params = [{transform_indices = @transform_0, window_bounds = array<i64: 8000, 64>}, {transform_indices = @transform_1, window_bounds = array<i64: 8000, 64>}, {transform_indices = @transform_2, window_bounds = array<i64: 8000, 16>}, {pipeline_mode = #tpu.pipeline_mode<synchronous>, transform_indices = @transform_3, window_bounds = array<i64: 16, 64>}, {pipeline_mode = #tpu.pipeline_mode<synchronous>, transform_indices = @transform_4, window_bounds = array<i64: 1, 64>}, {pipeline_mode = #tpu.pipeline_mode<synchronous>, transform_indices = @transform_5, window_bounds = array<i64: 64, 16>}, {pipeline_mode = #tpu.pipeline_mode<synchronous>, transform_indices = @transform_6, window_bounds = array<i64: 1, 16>}, {transform_indices = @transform_7, window_bounds = array<i64: 8000, 16>}]} {
    %get3A = arith.constant 0 : index
    %get3A_0 = arith.constant 0 : index
    %get3A_1 = vector.load %arg1[%get3A, %get3A_0] : memref<8000x64xf32, #tpu.memory_space<vmem>>, vector<8000x64xf32>
    %get3A_2 = arith.constant 0 : index
    %get3A_3 = arith.constant 0 : index
    %get3A_4 = vector.load %arg2[%get3A_2, %get3A_3] : memref<8000x64xf32, #tpu.memory_space<vmem>>, vector<8000x64xf32>
    %add3A = arith.addf %get3A_1, %get3A_4 : vector<8000x64xf32>
    %get3A_5 = arith.constant 0 : index
    %get3A_6 = arith.constant 0 : index
    %get3A_7 = vector.load %arg3[%get3A_5, %get3A_6] : memref<8000x16xf32, #tpu.memory_space<vmem>>, vector<8000x16xf32>
    %get3A_8 = arith.constant 0 : index
    %get3A_9 = arith.constant 0 : index
    %get3A_10 = vector.load %arg4[%get3A_8, %get3A_9] : memref<16x64xf32, #tpu.memory_space<vmem>>, vector<16x64xf32>
    %dot_general3A = arith.constant dense<0.000000e+00> : vector<8000x64xf32>
    %dot_general3A_11 = tpu.matmul %get3A_7, %get3A_10, %dot_general3A {dimension_numbers = #tpu.dot_dimension_numbers<[1], [0], [0], [1], [0, 0, 1, 1], [], []>, transpose_lhs_hint = false} : vector<8000x16xf32>, vector<16x64xf32>, vector<8000x64xf32> -> vector<8000x64xf32>
    %add3A_12 = arith.addf %add3A, %dot_general3A_11 : vector<8000x64xf32>
    %get3A_13 = arith.constant 0 : index
    %get3A_14 = arith.constant 0 : index
    %get3A_15 = vector.load %arg5[%get3A_13, %get3A_14] : memref<1x64xf32, #tpu.memory_space<vmem>>, vector<1x64xf32>
    %add3A_16 = vector.broadcast %get3A_15 : vector<1x64xf32> to vector<8000x64xf32>
    %add3A_17 = arith.addf %add3A_12, %add3A_16 : vector<8000x64xf32>
    %max3A = arith.constant 0.000000e+00 : f32
    %max3A_18 = vector.broadcast %max3A : f32 to vector<8000x64xf32>
    %max3A_19 = arith.maximumf %add3A_17, %max3A_18 : vector<8000x64xf32>
    %get3A_20 = arith.constant 0 : index
    %get3A_21 = arith.constant 0 : index
    %get3A_22 = vector.load %arg3[%get3A_20, %get3A_21] : memref<8000x16xf32, #tpu.memory_space<vmem>>, vector<8000x16xf32>
    %get3A_23 = arith.constant 0 : index
    %get3A_24 = arith.constant 0 : index
    %get3A_25 = vector.load %arg6[%get3A_23, %get3A_24] : memref<64x16xf32, #tpu.memory_space<vmem>>, vector<64x16xf32>
    %dot_general3A_26 = arith.constant dense<0.000000e+00> : vector<8000x16xf32>
    %dot_general3A_27 = tpu.matmul %max3A_19, %get3A_25, %dot_general3A_26 {dimension_numbers = #tpu.dot_dimension_numbers<[1], [0], [0], [1], [0, 0, 1, 1], [], []>, transpose_lhs_hint = false} : vector<8000x64xf32>, vector<64x16xf32>, vector<8000x16xf32> -> vector<8000x16xf32>
    %add3A_28 = arith.addf %get3A_22, %dot_general3A_27 : vector<8000x16xf32>
    %get3A_29 = arith.constant 0 : index
    %get3A_30 = arith.constant 0 : index
    %get3A_31 = vector.load %arg7[%get3A_29, %get3A_30] : memref<1x16xf32, #tpu.memory_space<vmem>>, vector<1x16xf32>
    %add3A_32 = vector.broadcast %get3A_31 : vector<1x16xf32> to vector<8000x16xf32>
    %add3A_33 = arith.addf %add3A_28, %add3A_32 : vector<8000x16xf32>
    %swap3A = arith.constant 0 : index
    %swap3A_34 = arith.constant 0 : index
    %swap3A_35 = vector.load %arg8[%swap3A, %swap3A_34] : memref<8000x16xf32, #tpu.memory_space<vmem>>, vector<8000x16xf32>
    tpu.vector_store %arg8[%swap3A, %swap3A_34], %add3A_33 {strides = array<i32>} : memref<8000x16xf32, #tpu.memory_space<vmem>>, vector<8000x16xf32>,
    return
  }
  func.func @transform_0(%arg0: i32) -> (i32, i32) {
    %c0_i32 = arith.constant 0 : i32
    %c0_i32_0 = arith.constant 0 : i32
    return %arg0, %c0_i32 : i32, i32
  }
  func.func @transform_1(%arg0: i32) -> (i32, i32) {
    %c0_i32 = arith.constant 0 : i32
    %c0_i32_0 = arith.constant 0 : i32
    return %arg0, %c0_i32 : i32, i32
  }
  func.func @transform_2(%arg0: i32) -> (i32, i32) {
    %c0_i32 = arith.constant 0 : i32
    %c0_i32_0 = arith.constant 0 : i32
    return %arg0, %c0_i32 : i32, i32
  }
  func.func @transform_3(%arg0: i32) -> (i32, i32) {
    %c0_i32 = arith.constant 0 : i32
    %c0_i32_0 = arith.constant 0 : i32
    %c0_i32_1 = arith.constant 0 : i32
    return %c0_i32, %c0_i32_0 : i32, i32
  }
  func.func @transform_4(%arg0: i32) -> (i32, i32) {
    %c0_i32 = arith.constant 0 : i32
    %c0_i32_0 = arith.constant 0 : i32
    %c0_i32_1 = arith.constant 0 : i32
    return %c0_i32, %c0_i32_0 : i32, i32
  }
  func.func @transform_5(%arg0: i32) -> (i32, i32) {
    %c0_i32 = arith.constant 0 : i32
    %c0_i32_0 = arith.constant 0 : i32
    %c0_i32_1 = arith.constant 0 : i32
    return %c0_i32, %c0_i32_0 : i32, i32
  }
  func.func @transform_6(%arg0: i32) -> (i32, i32) {
    %c0_i32 = arith.constant 0 : i32
    %c0_i32_0 = arith.constant 0 : i32
    %c0_i32_1 = arith.constant 0 : i32
    return %c0_i32, %c0_i32_0 : i32, i32
  }
  func.func @transform_7(%arg0: i32) -> (i32, i32) {
    %c0_i32 = arith.constant 0 : i32
    %c0_i32_0 = arith.constant 0 : i32
    return %arg0, %c0_i32 : i32, i32
  }
}

module attributes {stable_mosaic.version = 14 : i64} {
  func.func @k(%arg0: memref<10000x128xf32, #tpu.memory_space<vmem>>, %arg1: memref<20000x16xf32, #tpu.memory_space<vmem>>, %arg2: memref<20000x16xf32, #tpu.memory_space<vmem>>, %arg3: memref<128x64xf32, #tpu.memory_space<vmem>>, %arg4: memref<16x64xf32, #tpu.memory_space<vmem>>, %arg5: memref<1x64xf32, #tpu.memory_space<vmem>>, %arg6: memref<64x128xf32, #tpu.memory_space<vmem>>, %arg7: memref<1x128xf32, #tpu.memory_space<vmem>>, %arg8: memref<10000x128xf32, #tpu.memory_space<vmem>>) attributes {dimension_semantics = [], scalar_prefetch = 0 : i64, scratch_operands = 0 : i64, tpu.core_type = #tpu.core_type<tc>} {
    %get3A = arith.constant 0 : index
    %get3A_0 = arith.constant 0 : index
    %get3A_1 = vector.load %arg1[%get3A, %get3A_0] : memref<20000x16xf32, #tpu.memory_space<vmem>>, vector<10000x16xf32>
    %get3A_2 = arith.constant 10000 : index
    %get3A_3 = arith.constant 0 : index
    %get3A_4 = vector.load %arg1[%get3A_2, %get3A_3] : memref<20000x16xf32, #tpu.memory_space<vmem>>, vector<10000x16xf32>
    %add3A = arith.addf %get3A_1, %get3A_4 : vector<10000x16xf32>
    %get3A_5 = arith.constant 0 : index
    %get3A_6 = arith.constant 0 : index
    %get3A_7 = vector.load %arg2[%get3A_5, %get3A_6] : memref<20000x16xf32, #tpu.memory_space<vmem>>, vector<10000x1xf32>
    %get3A_8 = arith.constant 10000 : index
    %get3A_9 = arith.constant 0 : index
    %get3A_10 = vector.load %arg2[%get3A_8, %get3A_9] : memref<20000x16xf32, #tpu.memory_space<vmem>>, vector<10000x1xf32>
    %add3A_11 = arith.addf %get3A_7, %get3A_10 : vector<10000x1xf32>
    %max3A = arith.constant 1.000000e+00 : f32
    %max3A_12 = vector.broadcast %max3A : f32 to vector<10000x1xf32>
    %max3A_13 = arith.maximumf %add3A_11, %max3A_12 : vector<10000x1xf32>
    %div3A = vector.broadcast %max3A_13 : vector<10000x1xf32> to vector<10000x16xf32>
    %div3A_14 = arith.divf %add3A, %div3A : vector<10000x16xf32>
    %get3A_15 = arith.constant 0 : index
    %get3A_16 = arith.constant 0 : index
    %get3A_17 = vector.load %arg0[%get3A_15, %get3A_16] : memref<10000x128xf32, #tpu.memory_space<vmem>>, vector<10000x128xf32>
    %get3A_18 = arith.constant 0 : index
    %get3A_19 = arith.constant 0 : index
    %get3A_20 = vector.load %arg3[%get3A_18, %get3A_19] : memref<128x64xf32, #tpu.memory_space<vmem>>, vector<128x64xf32>
    %dot_general3A = arith.constant dense<0.000000e+00> : vector<10000x64xf32>
    %dot_general3A_21 = tpu.matmul %get3A_17, %get3A_20, %dot_general3A {dimension_numbers = #tpu.dot_dimension_numbers<[1], [0], [0], [1], [0, 0, 1, 1], [], []>, transpose_lhs_hint = false} : vector<10000x128xf32>, vector<128x64xf32>, vector<10000x64xf32> -> vector<10000x64xf32>
    %get3A_22 = arith.constant 0 : index
    %get3A_23 = arith.constant 0 : index
    %get3A_24 = vector.load %arg4[%get3A_22, %get3A_23] : memref<16x64xf32, #tpu.memory_space<vmem>>, vector<16x64xf32>
    %dot_general3A_25 = arith.constant dense<0.000000e+00> : vector<10000x64xf32>
    %dot_general3A_26 = tpu.matmul %div3A_14, %get3A_24, %dot_general3A_25 {dimension_numbers = #tpu.dot_dimension_numbers<[1], [0], [0], [1], [0, 0, 1, 1], [], []>, transpose_lhs_hint = false} : vector<10000x16xf32>, vector<16x64xf32>, vector<10000x64xf32> -> vector<10000x64xf32>
    %add3A_27 = arith.addf %dot_general3A_21, %dot_general3A_26 : vector<10000x64xf32>
    %get3A_28 = arith.constant 0 : index
    %get3A_29 = arith.constant 0 : index
    %get3A_30 = vector.load %arg5[%get3A_28, %get3A_29] : memref<1x64xf32, #tpu.memory_space<vmem>>, vector<1x64xf32>
    %add3A_31 = vector.broadcast %get3A_30 : vector<1x64xf32> to vector<10000x64xf32>
    %add3A_32 = arith.addf %add3A_27, %add3A_31 : vector<10000x64xf32>
    %max3A_33 = arith.constant 0.000000e+00 : f32
    %max3A_34 = vector.broadcast %max3A_33 : f32 to vector<10000x64xf32>
    %max3A_35 = arith.maximumf %add3A_32, %max3A_34 : vector<10000x64xf32>
    %get3A_36 = arith.constant 0 : index
    %get3A_37 = arith.constant 0 : index
    %get3A_38 = vector.load %arg0[%get3A_36, %get3A_37] : memref<10000x128xf32, #tpu.memory_space<vmem>>, vector<10000x128xf32>
    %get3A_39 = arith.constant 0 : index
    %get3A_40 = arith.constant 0 : index
    %get3A_41 = vector.load %arg6[%get3A_39, %get3A_40] : memref<64x128xf32, #tpu.memory_space<vmem>>, vector<64x128xf32>
    %dot_general3A_42 = arith.constant dense<0.000000e+00> : vector<10000x128xf32>
    %dot_general3A_43 = tpu.matmul %max3A_35, %get3A_41, %dot_general3A_42 {dimension_numbers = #tpu.dot_dimension_numbers<[1], [0], [0], [1], [0, 0, 1, 1], [], []>, transpose_lhs_hint = false} : vector<10000x64xf32>, vector<64x128xf32>, vector<10000x128xf32> -> vector<10000x128xf32>
    %add3A_44 = arith.addf %get3A_38, %dot_general3A_43 : vector<10000x128xf32>
    %get3A_45 = arith.constant 0 : index
    %get3A_46 = arith.constant 0 : index
    %get3A_47 = vector.load %arg7[%get3A_45, %get3A_46] : memref<1x128xf32, #tpu.memory_space<vmem>>, vector<1x128xf32>
    %add3A_48 = vector.broadcast %get3A_47 : vector<1x128xf32> to vector<10000x128xf32>
    %add3A_49 = arith.addf %add3A_44, %add3A_48 : vector<10000x128xf32>
    %swap3A = arith.constant 0 : index
    %swap3A_50 = arith.constant 0 : index
    %swap3A_51 = vector.load %arg8[%swap3A, %swap3A_50] : memref<10000x128xf32, #tpu.memory_space<vmem>>, vector<10000x128xf32>
    tpu.vector_store %arg8[%swap3A, %swap3A_50], %add3A_49 {strides = array<i32>} : memref<10000x128xf32, #tpu.memory_space<vmem>>, vector<10000x128xf32>,
    return
  }
}

</mosaic_0001>

<sc_bundles>
// kernel: kernel.10.cloned.1.call-start
scs
__scs_entry_jumppad:
0x0: {  	(pc) =	sbr.rel $0x88, $3  }
0x1: {  	(tag) =	ssettag $0x0;
	lr =	simm.s32 $0x1  }
0x2: {  	[smem:$0x3F95] =	sst lr;
	_ =	strace $0xD0000000  }
0x3: {  	_ = 	snop  }
0x4: {  	_ = 	snop  }
0x5: {  	_ = 	snop  }
0x6: {  	_ = 	snop  }
0x7: {  	_ = 	snop  }
__scs_overlays_trampoline_lowered:
0x8: {  	[smem:$0x3FA4] =	sst s0  }
0x9: {  	[smem:$0x3FA5] =	sst s1  }
0xa: {  	[smem:$0x3FA6] =	sst s2  }
0xb: {  	[smem:$0x3FA7] =	sst s3  }
0xc: {  	[smem:$0x3FA8] =	sst s4  }
0xd: {  	[smem:$0x3FA9] =	sst s5  }
0xe: {  	[smem:$0x3FAA] =	sst s6  }
0xf: {  	[smem:$0x3FAB] =	sst s7  }
0x10: {  	[smem:$0x3FAC] =	sst s8  }
0x11: {  	[smem:$0x3FAD] =	sst s9;
	s0 =	simm.s32 @!p0 $0x0  }
0x12: {  	s1 =	sld [smem:$0x3F93];
	s0 =	simm.s32 @p0 $0x1  }
0x13: {  	[smem:$0x3FAE] =	sst s0;
	s0 =	simm.s32 @!p1 $0x0  }
0x14: {  	s2 =	sld [smem:$0x3F92];
	s0 =	simm.s32 @p1 $0x1  }
0x15: {  	[smem:$0x3FAF] =	sst s0;
	s0 =	simm.s32 @!p2 $0x0  }
0x16: {  	s3 =	sld [smem:$0x3FDB];
	s0 =	simm.s32 @p2 $0x1  }
0x17: {  	s4 =	simm.s32 $0x1BF5;
	[smem:$0x3FB1] =	sst s0  }
0x18: {  	s0 =	sld [smem:$0x3F94];
	_ =	swait.ge [sflag:s4], $0x0  }
0x19: {  	s7 =	sld [smem:$0x3F95]  }
0x1a: {  	s8 =	sadd.s32 $0xFFFFE003, lr  }
0x1b: {  	s9 =	sadd.s32 $0xFFFFFEF7, lr;
	s5 =	simm.s32 $0xFFFFFFFF;
	p2 =	slt.u32 s8, $0xFFFFF086  }
0x1c: {  	p1 =	slt.u32 s9, $0xF7A;
	s5 =	simm.s32 @!p2 $0x0  }
0x1d: {  	s5 =	simm.s32 @p1 $0x1;
	p0 =	seq.s32 s7, s2  }
0x1e: {  	s7 =	smul.u32 @!p0 $0xF7A, s2;
	p2 =	seq.s32 @!p0 s5, $0x0  }
0x1f: {  	s9 =	smul.u32 $0xF7A, s1;
	s8 =	simm.s32 @!p0 $0x1BF5;
	p2 =	por !p2, p0  }
0x20: {  	[sflag:s8] =	ssyncset.s32 @!p0 $0xFFFFF086;
	s6 =	sadd.s32 @!p0 s3, s7;
	s7 =	simm.s32 @!p0 $0x108  }
0x21: {  	s3 =	sadd.s32 s3, s9;
	s6 =	sadd.s32 @!p0 $0x88, s6;
	s7 =	simm.s32 @p2 $0x1082  }
0x22: {  	[simem:s7], [sflag:s8] =	dma.local @!p0 [hbm:s6], $0xF7A  }
0x23: {  	s9 =	sor.u32 $0xD0000000, s2;
	s6 =	simm.s32 $0x108;
	_ =	swait.ge @!p0 [sflag:s8], $0x0  }
0x24: {  	s3 =	sadd.s32 $0x88, s3;
	s6 =	simm.s32 @!p1 $0x1082;
	[sflag:s4] =	ssyncset.s32 $0xFFFFF086  }
0x25: {  	[simem:s6], [sflag:s4] =	dma.local [hbm:s3], $0xF7A  }
0x26: {  	[smem:$0x3F95] =	sst s1;
	(tag) =	ssettag s2;
	_ =	strace s9  }
0x27: {  	s1 =	sld [smem:$0x3FA5]  }
0x28: {  	s2 =	sld [smem:$0x3FA6]  }
0x29: {  	s4 =	sld [smem:$0x3FA8]  }
0x2a: {  	p0 =	seq.s32 s5, $0x0;
	s5 =	sld [smem:$0x3FA9]  }
0x2b: {  	s6 =	sld [smem:$0x3FAA]  }
0x2c: {  	s7 =	sld [smem:$0x3FAB]  }
0x2d: {  	s3 =	simm.s32 $0x108;
	s8 =	sld [smem:$0x3FAC]  }
0x2e: {  	s3 =	simm.s32 @!p0 $0x1082;
	s9 =	sld [smem:$0x3FAD]  }
0x2f: {  	lr =	sadd.s32 s0, s3;
	s0 =	sld [smem:$0x3FA4]  }
0x30: {  	s3 =	sld [smem:$0x3FA7]  }
0x31: {  	[smem:$0x3FB0] =	sst s10  }
0x32: {  	s10 =	sld [smem:$0x3FAE];
	_ =	sdelay $0x3  }
0x33: {  	p0 =	seq.s32 s10, $0x1;
	s10 =	sld [smem:$0x3FB0];
	_ =	sdelay $0x3  }
0x34: {  	[smem:$0x3FB0] =	sst s10  }
0x35: {  	s10 =	sld [smem:$0x3FAF];
	_ =	sdelay $0x3  }
0x36: {  	p1 =	seq.s32 s10, $0x1;
	s10 =	sld [smem:$0x3FB0];
	_ =	sdelay $0x3  }
0x37: {  	[smem:$0x3FB0] =	sst s10  }
0x38: {  	s10 =	sld [smem:$0x3FB1]  }
0x39: {  	_ = 	snop;
	(pc) =	sbr.ind lr, $3  }
0x3a: {  	_ = 	snop  }
0x3b: {  	_ = 	snop  }
0x3c: {  	p2 =	seq.s32 s10, $0x1;
	s10 =	sld [smem:$0x3FB0]  }
0x3d: {  	_ =	shalt  }
0x3e: {  	_ =	shalt  }
0x3f: {  	_ =	shalt  }
0x40: {  	_ =	shalt  }
0x41: {  	_ =	shalt  }
0x42: {  	_ =	shalt  }
0x43: {  	_ =	shalt  }
0x44: {  	_ =	shalt  }
0x45: {  	_ =	shalt  }
0x46: {  	_ =	shalt  }
0x47: {  	_ =	shalt  }
0x48: {  	_ =	shalt  }
0x49: {  	_ =	shalt  }
0x4a: {  	_ =	shalt  }
0x4b: {  	_ =	shalt  }
0x4c: {  	_ =	shalt  }
0x4d: {  	_ =	shalt  }
0x4e: {  	_ =	shalt  }
0x4f: {  	_ =	shalt  }
0x50: {  	_ =	shalt  }
0x51: {  	_ =	shalt  }
0x52: {  	_ =	shalt  }
0x53: {  	_ =	shalt  }
0x54: {  	_ =	shalt  }
0x55: {  	_ =	shalt  }
0x56: {  	_ =	shalt  }
0x57: {  	_ =	shalt  }
0x58: {  	_ =	shalt  }
0x59: {  	_ =	shalt  }
0x5a: {  	_ =	shalt  }
0x5b: {  	_ =	shalt  }
0x5c: {  	_ =	shalt  }
0x5d: {  	_ =	shalt  }
0x5e: {  	_ =	shalt  }
0x5f: {  	_ =	shalt  }
0x60: {  	_ =	shalt  }
0x61: {  	_ =	shalt  }
0x62: {  	_ =	shalt  }
0x63: {  	_ =	shalt  }
0x64: {  	_ =	shalt  }
0x65: {  	_ =	shalt  }
0x66: {  	_ =	shalt  }
0x67: {  	_ =	shalt  }
0x68: {  	_ =	shalt  }
0x69: {  	_ =	shalt  }
0x6a: {  	_ =	shalt  }
0x6b: {  	_ =	shalt  }
0x6c: {  	_ =	shalt  }
0x6d: {  	_ =	shalt  }
0x6e: {  	_ =	shalt  }
0x6f: {  	_ =	shalt  }
0x70: {  	_ =	shalt  }
0x71: {  	_ =	shalt  }
0x72: {  	_ =	shalt  }
0x73: {  	_ =	shalt  }
0x74: {  	_ =	shalt  }
0x75: {  	_ =	shalt  }
0x76: {  	_ =	shalt  }
0x77: {  	_ =	shalt  }
0x78: {  	_ =	shalt  }
0x79: {  	_ =	shalt  }
0x7a: {  	_ =	shalt  }
0x7b: {  	_ =	shalt  }
0x7c: {  	_ =	shalt  }
0x7d: {  	_ =	shalt  }
0x7e: {  	_ =	shalt  }
0x7f: {  	_ =	shalt  }
0x80: {  	_ =	shalt  }
0x81: {  	_ =	shalt  }
0x82: {  	_ =	shalt  }
0x83: {  	_ =	shalt  }
0x84: {  	_ =	shalt  }
0x85: {  	_ =	shalt  }
0x86: {  	_ =	shalt  }
0x87: {  	_ =	shalt  }
.Lfunc_end0:
.L_simem_size_0:
called_computation.1_lowered:
.L_overlay_start_0:
0x88: {  	s2 =	sld [smem:$0x3FD9]  }
0x89: {  	s3 =	sld [smem:$0x3FFE];
	_ =	sdelay $0x1  }
0x8a: {  	s1 =	srdreg.scid  }
0x8b: {  	s0 =	sand.u32 $0x1, s1  }
0x8c: {  	s14 =	sshll.u32 s0, $0xA;
	s2 =	sadd.s32 s3, s2  }
0x8d: {  	s2 =	sadd.s32 s2, s14  }
0x8e: {  	[smem:$0x3FBC] =	sst s2  }
0x8f: {  	_ = 	snop  }
0x90: {  	s2 =	sld [smem:$0x3FD0];
	_ =	sdelay $0x2  }
0x91: {  	s15 =	simm.s32 $0xA;
	s4 =	simm.s32 $0x10  }
0x92: {  	[smem:s4], [sflag:s15] =	dma.local [hbm:s2], $0x1  }
0x93: {  	_ =	swait.eq [sflag:s15], $0x1  }
0x94: {  	[sflag:s15] =	ssyncset.done $0x0  }
0x95: {  	[sflag:s15] =	ssyncadd.s32 $0xFFFFFFFF  }
0x96: {  	s16 =	sld [smem:$0x10];
	(tm) =	ssettm $0x1  }
0x97: {  	s17 =	sld [smem:$0x3FFB];
	_ =	sdelay $0x3  }
0x98: {  	_ =	strace s17  }
0x99: {  	s3 =	sld [smem:$0x3FFC];
	_ =	sdelay $0x3  }
0x9a: {  	_ =	strace s3  }
0x9b: {  	s3 =	sld [smem:$0x3FFD];
	_ =	sdelay $0x3  }
0x9c: {  	_ =	strace s3  }
0x9d: {  	_ =	strace $0x8FFFFFFF  }
0x9e: {  	s18 =	sld [smem:$0x3FDB];
	_ =	sdelay $0x1  }
0x9f: {  	s19 =	simm.s32 $_scs_section_size  }
0xa0: {  	s5 =	simm.s32 $_size__tile_overlayer_lowered;
	s6 =	simm.s32 $_tile_overlayer_lowered  }
0xa1: {  	s22 =	simm.s32 $0x1BFF;
	s21 =	sshll.u32 s6, $0x1;
	s3 =	sadd.s32 s19, s18  }
0xa2: {  	s7 =	simm.s32 $0x0;
	s20 =	sshll.u32 s5, $0x1;
	s5 =	sadd.s32 s21, s3  }
0xa3: {  	[timem:s7], [sflag:s22] =	dma.local [hbm:s5], s20  }
0xa4: {  	_ =	swait.ge [sflag:s22], s20  }
0xa5: {  	s4 =	ssub.s32 $0x0, s20;
	[sflag:s22] =	ssyncset.done $0x0  }
0xa6: {  	[sflag:s22] =	ssyncadd.s32 s4;
	_ =	sdelay $0x1  }
0xa7: {  	s23 =	simm.s32 $0x1B8B  }
0xa8: {  	_ =	swait.ge [sflag:s23], $0x1  }
0xa9: {  	[sflag:s23] =	ssyncset.done $0x0  }
0xaa: {  	s25 =	simm.s32 $0x1B8E;
	s24 =	sld [smem:$0x3FFE];
	[sflag:s23] =	ssyncadd.s32 $0xFFFFFFFF  }
0xab: {  	s26 =	simm.s32 $execute0_lowered;
	[smem:$0x3FD2] =	sst s25  }
0xac: {  	s5 =	sshll.u32 s26, $0x1;
	_ =	strace $0x80000055;
	[dreg:$0x1] =	wrdreg $0xFFFFFFFF  }
0xad: {  	s28 =	simm.s32 $_size_execute0_lowered;
	s3 =	sadd.s32 s3, s5;
	[dreg:$0x0] =	wrdreg $0x0  }
0xae: {  	s5 =	sshll.u32 s28, $0x1;
	[dreg:$0x2] =	wrdreg s3  }
0xaf: {  	[dreg:$0x3] =	wrdreg s5  }
0xb0: {  	[dreg:$0x4] =	wrdreg $0xC0  }
0xb1: {  	_ =	task [dreg:s7], $0x5FFFF  }
0xb2: {  	[dreg:$0x1] =	wrdreg $0xFFFFFFFF  }
0xb3: {  	[dreg:$0x0] =	wrdreg $0x60  }
0xb4: {  	[dreg:$0x2] =	wrdreg s24  }
0xb5: {  	[dreg:$0x3] =	wrdreg s16  }
0xb6: {  	[dreg:$0x4] =	wrdreg $0x0  }
0xb7: {  	[dreg:$0x5] =	wrdreg $0x9  }
0xb8: {  	_ =	task.clear_ibuf [dreg:s7], $0x6FFFF;
	_ =	strace $0x90000055  }
0xb9: {  	s29 =	simm.s32 $0x9;
	_ =	strace $0x8000005D  }
0xba: {  	_ =	swait.ge [sflag:s29], $0x1  }
0xbb: {  	[sflag:s29] =	ssyncadd.s32 $0xFFFFFFFF  }
0xbc: {  	_ =	strace $0x9000005D  }
0xbd: {  	_ =	sfence  }
0xbe: {  	s30 =	sld [smem:$0x0];
	_ =	sdelay $0x2  }
0xbf: {  	s31 =	sshll.u32 s1, $0xD;
	s1 =	sshrl.u32 s1, $0x2  }
0xc0: {  	s3 =	sand.u32 $0x4000, s31;
	s1 =	sadd.s32 s1, s30  }
0xc1: {  	s0 =	sor.u32 s3, s0;
	s1 =	sshll.u32 s1, $0x11  }
0xc2: {  	s0 =	sor.u32 s1, s0  }
0xc3: {  	s0 =	sadd.s32 $0x8F2B, s0  }
0xc4: {  	[sflag:s0] =	ssyncadd.remote.s32 $0x1  }
0xc5: {  	_ =	sfence.sel $0xFFFF  }
0xc6: {  	[dreg:$0x0] =	wrdreg $0xFFFFFFFF;
	(pc) =	sbr.abs _section_cstart, $3  }
0xc7: {  	[dreg:$0x1] =	wrdreg $0xFFFFFFFF  }
0xc8: {  	_ =	task.clear_ibuf [dreg:s7], $0x2FFFF;
	_ =	strace $0x9FFFFFFF  }
0xc9: {  	(tm) =	ssettm $0x7FFFFFFF  }
tec
execute0_lowered:
.L_overlay_start_1:
0x0: {  	(tag) =	ssettag $0x1  }
0x1: {  	s0 =	rddreg [dreg:$0x0]  }
0x2: {  	s3 =	rddreg [dreg:$0x1]  }
0x3: {  	s1 =	rddreg [dreg:$0x2];
	s14 =	simm.s32 $0x0  }
0x4: {  	s5 =	srdreg.scid;
	s2 =	stileid.u32;
	s18 =	simm.s32 $0x80  }
0x5: {  	s19 =	simm.s32 $0x5;
	s20 =	simm.s32 $0x1;
	s21 =	simm.s32 $0x0  }
0x6: {  	[smem:$0x7FF] =	sst s14;
	s4 =	sadd.s32 $0x508A00, s0;
	s6 =	smul.u32 $0x2710, s2  }
0x7: {  	s7 =	sand.u32 $0x1, s5;
	s5 =	sadd.s32 $0xDC00, s0;
	s10 =	smul.u32 $0x4E2, s2  }
0x8: {  	s25 =	sshll.u32 s2, $0x6;
	_ =	strace $0x80000056;
	s8 =	sshll.u32 s7, $0x4  }
0x9: {  	s9 =	ssub.s32 $0x2, s7;
	s7 =	smul.u32 $0x4E20, s7;
	s8 =	sor.u32 s2, s8  }
0xa: {  	s11 =	sshrl.u32 s6, $0x3;
	s12 =	sshrl.u32 s9, $0x1;
	s13 =	smul.u32 $0x13, s8  }
0xb: {  	s15 =	sadd.s32 s6, s1;
	s24 =	ssub.s32 s9, s12;
	s9 =	smul.u32 $0x14, s8  }
0xc: {  	s0 =	sadd.s32 s11, s0;
	p0 =	slt.u32 s8, $0x11;
	s6 =	sadd.s32 $0x11, s13  }
0xd: {  	s8 =	sor.u32 $0x1C01, s25;
	s30 =	sadd.s32 s10, s7;
	s6 =	smov.u32 @p0 s9  }
0xe: {  	s0 =	sadd.s32 $0x17A00, s0;
	s31 =	smax.u32 s24, $0x1;
	s26 =	sshll.u32 s6, $0xA  }
0xf: {  	[dreg:$0x4] =	wrdreg s0;
	s28 =	sshll.u32 s6, $0x6;
	s0 =	sand.u32 $0x1FFFFC00, s26  }
0x10: {  	[dreg:$0x8] =	wrdreg s31;
	s29 =	sand.u32 $0x1FFFFFC0, s28;
	s0 =	sadd.s32 s4, s0  }
0x11: {  	s9 =	simm.s32 $0x14;
	[dreg:$0x5] =	wrdreg s0;
	s0 =	sadd.s32 s5, s29  }
0x12: {  	s9 =	simm.s32 @!p0 $0x13;
	[dreg:$0x6] =	wrdreg s0;
	s0 =	sadd.s32 s3, s30  }
0x13: {  	s15 =	sshrl.u32 s15, $0x3;
	s12 =	sadd.s32 $0xFFFFFFFF, s9;
	[dreg:$0x7] =	wrdreg s0  }
.LBB2_1:
0x14: {  	s0 =	rddreg [dreg:$0x4]  }
0x15: {  	[spmem:s15], [sflag:s8] =	dma.local [hbm:s0], $0x4E2  }
0x16: {  	_ =	swait.ge [sflag:s20], $0x4E2  }
0x17: {  	[sflag:s20] =	ssyncset.done $0x0  }
0x18: {  	s2 =	simm.s32 $0x2710;
	[sflag:s20] =	ssyncadd.s32 $0xFFFFFB1E  }
0x19: {  	s31 =	simm.s32 $0x6710;
	p0 =	seq.s32 s9, $0x1;
	[bflag:$0x0] =	sbarrier.arrive $0xFFFF  }
0x1a: {  	s26 =	simm.s32 $0x1;
	p3 =	sne.s32 s9, $0x1;
	_ =	strace $0x80000057  }
.Ltmp0:
0x1b: {  	s22 =	simm.s32 $0x1;
	s29 =	rddreg [dreg:$0x5];
	(pc) =	sbr.rel @!p3 .LBB2_2-.Ltmp0, $4  }
0x1c: {  	[tilespmem:s2], [sflag:$0x1] =	stream.linear.gather [hbm4b:s29+s14], $0x2000, $0x200038;
	[tilespmem:$0x6B10] =	vst v63  }
0x1d: {  	p1 =	sle.u32 s12, $0x0;
	s26 =	simm.s32 @p0 $0x0;
	s30 =	rddreg [dreg:$0x6]  }
0x1e: {  	[tilespmem:s31], [sflag:$0x3] =	stream.linear.gather [hbm4b:s30+s14], $0x200, $0x200038;
	[tilespmem:$0x6B10] =	vst v63  }
0x1f: {  	p0 =	por $0x0, $0x0;
	p2 =	sne.s32 s26, $0x0;
	_ =	strace $0x90000057  }
0x20: {  	p3 =	seq.s32 @!p1 s26, $0x0  }
0x21: {  	s3 =	simm.s32 $0x0;
	s2 =	simm.s32 $0x0;
	s13 =	sand.u32 $0x1, s14  }
0x22: {  	s24 =	simm.s32 $0x1;
	s28 =	simm.s32 $0x2;
	p6 =	seq.s32 s12, $0x0  }
0x23: {  	s30 =	sadd.s32 $0x1, s26;
	s29 =	simm.s32 $0x0;
	p0 =	por p3, p1  }
0x24: {  	s0 =	sadd.s32 @!p0 s6, s26;
	s7 =	sand.u32 @!p0 $0x1, s20;
	_ =	strace @!p0 $0x80000058  }
0x25: {  	s17 =	simm.s32 @!p0 $0x0;
	s10 =	sshll.u32 @!p0 s0, $0xA;
	s11 =	sshll.u32 @!p0 s7, $0xD  }
0x26: {  	s0 =	sshll.u32 @!p0 s0, $0x6;
	s16 =	sadd.s32 @!p0 $0x1, s7;
	s10 =	sand.u32 @!p0 $0x1FFFFC00, s10  }
0x27: {  	s11 =	sadd.s32 @!p0 $0x2710, s11;
	s0 =	sand.u32 @!p0 $0x1FFFFFC0, s0;
	s10 =	sadd.s32 @!p0 s4, s10  }
0x28: {  	[tilespmem:s11], [sflag:s16] =	stream.linear.gather @!p0 [hbm4b:s10+s17], $0x2000, $0x200038;
	[tilespmem:$0x6B10] =	vst v63  }
0x29: {  	s0 =	sadd.s32 @!p0 s5, s0;
	s10 =	sshll.u32 @!p0 s7, $0x9;
	_ =	strace @!p0 $0x90000058  }
0x2a: {  	s7 =	sadd.s32 @!p0 $0x3, s7;
	s10 =	sadd.s32 @!p0 $0x6710, s10;
	_ =	strace @!p0 $0x80000059  }
0x2b: {  	[tilespmem:s10], [sflag:s7] =	stream.linear.gather @!p0 [hbm4b:s0+s17], $0x200, $0x200038;
	[tilespmem:$0x6B10] =	vst v63  }
0x2c: {  	s31 =	sand.u32 $0x2000, s3;
	s14 =	sadd.s32 $0x1, s13;
	_ =	strace @!p0 $0x90000059  }
0x2d: {  	p3 =	por !p3, p1;
	p4 =	seq.s32 s30, s9;
	_ =	strace $0x8000005A  }
0x2e: {  	s25 =	sadd.s32 $0x2710, s31;
	s11 =	simm.s32 @!p0 $0x2;
	_ =	swait.ge [sflag:s14], $0x2000  }
0x2f: {  	s30 =	simm.s32 @p4 $0x0;
	s24 =	smov.u32 @p3 s11;
	[sflag:s14] =	ssyncset.done $0x0  }
0x30: {  	s16 =	sadd.s32 $0x3, s13;
	s24 =	smov.u32 @p1 s20;
	[sflag:s14] =	ssyncadd.s32 $0xFFFFE000  }
0x31: {  	s10 =	simm.s32 $0x0;
	s7 =	sand.u32 $0x200, s2;
	_ =	strace $0x9000005A  }
0x32: {  	s0 =	sadd.s32 $0x3F10, s31;
	s10 =	simm.s32 @p3 $0x1;
	_ =	strace $0x8000005B  }
0x33: {  	p3 =	sne.s32 s9, $0x2;
	s17 =	sadd.s32 $0x6710, s7;
	_ =	swait.ge [sflag:s16], $0x200  }
0x34: {  	s3 =	sor.u32 $0x6890, s7;
	p0 =	por p6, p2;
	[sflag:s16] =	ssyncset.done $0x0  }
0x35: {  	p2 =	sne.s32 s26, s30;
	s10 =	simm.s32 @p1 $0x0;
	[sflag:s16] =	ssyncadd.s32 $0xFFFFFE00  }
.Ltmp1:
0x36: {  	p1 =	sle.u32 s12, $0x1;
	_ =	strace $0x9000005B;
	(pc) =	sbr.rel @!p3 .LBB2_4-.Ltmp1, $4  }
0x37: {  	s23 =	sadd.s32 $0x1, s10;
	s16 =	simm.s32 $0x1;
	_ =	strace $0x8000005C  }
0x38: {  	[spmem:s1] =	stream.indirect.scatter.add.f32 [tilespmem:s25], [sflag:$0x5], $0x10, s17, s18, $0x2000b8;
	[tilespmem:$0x6B10] =	vst v63  }
0x39: {  	s10 =	sadd.s32 $0x2F10, s31;
	s16 =	simm.s32 @!p0 $0x0;
	_ =	swait.ge [sflag:s19], $0x800  }
0x3a: {  	p0 =	por $0x1, $0x1;
	s25 =	simm.s32 $0x0;
	[sflag:s19] =	ssyncset.done $0x0  }
.LBB2_5:
0x3b: {  	s11 =	smov.u32 s24  }
0x3c: {  	s13 =	sadd.s32 $0x6790, s7;
	s29 =	sadd.s32 s16, s29;
	s25 =	sadd.s32 s16, s25  }
0x3d: {  	s17 =	smov.u32 s22;
	s22 =	smov.u32 s28;
	s7 =	sor.u32 $0x6810, s7  }
0x3e: {  	s14 =	sshll.u32 s29, $0xD;
	s16 =	sshll.u32 s25, $0x9;
	[sflag:s19] =	ssyncadd.s32 $0xFFFFF800  }
0x3f: {  	[spmem:s1] =	stream.indirect.scatter.add.f32 [tilespmem:s10], [sflag:$0x5], $0x10, s13, s18, $0x2000b8;
	[tilespmem:$0x6B10] =	vst v63  }
0x40: {  	p4 =	seq.s32 @!p1 s26, s30;
	s10 =	sand.u32 $0x2000, s14;
	_ =	swait.ge [sflag:s19], $0x800  }
0x41: {  	p3 =	por p4, p1;
	s13 =	sadd.s32 $0x3710, s31;
	[sflag:s19] =	ssyncset.done $0x0  }
0x42: {  	p4 =	por !p4, p1;
	s31 =	simm.s32 $0x0;
	[sflag:s19] =	ssyncadd.s32 $0xFFFFF800  }
0x43: {  	[spmem:s1] =	stream.indirect.scatter.add.f32 [tilespmem:s13], [sflag:$0x5], $0x10, s7, s18, $0x2000b8;
	[tilespmem:$0x6B10] =	vst v63  }
0x44: {  	s7 =	sadd.s32 @!p3 s6, s30;
	s13 =	sand.u32 @!p3 $0x1, s24;
	_ =	swait.ge [sflag:s19], $0x800  }
0x45: {  	s14 =	sshll.u32 @!p3 s13, $0xD;
	s26 =	sshll.u32 @!p3 s7, $0xA;
	[sflag:s19] =	ssyncset.done $0x0  }
0x46: {  	s31 =	simm.s32 @p4 $0x1;
	s7 =	sshll.u32 @!p3 s7, $0x6;
	s26 =	sand.u32 @!p3 $0x1FFFFC00, s26  }
0x47: {  	s31 =	simm.s32 @p1 $0x0;
	s13 =	sadd.s32 @!p3 $0x1, s13;
	[sflag:s19] =	ssyncadd.s32 $0xFFFFF800  }
0x48: {  	[spmem:s1] =	stream.indirect.scatter.add.f32 [tilespmem:s0], [sflag:$0x5], $0x10, s3, s18, $0x2000b8;
	[tilespmem:$0x6B10] =	vst v63  }
0x49: {  	s0 =	sadd.s32 @!p3 s4, s26;
	s3 =	sand.u32 @!p3 $0x1, s23;
	_ =	swait.ge [sflag:s19], $0x800  }
0x4a: {  	s14 =	sadd.s32 @!p3 $0x2710, s14;
	s26 =	sshll.u32 @!p3 s3, $0x9;
	[sflag:s19] =	ssyncset.done $0x0  }
0x4b: {  	s2 =	sadd.s32 @!p3 $0x1, s24;
	s7 =	sand.u32 @!p3 $0x1FFFFFC0, s7;
	[sflag:s19] =	ssyncadd.s32 $0xFFFFF800  }
0x4c: {  	s24 =	smov.u32 @p4 s2;
	s7 =	sadd.s32 @!p3 s5, s7;
	_ =	strace $0x9000005C  }
0x4d: {  	s2 =	simm.s32 @!p3 $0x0;
	s26 =	sadd.s32 @!p3 $0x6710, s26;
	_ =	strace @!p3 $0x80000058  }
0x4e: {  	[tilespmem:s14], [sflag:s13] =	stream.linear.gather @!p3 [hbm4b:s0+s2], $0x2000, $0x200038;
	[tilespmem:$0x6B10] =	vst v63  }
0x4f: {  	s24 =	smov.u32 @p1 s11;
	s0 =	sadd.s32 @!p3 $0x3, s3;
	_ =	strace @!p3 $0x90000058  }
0x50: {  	s23 =	sadd.s32 s23, s31;
	s3 =	sand.u32 $0x1, s25;
	_ =	strace @!p3 $0x80000059  }
0x51: {  	[tilespmem:s26], [sflag:s0] =	stream.linear.gather @!p3 [hbm4b:s7+s2], $0x200, $0x200038;
	[tilespmem:$0x6B10] =	vst v63  }
0x52: {  	s28 =	sadd.s32 $0x1, s28;
	s0 =	sand.u32 $0x1, s29;
	_ =	strace @!p3 $0x90000059  }
0x53: {  	p3 =	sne.s32 s9, s28;
	s0 =	sadd.s32 $0x1, s0;
	_ =	strace $0x8000005A  }
0x54: {  	s31 =	smov.u32 s10;
	s26 =	smov.u32 s30;
	_ =	swait.ge [sflag:s0], $0x2000  }
0x55: {  	[sflag:s0] =	ssyncset.done $0x0  }
0x56: {  	[sflag:s0] =	ssyncadd.s32 $0xFFFFE000  }
0x57: {  	p4 =	seq.s32 s12, s17;
	_ =	strace $0x9000005A  }
0x58: {  	p1 =	sge.u32 s22, s12;
	s2 =	sadd.s32 $0x3, s3;
	_ =	strace $0x8000005B  }
0x59: {  	p4 =	por p4, p2;
	s10 =	sadd.s32 $0x2F10, s31;
	_ =	swait.ge [sflag:s2], $0x200  }
0x5a: {  	s7 =	sand.u32 $0x200, s16;
	s0 =	sadd.s32 $0x3F10, s31;
	[sflag:s2] =	ssyncset.done $0x0  }
0x5b: {  	s30 =	sadd.s32 $0x1, s30;
	[sflag:s2] =	ssyncadd.s32 $0xFFFFFE00;
	s2 =	sadd.s32 $0x6710, s7  }
.Ltmp2:
0x5c: {  	s3 =	sor.u32 $0x6890, s7;
	_ =	strace $0x9000005B;
	(pc) =	sbr.rel @p3 .LBB2_5-.Ltmp2, $4  }
0x5d: {  	s11 =	sadd.s32 $0x2710, s31;
	p5 =	seq.s32 s30, s9;
	_ =	strace $0x8000005C  }
0x5e: {  	[spmem:s1] =	stream.indirect.scatter.add.f32 [tilespmem:s11], [sflag:$0x5], $0x10, s2, s18, $0x2000b8;
	[tilespmem:$0x6B10] =	vst v63  }
0x5f: {  	s16 =	simm.s32 $0x1;
	s30 =	simm.s32 @p5 $0x0;
	_ =	swait.ge [sflag:s19], $0x800  }
0x60: {  	s16 =	simm.s32 @!p4 $0x0;
	p2 =	sne.s32 s26, s30;
	[sflag:s19] =	ssyncset.done $0x0  }
0x61: {  	s11 =	smov.u32 s26;
	s26 =	smov.u32 s30;
	s14 =	simm.s32 $0x0  }
.LBB2_7:
0x62: {  	s2 =	sadd.s32 @p0 $0x6790, s7;
	[sflag:s19] =	ssyncadd.s32 @p0 $0xFFFFF800  }
0x63: {  	[spmem:s1] =	stream.indirect.scatter.add.f32 @p0 [tilespmem:s10], [sflag:$0x5], $0x10, s2, s18, $0x2000b8;
	[tilespmem:$0x6B10] =	vst v63  }
0x64: {  	_ =	swait.ge @p0 [sflag:s19], $0x800  }
0x65: {  	s7 =	sor.u32 @p0 $0x6810, s7;
	[sflag:s19] =	ssyncset.done @p0 $0x0  }
0x66: {  	p2 =	seq.s32 @!p1 s11, s26;
	s10 =	sadd.s32 @p0 $0x3710, s31;
	[sflag:s19] =	ssyncadd.s32 @p0 $0xFFFFF800  }
0x67: {  	[spmem:s1] =	stream.indirect.scatter.add.f32 @p0 [tilespmem:s10], [sflag:$0x5], $0x10, s7, s18, $0x2000b8;
	[tilespmem:$0x6B10] =	vst v63  }
0x68: {  	s2 =	sadd.s32 @p0 s16, s29;
	p1 =	por p2, p1;
	_ =	swait.ge @p0 [sflag:s19], $0x800  }
0x69: {  	s11 =	sand.u32 @!p1 $0x1, s23;
	s13 =	simm.s32 @!p1 $0x0;
	[sflag:s19] =	ssyncset.done @p0 $0x0  }
0x6a: {  	s7 =	simm.s32 $0x0;
	s10 =	sand.u32 @!p1 $0x1, s24;
	[sflag:s19] =	ssyncadd.s32 @p0 $0xFFFFF800  }
0x6b: {  	[spmem:s1] =	stream.indirect.scatter.add.f32 @p0 [tilespmem:s0], [sflag:$0x5], $0x10, s3, s18, $0x2000b8;
	[tilespmem:$0x6B10] =	vst v63  }
0x6c: {  	s7 =	smov.u32 @p0 s2;
	s2 =	sadd.s32 @!p1 s6, s26;
	_ =	swait.ge @p0 [sflag:s19], $0x800  }
0x6d: {  	s0 =	sshll.u32 @!p1 s10, $0xD;
	s3 =	sshll.u32 @!p1 s2, $0xA;
	[sflag:s19] =	ssyncset.done @p0 $0x0  }
0x6e: {  	s2 =	sshll.u32 @!p1 s2, $0x6;
	s3 =	sand.u32 @!p1 $0x1FFFFC00, s3;
	[sflag:s19] =	ssyncadd.s32 @p0 $0xFFFFF800  }
0x6f: {  	s10 =	sadd.s32 @!p1 $0x1, s10;
	s0 =	sadd.s32 @!p1 $0x2710, s0;
	_ =	strace @p0 $0x9000005C  }
0x70: {  	s2 =	sand.u32 @!p1 $0x1FFFFFC0, s2;
	s3 =	sadd.s32 @!p1 s4, s3;
	_ =	strace @!p1 $0x80000058  }
0x71: {  	[tilespmem:s0], [sflag:s10] =	stream.linear.gather @!p1 [hbm4b:s3+s13], $0x2000, $0x200038;
	[tilespmem:$0x6B10] =	vst v63  }
0x72: {  	s2 =	sadd.s32 @!p1 s5, s2;
	s0 =	sshll.u32 @!p1 s11, $0x9;
	_ =	strace @!p1 $0x90000058  }
0x73: {  	s3 =	sadd.s32 @!p1 $0x3, s11;
	s0 =	sadd.s32 @!p1 $0x6710, s0;
	_ =	strace @!p1 $0x80000059  }
0x74: {  	[tilespmem:s0], [sflag:s3] =	stream.linear.gather @!p1 [hbm4b:s2+s13], $0x200, $0x200038;
	[tilespmem:$0x6B10] =	vst v63  }
0x75: {  	s13 =	sand.u32 $0x1, s7;
	_ =	strace @!p1 $0x90000059  }
0x76: {  	s0 =	sadd.s32 $0x1, s13;
	_ =	strace $0x8000005A  }
0x77: {  	_ =	swait.ge [sflag:s0], $0x2000  }
0x78: {  	s2 =	sadd.s32 @p0 s16, s25;
	s3 =	simm.s32 $0x0;
	[sflag:s0] =	ssyncset.done $0x0  }
0x79: {  	s3 =	smov.u32 @p0 s2;
	[sflag:s0] =	ssyncadd.s32 $0xFFFFE000  }
0x7a: {  	s16 =	sand.u32 $0x1, s3;
	_ =	strace $0x9000005A  }
0x7b: {  	s0 =	sadd.s32 $0x3, s16;
	_ =	strace $0x8000005B  }
0x7c: {  	_ =	swait.ge [sflag:s0], $0x200  }
0x7d: {  	[sflag:s0] =	ssyncset.done $0x0  }
0x7e: {  	s17 =	sshll.u32 s7, $0xD;
	s3 =	sshll.u32 s3, $0x9;
	[sflag:s0] =	ssyncadd.s32 $0xFFFFFE00  }
0x7f: {  	s22 =	sand.u32 $0x2000, s17;
	s23 =	sand.u32 $0x200, s3;
	_ =	strace $0x9000005B  }
0x80: {  	s24 =	sadd.s32 $0x2710, s22;
	s3 =	sadd.s32 $0x6710, s23;
	_ =	strace $0x8000005C  }
0x81: {  	[spmem:s1] =	stream.indirect.scatter.add.f32 [tilespmem:s24], [sflag:$0x5], $0x10, s3, s18, $0x2000b8;
	[tilespmem:$0x6B10] =	vst v63  }
0x82: {  	_ =	swait.ge [sflag:s19], $0x800  }
0x83: {  	[sflag:s19] =	ssyncset.done $0x0  }
0x84: {  	s25 =	sadd.s32 $0x2F10, s22;
	s26 =	sadd.s32 $0x6790, s23;
	[sflag:s19] =	ssyncadd.s32 $0xFFFFF800  }
0x85: {  	[spmem:s1] =	stream.indirect.scatter.add.f32 [tilespmem:s25], [sflag:$0x5], $0x10, s26, s18, $0x2000b8;
	[tilespmem:$0x6B10] =	vst v63  }
0x86: {  	_ =	swait.ge [sflag:s19], $0x800  }
0x87: {  	[sflag:s19] =	ssyncset.done $0x0  }
0x88: {  	s29 =	sadd.s32 $0x3710, s22;
	s28 =	sor.u32 $0x6810, s23;
	[sflag:s19] =	ssyncadd.s32 $0xFFFFF800  }
0x89: {  	[spmem:s1] =	stream.indirect.scatter.add.f32 [tilespmem:s29], [sflag:$0x5], $0x10, s28, s18, $0x2000b8;
	[tilespmem:$0x6B10] =	vst v63  }
0x8a: {  	_ =	swait.ge [sflag:s19], $0x800  }
0x8b: {  	[sflag:s19] =	ssyncset.done $0x0  }
0x8c: {  	s2 =	sor.u32 $0x6890, s23;
	s0 =	sadd.s32 $0x3F10, s22;
	[sflag:s19] =	ssyncadd.s32 $0xFFFFF800  }
0x8d: {  	[spmem:s1] =	stream.indirect.scatter.add.f32 [tilespmem:s0], [sflag:$0x5], $0x10, s2, s18, $0x2000b8;
	[tilespmem:$0x6B10] =	vst v63  }
0x8e: {  	_ =	swait.ge [sflag:s19], $0x800  }
0x8f: {  	[sflag:s19] =	ssyncset.done $0x0  }
0x90: {  	[sflag:s19] =	ssyncadd.s32 $0xFFFFF800  }
0x91: {  	_ =	strace $0x9000005C  }
0x92: {  	[bflag:$0x0] =	sbarrier.arrive $0xFFFF  }
0x93: {  	s30 =	rddreg [dreg:$0x7]  }
0x94: {  	[hbm:s30], [sflag:s8] =	dma.local [spmem:s15], $0x4E2  }
0x95: {  	_ =	swait.ge [sflag:s20], $0x4E2  }
0x96: {  	s21 =	sadd.s32 $0x1, s21;
	s31 =	rddreg [dreg:$0x8]  }
0x97: {  	p0 =	sne.s32 s21, s31  }
.Ltmp3:
0x98: {  	_ = 	snop;
	(pc) =	sbr.rel @p0 .LBB2_1-.Ltmp3, $4  }
.Ltmp4:
0x99: {  	_ = 	snop;
	(pc) =	sbr.rel @!p0 .LBB2_8-.Ltmp4, $4  }
0x9a: {  	_ = 	snop  }
0x9b: {  	[sflag:s20] =	ssyncset.done $0x0  }
0x9c: {  	[sflag:s20] =	ssyncadd.s32 $0xFFFFFB1E  }
0x9d: {  	_ = 	snop  }
.LBB2_2:
.Ltmp5:
0x9e: {  	(pc) =	sbr.rel .LBB2_7-.Ltmp5, $3  }
0x9f: {  	_ =	sdelay $0x1  }
0xa0: {  	s29 =	simm.s32 $0x0;
	s25 =	simm.s32 $0x0  }
0xa1: {  	s11 =	simm.s32 $0x0;
	s24 =	simm.s32 $0x1;
	s23 =	simm.s32 $0x1  }
.LBB2_4:
.Ltmp6:
0xa2: {  	(pc) =	sbr.rel .LBB2_7-.Ltmp6, $3  }
0xa3: {  	_ =	sdelay $0x1  }
0xa4: {  	s11 =	smov.u32 s26;
	s29 =	simm.s32 $0x0  }
0xa5: {  	s25 =	simm.s32 $0x0;
	s26 =	smov.u32 s30;
	s14 =	simm.s32 $0x0  }
.LBB2_8:
0xa6: {  	_ =	sfence.sel $0x180000  }
0xa7: {  	[bflag:$0x0] =	sbarrier.arrive $0xFFFF  }
0xa8: {  	_ =	strace $0x90000056  }
0xa9: {  	s0 =	stileid.u32;
	[bflag:$0x2] =	sbarrier.arrive $0xFFFF  }
0xaa: {  	p0 =	sne.s32 s0, $0x0;
	s0 =	rddreg [dreg:$0x3]  }
0xab: {  	s0 =	sadd.s32 @!p0 $0x100000, s0  }
0xac: {  	[sflag:s0] =	ssyncadd.tile.s32 @!p0 $0x1;
	_ =	shalt  }
.Lfunc_end2:
_tile_overlayer_lowered:
.L_overlay_start_2:
0xad: {  	(tag) =	ssettag $0x2  }
0xae: {  	s0 =	rddreg [dreg:$0x0];
	s2 =	stileid.u32  }
0xaf: {  	s1 =	rddreg [dreg:$0x1];
	p0 =	sne.s32 s2, $0x0  }
0xb0: {  	s3 =	rddreg [dreg:$0x2];
	[bflag:$0x3] =	sbarrier.arrive $0xFFFF;
	s2 =	simm.s32 @!p0 $0x1C01  }
0xb1: {  	[timem:s3], [sflag:s2] =	dma.local @!p0 [hbm:s0], s1  }
0xb2: {  	s0 =	simm.s32 @!p0 $0x1  }
0xb3: {  	_ =	swait.ge @!p0 [sflag:s0], s1  }
0xb4: {  	s1 =	ssub.s32 @!p0 $0x0, s1;
	[sflag:s0] =	ssyncset.done @!p0 $0x0  }
0xb5: {  	[sflag:s0] =	ssyncadd.s32 @!p0 s1  }
0xb6: {  	[bflag:$0x3] =	sbarrier.arrive $0xFFFF  }
0xb7: {  	_ =	shalt  }

// kernel: kernel.7.cloned.1.call-start
scs
__scs_entry_jumppad:
0x0: {  	(pc) =	sbr.rel $0x88, $3  }
0x1: {  	(tag) =	ssettag $0x0;
	lr =	simm.s32 $0x1  }
0x2: {  	[smem:$0x3F95] =	sst lr;
	_ =	strace $0xD0000000  }
0x3: {  	_ = 	snop  }
0x4: {  	_ = 	snop  }
0x5: {  	_ = 	snop  }
0x6: {  	_ = 	snop  }
0x7: {  	_ = 	snop  }
__scs_overlays_trampoline_lowered:
0x8: {  	[smem:$0x3FA4] =	sst s0  }
0x9: {  	[smem:$0x3FA5] =	sst s1  }
0xa: {  	[smem:$0x3FA6] =	sst s2  }
0xb: {  	[smem:$0x3FA7] =	sst s3  }
0xc: {  	[smem:$0x3FA8] =	sst s4  }
0xd: {  	[smem:$0x3FA9] =	sst s5  }
0xe: {  	[smem:$0x3FAA] =	sst s6  }
0xf: {  	[smem:$0x3FAB] =	sst s7  }
0x10: {  	[smem:$0x3FAC] =	sst s8  }
0x11: {  	[smem:$0x3FAD] =	sst s9;
	s0 =	simm.s32 @!p0 $0x0  }
0x12: {  	s1 =	sld [smem:$0x3F93];
	s0 =	simm.s32 @p0 $0x1  }
0x13: {  	[smem:$0x3FAE] =	sst s0;
	s0 =	simm.s32 @!p1 $0x0  }
0x14: {  	s2 =	sld [smem:$0x3F92];
	s0 =	simm.s32 @p1 $0x1  }
0x15: {  	[smem:$0x3FAF] =	sst s0;
	s0 =	simm.s32 @!p2 $0x0  }
0x16: {  	s3 =	sld [smem:$0x3FDB];
	s0 =	simm.s32 @p2 $0x1  }
0x17: {  	s4 =	simm.s32 $0x1BF5;
	[smem:$0x3FB1] =	sst s0  }
0x18: {  	s0 =	sld [smem:$0x3F94];
	_ =	swait.ge [sflag:s4], $0x0  }
0x19: {  	s7 =	sld [smem:$0x3F95]  }
0x1a: {  	s8 =	sadd.s32 $0xFFFFE003, lr  }
0x1b: {  	s9 =	sadd.s32 $0xFFFFFEF7, lr;
	s5 =	simm.s32 $0xFFFFFFFF;
	p2 =	slt.u32 s8, $0xFFFFF086  }
0x1c: {  	p1 =	slt.u32 s9, $0xF7A;
	s5 =	simm.s32 @!p2 $0x0  }
0x1d: {  	s5 =	simm.s32 @p1 $0x1;
	p0 =	seq.s32 s7, s2  }
0x1e: {  	s7 =	smul.u32 @!p0 $0xF7A, s2;
	p2 =	seq.s32 @!p0 s5, $0x0  }
0x1f: {  	s9 =	smul.u32 $0xF7A, s1;
	s8 =	simm.s32 @!p0 $0x1BF5;
	p2 =	por !p2, p0  }
0x20: {  	[sflag:s8] =	ssyncset.s32 @!p0 $0xFFFFF086;
	s6 =	sadd.s32 @!p0 s3, s7;
	s7 =	simm.s32 @!p0 $0x108  }
0x21: {  	s3 =	sadd.s32 s3, s9;
	s6 =	sadd.s32 @!p0 $0x88, s6;
	s7 =	simm.s32 @p2 $0x1082  }
0x22: {  	[simem:s7], [sflag:s8] =	dma.local @!p0 [hbm:s6], $0xF7A  }
0x23: {  	s9 =	sor.u32 $0xD0000000, s2;
	s6 =	simm.s32 $0x108;
	_ =	swait.ge @!p0 [sflag:s8], $0x0  }
0x24: {  	s3 =	sadd.s32 $0x88, s3;
	s6 =	simm.s32 @!p1 $0x1082;
	[sflag:s4] =	ssyncset.s32 $0xFFFFF086  }
0x25: {  	[simem:s6], [sflag:s4] =	dma.local [hbm:s3], $0xF7A  }
0x26: {  	[smem:$0x3F95] =	sst s1;
	(tag) =	ssettag s2;
	_ =	strace s9  }
0x27: {  	s1 =	sld [smem:$0x3FA5]  }
0x28: {  	s2 =	sld [smem:$0x3FA6]  }
0x29: {  	s4 =	sld [smem:$0x3FA8]  }
0x2a: {  	p0 =	seq.s32 s5, $0x0;
	s5 =	sld [smem:$0x3FA9]  }
0x2b: {  	s6 =	sld [smem:$0x3FAA]  }
0x2c: {  	s7 =	sld [smem:$0x3FAB]  }
0x2d: {  	s3 =	simm.s32 $0x108;
	s8 =	sld [smem:$0x3FAC]  }
0x2e: {  	s3 =	simm.s32 @!p0 $0x1082;
	s9 =	sld [smem:$0x3FAD]  }
0x2f: {  	lr =	sadd.s32 s0, s3;
	s0 =	sld [smem:$0x3FA4]  }
0x30: {  	s3 =	sld [smem:$0x3FA7]  }
0x31: {  	[smem:$0x3FB0] =	sst s10  }
0x32: {  	s10 =	sld [smem:$0x3FAE];
	_ =	sdelay $0x3  }
0x33: {  	p0 =	seq.s32 s10, $0x1;
	s10 =	sld [smem:$0x3FB0];
	_ =	sdelay $0x3  }
0x34: {  	[smem:$0x3FB0] =	sst s10  }
0x35: {  	s10 =	sld [smem:$0x3FAF];
	_ =	sdelay $0x3  }
0x36: {  	p1 =	seq.s32 s10, $0x1;
	s10 =	sld [smem:$0x3FB0];
	_ =	sdelay $0x3  }
0x37: {  	[smem:$0x3FB0] =	sst s10  }
0x38: {  	s10 =	sld [smem:$0x3FB1]  }
0x39: {  	_ = 	snop;
	(pc) =	sbr.ind lr, $3  }
0x3a: {  	_ = 	snop  }
0x3b: {  	_ = 	snop  }
0x3c: {  	p2 =	seq.s32 s10, $0x1;
	s10 =	sld [smem:$0x3FB0]  }
0x3d: {  	_ =	shalt  }
0x3e: {  	_ =	shalt  }
0x3f: {  	_ =	shalt  }
0x40: {  	_ =	shalt  }
0x41: {  	_ =	shalt  }
0x42: {  	_ =	shalt  }
0x43: {  	_ =	shalt  }
0x44: {  	_ =	shalt  }
0x45: {  	_ =	shalt  }
0x46: {  	_ =	shalt  }
0x47: {  	_ =	shalt  }
0x48: {  	_ =	shalt  }
0x49: {  	_ =	shalt  }
0x4a: {  	_ =	shalt  }
0x4b: {  	_ =	shalt  }
0x4c: {  	_ =	shalt  }
0x4d: {  	_ =	shalt  }
0x4e: {  	_ =	shalt  }
0x4f: {  	_ =	shalt  }
0x50: {  	_ =	shalt  }
0x51: {  	_ =	shalt  }
0x52: {  	_ =	shalt  }
0x53: {  	_ =	shalt  }
0x54: {  	_ =	shalt  }
0x55: {  	_ =	shalt  }
0x56: {  	_ =	shalt  }
0x57: {  	_ =	shalt  }
0x58: {  	_ =	shalt  }
0x59: {  	_ =	shalt  }
0x5a: {  	_ =	shalt  }
0x5b: {  	_ =	shalt  }
0x5c: {  	_ =	shalt  }
0x5d: {  	_ =	shalt  }
0x5e: {  	_ =	shalt  }
0x5f: {  	_ =	shalt  }
0x60: {  	_ =	shalt  }
0x61: {  	_ =	shalt  }
0x62: {  	_ =	shalt  }
0x63: {  	_ =	shalt  }
0x64: {  	_ =	shalt  }
0x65: {  	_ =	shalt  }
0x66: {  	_ =	shalt  }
0x67: {  	_ =	shalt  }
0x68: {  	_ =	shalt  }
0x69: {  	_ =	shalt  }
0x6a: {  	_ =	shalt  }
0x6b: {  	_ =	shalt  }
0x6c: {  	_ =	shalt  }
0x6d: {  	_ =	shalt  }
0x6e: {  	_ =	shalt  }
0x6f: {  	_ =	shalt  }
0x70: {  	_ =	shalt  }
0x71: {  	_ =	shalt  }
0x72: {  	_ =	shalt  }
0x73: {  	_ =	shalt  }
0x74: {  	_ =	shalt  }
0x75: {  	_ =	shalt  }
0x76: {  	_ =	shalt  }
0x77: {  	_ =	shalt  }
0x78: {  	_ =	shalt  }
0x79: {  	_ =	shalt  }
0x7a: {  	_ =	shalt  }
0x7b: {  	_ =	shalt  }
0x7c: {  	_ =	shalt  }
0x7d: {  	_ =	shalt  }
0x7e: {  	_ =	shalt  }
0x7f: {  	_ =	shalt  }
0x80: {  	_ =	shalt  }
0x81: {  	_ =	shalt  }
0x82: {  	_ =	shalt  }
0x83: {  	_ =	shalt  }
0x84: {  	_ =	shalt  }
0x85: {  	_ =	shalt  }
0x86: {  	_ =	shalt  }
0x87: {  	_ =	shalt  }
.Lfunc_end0:
.L_simem_size_0:
called_computation_lowered:
.L_overlay_start_0:
0x88: {  	s2 =	sld [smem:$0x3FD9]  }
0x89: {  	s3 =	sld [smem:$0x3FFE];
	_ =	sdelay $0x1  }
0x8a: {  	s1 =	srdreg.scid  }
0x8b: {  	s0 =	sand.u32 $0x1, s1  }
0x8c: {  	s14 =	sshll.u32 s0, $0xA;
	s2 =	sadd.s32 s3, s2  }
0x8d: {  	s2 =	sadd.s32 s2, s14  }
0x8e: {  	[smem:$0x3FBC] =	sst s2  }
0x8f: {  	_ = 	snop  }
0x90: {  	s2 =	sld [smem:$0x3FD0];
	_ =	sdelay $0x2  }
0x91: {  	s15 =	simm.s32 $0xA;
	s4 =	simm.s32 $0x10  }
0x92: {  	[smem:s4], [sflag:s15] =	dma.local [hbm:s2], $0x1  }
0x93: {  	_ =	swait.eq [sflag:s15], $0x1  }
0x94: {  	[sflag:s15] =	ssyncset.done $0x0  }
0x95: {  	s16 =	sld [smem:$0x10];
	[sflag:s15] =	ssyncadd.s32 $0xFFFFFFFF  }
0x96: {  	s17 =	sld [smem:$0x11];
	(tm) =	ssettm $0x1  }
0x97: {  	s18 =	sld [smem:$0x3FFB];
	_ =	sdelay $0x3  }
0x98: {  	_ =	strace s18  }
0x99: {  	s4 =	sld [smem:$0x3FFC];
	_ =	sdelay $0x3  }
0x9a: {  	_ =	strace s4  }
0x9b: {  	s4 =	sld [smem:$0x3FFD];
	_ =	sdelay $0x3  }
0x9c: {  	_ =	strace s4  }
0x9d: {  	_ =	strace $0x8FFFFFFF  }
0x9e: {  	s19 =	sld [smem:$0x3FDB];
	_ =	sdelay $0x1  }
0x9f: {  	s5 =	simm.s32 $_scs_section_size  }
0xa0: {  	s6 =	simm.s32 $_size__tile_overlayer_lowered;
	s7 =	simm.s32 $_tile_overlayer_lowered  }
0xa1: {  	s22 =	simm.s32 $0x1BFF;
	s21 =	sshll.u32 s7, $0x1;
	s4 =	sadd.s32 s5, s19  }
0xa2: {  	s8 =	simm.s32 $0x0;
	s20 =	sshll.u32 s6, $0x1;
	s6 =	sadd.s32 s21, s4  }
0xa3: {  	[timem:s8], [sflag:s22] =	dma.local [hbm:s6], s20  }
0xa4: {  	_ =	swait.ge [sflag:s22], s20  }
0xa5: {  	s5 =	ssub.s32 $0x0, s20;
	[sflag:s22] =	ssyncset.done $0x0  }
0xa6: {  	[sflag:s22] =	ssyncadd.s32 s5;
	_ =	sdelay $0x1  }
0xa7: {  	s23 =	simm.s32 $0x1B8B  }
0xa8: {  	_ =	swait.ge [sflag:s23], $0x1  }
0xa9: {  	[sflag:s23] =	ssyncset.done $0x0  }
0xaa: {  	s25 =	simm.s32 $0x1B8E;
	s24 =	sld [smem:$0x3FFE];
	[sflag:s23] =	ssyncadd.s32 $0xFFFFFFFF  }
0xab: {  	s26 =	simm.s32 $execute0_lowered;
	[smem:$0x3FD2] =	sst s25  }
0xac: {  	s6 =	sshll.u32 s26, $0x1;
	_ =	strace $0x80000046;
	[dreg:$0x1] =	wrdreg $0xFFFFFFFF  }
0xad: {  	s28 =	simm.s32 $_size_execute0_lowered;
	s4 =	sadd.s32 s4, s6;
	[dreg:$0x0] =	wrdreg $0x0  }
0xae: {  	s6 =	sshll.u32 s28, $0x1;
	[dreg:$0x2] =	wrdreg s4  }
0xaf: {  	[dreg:$0x3] =	wrdreg s6  }
0xb0: {  	[dreg:$0x4] =	wrdreg $0xC0  }
0xb1: {  	_ =	task [dreg:s8], $0x5FFFF  }
0xb2: {  	[dreg:$0x1] =	wrdreg $0xFFFFFFFF  }
0xb3: {  	[dreg:$0x0] =	wrdreg $0x60  }
0xb4: {  	[dreg:$0x2] =	wrdreg s16  }
0xb5: {  	[dreg:$0x3] =	wrdreg s17  }
0xb6: {  	[dreg:$0x4] =	wrdreg s24  }
0xb7: {  	[dreg:$0x5] =	wrdreg $0x8000  }
0xb8: {  	[dreg:$0x6] =	wrdreg $0x9  }
0xb9: {  	_ =	task.clear_ibuf [dreg:s8], $0x7FFFF;
	_ =	strace $0x90000046  }
0xba: {  	s29 =	simm.s32 $0x9;
	_ =	strace $0x80000054  }
0xbb: {  	_ =	swait.ge [sflag:s29], $0x1  }
0xbc: {  	[sflag:s29] =	ssyncadd.s32 $0xFFFFFFFF  }
0xbd: {  	_ =	strace $0x90000054  }
0xbe: {  	_ =	sfence  }
0xbf: {  	s30 =	sld [smem:$0x0];
	_ =	sdelay $0x2  }
0xc0: {  	s31 =	sshll.u32 s1, $0xD;
	s1 =	sshrl.u32 s1, $0x2  }
0xc1: {  	s3 =	sand.u32 $0x4000, s31;
	s1 =	sadd.s32 s1, s30  }
0xc2: {  	s0 =	sor.u32 s3, s0;
	s1 =	sshll.u32 s1, $0x11  }
0xc3: {  	s0 =	sor.u32 s1, s0  }
0xc4: {  	s0 =	sadd.s32 $0x8F2B, s0  }
0xc5: {  	[sflag:s0] =	ssyncadd.remote.s32 $0x1  }
0xc6: {  	_ =	sfence.sel $0xFFFF  }
0xc7: {  	[dreg:$0x0] =	wrdreg $0xFFFFFFFF;
	(pc) =	sbr.abs _section_cstart, $3  }
0xc8: {  	[dreg:$0x1] =	wrdreg $0xFFFFFFFF  }
0xc9: {  	_ =	task.clear_ibuf [dreg:s8], $0x2FFFF;
	_ =	strace $0x9FFFFFFF  }
0xca: {  	(tm) =	ssettm $0x7FFFFFFF  }
0xcb: {  	_ =	shalt  }
tec
execute0_lowered:
.L_overlay_start_1:
0x0: {  	(tag) =	ssettag $0x1  }
0x1: {  	s0 =	rddreg [dreg:$0x2]  }
0x2: {  	s2 =	rddreg [dreg:$0x3];
	s1 =	simm.s32 $0x0  }
0x3: {  	s19 =	stileid.u32;
	s8 =	srdreg.scid;
	s28 =	simm.s32 $0x2  }
0x4: {  	[smem:$0x7FF] =	sst s1;
	s3 =	smul.u32 $0x2710, s19;
	s6 =	sadd.s32 $0x3E00, s0  }
0x5: {  	s7 =	sadd.s32 $0xDC00, s0;
	s8 =	sand.u32 $0x1, s8;
	s11 =	smul.u32 $0x4E2, s19  }
0x6: {  	s4 =	sadd.s32 $0x1CA00, s0;
	s20 =	sadd.s32 $0x1CC00, s0;
	s21 =	sadd.s32 $0x28DC00, s0  }
0x7: {  	s24 =	sshll.u32 s19, $0x6;
	_ =	strace $0x80000047;
	[dreg:$0x5] =	wrdreg s4  }
0x8: {  	s13 =	smul.u32 $0x4E20, s8;
	s10 =	sshll.u32 s8, $0x4;
	[dreg:$0x6] =	wrdreg s20  }
0x9: {  	[dreg:$0x7] =	wrdreg s21;
	s8 =	ssub.s32 $0x2, s8;
	s1 =	sor.u32 $0x1C03, s24  }
0xa: {  	s24 =	simm.s32 $0x80;
	s4 =	simm.s32 $0x0;
	s9 =	sshrl.u32 s3, $0x3  }
0xb: {  	s14 =	sor.u32 s19, s10;
	s16 =	sshrl.u32 s8, $0x1;
	s3 =	sadd.s32 s3, s2  }
0xc: {  	[dreg:$0x9] =	wrdreg s1;
	s12 =	sadd.s32 s9, s0;
	s22 =	smul.u32 $0x27, s14  }
0xd: {  	s11 =	sadd.s32 s11, s13;
	s15 =	smul.u32 $0x28, s14;
	p0 =	slt.u32 s14, $0x2  }
0xe: {  	s8 =	ssub.s32 s8, s16;
	s14 =	simm.s32 $0x28;
	s2 =	sshrl.u32 s3, $0x3  }
0xf: {  	s3 =	simm.s32 $0x3;
	s0 =	sadd.s32 s11, s0;
	s11 =	sadd.s32 $0x2, s22  }
0x10: {  	s23 =	sadd.s32 $0x17A00, s12;
	[dreg:$0xe] =	wrdreg s2;
	s11 =	smov.u32 @p0 s15  }
0x11: {  	s31 =	smax.u32 s8, $0x1;
	[dreg:$0x8] =	wrdreg s23;
	s25 =	sshll.u32 s11, $0x5  }
0x12: {  	s0 =	sadd.s32 $0x4FEC00, s0;
	[dreg:$0xd] =	wrdreg s31;
	s26 =	sand.u32 $0x1FFFFFE0, s25  }
0x13: {  	s14 =	simm.s32 @!p0 $0x27;
	[dreg:$0xc] =	wrdreg s0;
	s29 =	sadd.s32 s6, s26  }
0x14: {  	s17 =	sadd.s32 $0xFFFFFFFF, s14;
	s30 =	sadd.s32 s7, s26;
	[dreg:$0xa] =	wrdreg s29  }
0x15: {  	s25 =	simm.s32 $0xB;
	s26 =	simm.s32 $0x1;
	[dreg:$0xb] =	wrdreg s30  }
.LBB2_1:
0x16: {  	[dreg:$0xf] =	wrdreg s4  }
0x17: {  	s0 =	rddreg [dreg:$0x8]  }
0x18: {  	[spmem:s2], [sflag:s1] =	dma.local [hbm:s0], $0x4E2  }
0x19: {  	_ =	swait.ge [sflag:s3], $0x4E2  }
0x1a: {  	[sflag:s3] =	ssyncset.done $0x0  }
0x1b: {  	s19 =	simm.s32 $0x0;
	s20 =	rddreg [dreg:$0x5];
	[sflag:s3] =	ssyncadd.s32 $0xFFFFFB1E  }
0x1c: {  	[tilespmem:s19], [sflag:$0x3] =	stream.linear.gather [hbm4b:s20+s19], $0x800, $0x38;
	[tilespmem:$0x13310] =	vst v63  }
0x1d: {  	_ =	swait.ge [sflag:s3], $0x800  }
0x1e: {  	[sflag:s3] =	ssyncset.done $0x0  }
0x1f: {  	s22 =	simm.s32 $0x2F10;
	s29 =	simm.s32 $0x3110;
	[sflag:s3] =	ssyncadd.s32 $0xFFFFF800  }
0x20: {  	s15 =	simm.s32 $0x0;
	s30 =	simm.s32 $0x0;
	[bflag:$0x0] =	sbarrier.arrive $0xFFFF  }
0x21: {  	s31 =	simm.s32 $0x0;
	s12 =	simm.s32 $0x0;
	_ =	strace $0x80000048  }
0x22: {  	s16 =	simm.s32 $0x1;
	s8 =	simm.s32 $0x0;
	s21 =	rddreg [dreg:$0xa]  }
0x23: {  	[tilespmem:s22], [sflag:$0x3] =	stream.linear.gather [hbm4b:s21+s19], $0x100, $0x200038;
	[tilespmem:$0x13310] =	vst v63  }
0x24: {  	s0 =	simm.s32 $0x0;
	s3 =	simm.s32 $0x0;
	s23 =	rddreg [dreg:$0xb]  }
0x25: {  	[tilespmem:s29], [sflag:$0x5] =	stream.linear.gather [hbm4b:s23+s19], $0x100, $0x200038;
	[tilespmem:$0x13310] =	vst v63  }
0x26: {  	s22 =	simm.s32 $0x1;
	s23 =	simm.s32 $0x0;
	_ =	strace $0x90000048  }
.LBB2_2:
0x27: {  	s18 =	sadd.s32 $0x1, s15  }
0x28: {  	p0 =	seq.s32 s18, s14  }
0x29: {  	s18 =	simm.s32 @p0 $0x0;
	p0 =	sge.u32 s8, s17  }
0x2a: {  	p1 =	seq.s32 @!p0 s15, s18  }
0x2b: {  	p2 =	por p1, p0  }
0x2c: {  	s13 =	sadd.s32 @!p2 s11, s18  }
0x2d: {  	s19 =	sand.u32 @!p2 $0x1, s16;
	_ =	strace @!p2 $0x80000049;
	s13 =	sshll.u32 @!p2 s13, $0x5  }
0x2e: {  	s29 =	simm.s32 @!p2 $0x0;
	s20 =	sshll.u32 @!p2 s19, $0x8;
	s13 =	sand.u32 @!p2 $0x1FFFFFE0, s13  }
0x2f: {  	s19 =	sadd.s32 @!p2 $0x3, s19;
	s20 =	sadd.s32 @!p2 $0x2F10, s20;
	s21 =	sadd.s32 @!p2 s6, s13  }
0x30: {  	[tilespmem:s20], [sflag:s19] =	stream.linear.gather @!p2 [hbm4b:s21+s29], $0x100, $0x200038;
	[tilespmem:$0x13310] =	vst v63  }
0x31: {  	s19 =	sand.u32 @!p2 $0x1, s22  }
0x32: {  	s13 =	sadd.s32 @!p2 s7, s13;
	_ =	strace @!p2 $0x90000049;
	s20 =	sshll.u32 @!p2 s19, $0x8  }
0x33: {  	s19 =	sadd.s32 @!p2 $0x5, s19;
	_ =	strace @!p2 $0x8000004A;
	s20 =	sadd.s32 @!p2 $0x3110, s20  }
0x34: {  	[tilespmem:s20], [sflag:s19] =	stream.linear.gather @!p2 [hbm4b:s13+s29], $0x100, $0x200038;
	[tilespmem:$0x13310] =	vst v63  }
0x35: {  	s19 =	sand.u32 $0x1, s23;
	_ =	strace @!p2 $0x9000004A  }
0x36: {  	s13 =	sadd.s32 $0x3, s19;
	_ =	strace $0x8000004B  }
0x37: {  	_ =	swait.ge [sflag:s13], $0x100  }
0x38: {  	[sflag:s13] =	ssyncset.done $0x0  }
0x39: {  	[sflag:s13] =	ssyncadd.s32 $0xFFFFFF00  }
0x3a: {  	s20 =	sand.u32 $0x1, s3;
	_ =	strace $0x9000004B  }
0x3b: {  	s13 =	sadd.s32 $0x5, s20;
	_ =	strace $0x8000004C  }
0x3c: {  	_ =	swait.ge [sflag:s13], $0x100  }
0x3d: {  	s1 =	sshll.u32 s3, $0x8;
	s21 =	sshll.u32 s23, $0x8;
	[sflag:s13] =	ssyncset.done $0x0  }
0x3e: {  	s5 =	sand.u32 $0x100, s1;
	s19 =	sand.u32 $0x100, s21;
	[sflag:s13] =	ssyncadd.s32 $0xFFFFFF00  }
0x3f: {  	s29 =	sadd.s32 $0x2F10, s19;
	s13 =	sand.u32 $0x1, s0;
	_ =	strace $0x9000004C  }
0x40: {  	s20 =	sand.u32 $0x1, s31;
	s9 =	sshll.u32 s13, $0xE;
	_ =	strace $0x8000004D  }
0x41: {  	s10 =	sshll.u32 s20, $0xE;
	s21 =	sor.u32 $0x3310, s9;
	s2 =	rddreg [dreg:$0x0]  }
0x42: {  	[tilespmem:s21], [sflag:$0x1] =	stream.indirect.gather [hbm4b:s2+s24], $0x40, s29, s24, $0x2000b8;
	[tilespmem:$0x13310] =	vst v63  }
0x43: {  	s1 =	sadd.s32 $0x3110, s5;
	s4 =	rddreg [dreg:$0x1];
	s29 =	sor.u32 $0xB310, s10  }
0x44: {  	[tilespmem:s29], [sflag:$0x2] =	stream.indirect.gather [hbm4b:s4+s24], $0x40, s1, s24, $0x2000b8;
	[tilespmem:$0x13310] =	vst v63  }
0x45: {  	s19 =	sadd.s32 $0x2F90, s19;
	s9 =	sadd.s32 $0x5310, s9  }
0x46: {  	[tilespmem:s9], [sflag:$0x1] =	stream.indirect.gather [hbm4b:s2+s24], $0x40, s19, s24, $0x2000b8;
	[tilespmem:$0x13310] =	vst v63  }
0x47: {  	s5 =	sadd.s32 $0x3190, s5;
	s2 =	sadd.s32 $0xD310, s10  }
0x48: {  	[tilespmem:s2], [sflag:$0x2] =	stream.indirect.gather [hbm4b:s4+s24], $0x40, s5, s24, $0x2000b8;
	[tilespmem:$0x13310] =	vst v63  }
0x49: {  	s19 =	simm.s32 $0x0;
	s10 =	rddreg [dreg:$0x3]  }
0x4a: {  	[spmem:s10] =	stream.indirect.scatter.add.f32 [tilespmem:s19], [sflag:$0xB], $0x10, s1, s24, $0x2000b8;
	[tilespmem:$0x13310] =	vst v63  }
0x4b: {  	_ =	swait.ge [sflag:s25], $0x800  }
0x4c: {  	[sflag:s25] =	ssyncset.done $0x0  }
0x4d: {  	[sflag:s25] =	ssyncadd.s32 $0xFFFFF800  }
0x4e: {  	[spmem:s10] =	stream.indirect.scatter.add.f32 [tilespmem:s19], [sflag:$0xB], $0x10, s5, s24, $0x2000b8;
	[tilespmem:$0x13310] =	vst v63  }
0x4f: {  	_ =	swait.ge [sflag:s25], $0x800  }
0x50: {  	[sflag:s25] =	ssyncset.done $0x0  }
0x51: {  	[sflag:s25] =	ssyncadd.s32 $0xFFFFF800  }
0x52: {  	_ =	swait.ge [sflag:s26], $0x2000  }
0x53: {  	[sflag:s26] =	ssyncset.done $0x0  }
0x54: {  	[sflag:s26] =	ssyncadd.s32 $0xFFFFE000  }
0x55: {  	_ =	swait.ge [sflag:s28], $0x2000  }
0x56: {  	[sflag:s28] =	ssyncset.done $0x0  }
0x57: {  	[sflag:s28] =	ssyncadd.s32 $0xFFFFE000  }
0x58: {  	_ =	swait.ge [sflag:s26], $0x2000  }
0x59: {  	[sflag:s26] =	ssyncset.done $0x0  }
0x5a: {  	[sflag:s26] =	ssyncadd.s32 $0xFFFFE000  }
0x5b: {  	p3 =	seq.s32 s17, s8;
	_ =	swait.ge [sflag:s28], $0x2000  }
0x5c: {  	p4 =	seq.s32 @!p3 s15, s18;
	[sflag:s28] =	ssyncset.done $0x0  }
0x5d: {  	p3 =	por p3, !p4;
	[sflag:s28] =	ssyncadd.s32 $0xFFFFE000  }
0x5e: {  	s1 =	sadd.s32 @p3 s11, s15;
	_ =	strace $0x9000004D  }
0x5f: {  	s1 =	sshll.u32 @p3 s1, $0xB;
	_ =	strace @p3 $0x8000004E  }
0x60: {  	s1 =	sand.u32 @p3 $0x1FFFF800, s1;
	s2 =	rddreg @p3 [dreg:$0x6]  }
0x61: {  	s5 =	sadd.s32 @p3 $0x7, s13;
	s9 =	sadd.s32 @p3 s2, s1;
	s2 =	simm.s32 @p3 $0x0  }
0x62: {  	[hbm4b:s9+s2] =	stream.linear.scatter @p3 [tilespmem:s21], [sflag:s5], $0x4000, $0x200038;
	[tilespmem:$0x13310] =	vst v63  }
0x63: {  	_ =	strace @p3 $0x9000004E  }
0x64: {  	_ =	strace @p3 $0x8000004F  }
0x65: {  	p1 =	por !p1, p0;
	s4 =	rddreg @p3 [dreg:$0x7]  }
0x66: {  	s0 =	sadd.s32 @p3 $0x1, s0;
	s5 =	sadd.s32 @p3 $0x9, s20;
	s1 =	sadd.s32 @p3 s4, s1  }
0x67: {  	[hbm4b:s1+s2] =	stream.linear.scatter @p3 [tilespmem:s29], [sflag:s5], $0x4000, $0x200038;
	[tilespmem:$0x13310] =	vst v63  }
0x68: {  	s19 =	simm.s32 @p3 $0x1;
	_ =	strace @p3 $0x9000004F;
	p3 =	seq.s32 s8, $0x0  }
0x69: {  	s15 =	smov.u32 s18;
	s10 =	smov.u32 s16;
	s1 =	sand.u32 @!p3 $0x1, s12  }
0x6a: {  	s31 =	sadd.s32 s31, s19;
	_ =	strace @!p3 $0x80000050;
	s1 =	sadd.s32 @!p3 $0x7, s1  }
0x6b: {  	s23 =	sadd.s32 s23, s19;
	s5 =	sadd.s32 @!p2 $0x1, s16;
	_ =	swait.ge @!p3 [sflag:s1], $0x4000  }
0x6c: {  	s10 =	smov.u32 @p1 s5;
	s8 =	sadd.s32 $0x1, s8;
	[sflag:s1] =	ssyncset.done @!p3 $0x0  }
0x6d: {  	s9 =	sand.u32 @!p3 $0x1, s30;
	[sflag:s1] =	ssyncadd.s32 @!p3 $0xFFFFC000;
	s1 =	simm.s32 $0x0  }
0x6e: {  	s10 =	smov.u32 @p0 s16;
	s13 =	sadd.s32 @!p3 $0x1, s12;
	s1 =	simm.s32 @p1 $0x1  }
0x6f: {  	_ =	strace @!p3 $0x90000050;
	s1 =	simm.s32 @p0 $0x0;
	p0 =	sne.s32 s14, s8  }
.Ltmp0:
0x70: {  	s9 =	sadd.s32 @!p3 $0x9, s9;
	_ =	strace @!p3 $0x80000051;
	(pc) =	sbr.rel @p0 .LBB2_2-.Ltmp0, $4  }
0x71: {  	s3 =	sadd.s32 s3, s19;
	s13 =	smov.u32 @p3 s12;
	_ =	swait.ge @!p3 [sflag:s9], $0x4000  }
0x72: {  	s22 =	sadd.s32 s22, s1;
	s1 =	simm.s32 @!p3 $0x1;
	[sflag:s9] =	ssyncset.done @!p3 $0x0  }
0x73: {  	s16 =	smov.u32 s10;
	s1 =	simm.s32 @p3 $0x0;
	[sflag:s9] =	ssyncadd.s32 @!p3 $0xFFFFC000  }
0x74: {  	s12 =	smov.u32 s13;
	s30 =	sadd.s32 s30, s1;
	_ =	strace @!p3 $0x90000051  }
0x75: {  	s0 =	sand.u32 $0x1, s13  }
0x76: {  	_ =	strace $0x80000052;
	s0 =	sadd.s32 $0x7, s0  }
0x77: {  	_ =	swait.ge [sflag:s0], $0x4000  }
0x78: {  	[sflag:s0] =	ssyncset.done $0x0  }
0x79: {  	[sflag:s0] =	ssyncadd.s32 $0xFFFFC000  }
0x7a: {  	s29 =	sand.u32 $0x1, s30;
	_ =	strace $0x90000052  }
0x7b: {  	s0 =	sadd.s32 $0x9, s29;
	_ =	strace $0x80000053  }
0x7c: {  	_ =	swait.ge [sflag:s0], $0x4000  }
0x7d: {  	[sflag:s0] =	ssyncset.done $0x0  }
0x7e: {  	[sflag:s0] =	ssyncadd.s32 $0xFFFFC000  }
0x7f: {  	_ =	strace $0x90000053  }
0x80: {  	[bflag:$0x0] =	sbarrier.arrive $0xFFFF  }
0x81: {  	s1 =	rddreg [dreg:$0x9]  }
0x82: {  	s30 =	rddreg [dreg:$0xc]  }
0x83: {  	s3 =	simm.s32 $0x3;
	s2 =	rddreg [dreg:$0xe]  }
0x84: {  	[hbm:s30], [sflag:s1] =	dma.local [spmem:s2], $0x4E2  }
0x85: {  	_ =	swait.ge [sflag:s3], $0x4E2  }
0x86: {  	s4 =	rddreg [dreg:$0xf]  }
0x87: {  	s31 =	rddreg [dreg:$0xd];
	s4 =	sadd.s32 $0x1, s4  }
0x88: {  	p0 =	sne.s32 s4, s31  }
.Ltmp1:
0x89: {  	_ = 	snop;
	(pc) =	sbr.rel @p0 .LBB2_1-.Ltmp1, $3  }
0x8a: {  	_ =	sdelay $0x1  }
0x8b: {  	[sflag:s3] =	ssyncset.done $0x0  }
0x8c: {  	[sflag:s3] =	ssyncadd.s32 $0xFFFFFB1E  }
0x8d: {  	_ =	sfence.sel $0x180000  }
0x8e: {  	[bflag:$0x0] =	sbarrier.arrive $0xFFFF  }
0x8f: {  	_ =	strace $0x90000047  }
0x90: {  	s0 =	stileid.u32;
	[bflag:$0x2] =	sbarrier.arrive $0xFFFF  }
0x91: {  	p0 =	sne.s32 s0, $0x0;
	s0 =	rddreg [dreg:$0x4]  }
0x92: {  	s0 =	sadd.s32 @!p0 $0x100000, s0  }
0x93: {  	[sflag:s0] =	ssyncadd.tile.s32 @!p0 $0x1;
	_ =	shalt  }
.Lfunc_end2:
_tile_overlayer_lowered:
.L_overlay_start_2:
0x94: {  	(tag) =	ssettag $0x2  }
0x95: {  	s0 =	rddreg [dreg:$0x0];
	s2 =	stileid.u32  }
0x96: {  	s1 =	rddreg [dreg:$0x1];
	p0 =	sne.s32 s2, $0x0  }
0x97: {  	s3 =	rddreg [dreg:$0x2];
	[bflag:$0x3] =	sbarrier.arrive $0xFFFF;
	s2 =	simm.s32 @!p0 $0x1C03  }
0x98: {  	[timem:s3], [sflag:s2] =	dma.local @!p0 [hbm:s0], s1  }
0x99: {  	s0 =	simm.s32 @!p0 $0x3  }
0x9a: {  	_ =	swait.ge @!p0 [sflag:s0], s1  }
0x9b: {  	s1 =	ssub.s32 @!p0 $0x0, s1;
	[sflag:s0] =	ssyncset.done @!p0 $0x0  }
0x9c: {  	[sflag:s0] =	ssyncadd.s32 @!p0 s1  }
0x9d: {  	[bflag:$0x3] =	sbarrier.arrive $0xFFFF  }
0x9e: {  	_ =	shalt  }

</sc_bundles>
